<compile_context>
chip_gen: v7x
topology: tpu7x:2x2x1
jax: 0.10.2.dev20260603
libtpu: 0.0.44.dev20260713+nightly
codegen_flags: <defaults>
</compile_context>

<pallas_src>
import functools

import jax
import jax.numpy as jnp
from jax import lax
from jax.experimental import pallas as pl
from jax.experimental.pallas import tpu as pltpu
from jax.experimental.pallas import tpu_sc as plsc

NC = 2
NS = 16
NW = NC * NS
CHUNK = 80



def _segsum_body(n, ew, nch, stripe,
                 edge_hbm, recv_hbm, zeros_hbm, out_hbm,
                 idx0, idx1, idx2, idx3, rows0, rows1, rows2, rows3, acc_sh,
                 lsem0, lsem1, lsem2, lsem3, ssem0, ssem1, ssem2, ssem3):
    c = lax.axis_index("c")
    s = lax.axis_index("s")
    wid = c * NS + s
    last = stripe * (NS - 1)
    rest = n - last

    @pl.when(s < NS - 1)
    def _():
        b = pl.multiple_of(s * stripe, 8)
        pltpu.sync_copy(zeros_hbm.at[pl.ds(b, stripe)],
                        acc_sh.at[pl.ds(b, stripe)])

    @pl.when(s == NS - 1)
    def _():
        pltpu.sync_copy(zeros_hbm.at[pl.ds(last, rest)],
                        acc_sh.at[pl.ds(last, rest)])

    plsc.subcore_barrier()
    base_e = pl.multiple_of(wid * ew, CHUNK)
    rows = [(idx0, rows0, lsem0, ssem0), (idx1, rows1, lsem1, ssem1),
            (idx2, rows2, lsem2, ssem2), (idx3, rows3, lsem3, ssem3)]

    def load(i, sl):
        iv, rv, lsem, _ = rows[sl]
        b = pl.multiple_of(base_e + i * CHUNK, CHUNK)
        pltpu.async_copy(recv_hbm.at[pl.ds(b, CHUNK)], iv, lsem)
        pltpu.async_copy(edge_hbm.at[pl.ds(b, CHUNK)], rv, lsem)

    def wait_load(sl):
        iv, rv, lsem, _ = rows[sl]
        pltpu.make_async_copy(recv_hbm.at[pl.ds(0, CHUNK)], iv, lsem).wait()
        pltpu.make_async_copy(edge_hbm.at[pl.ds(0, CHUNK)], rv, lsem).wait()

    def scatter(i, sl):
        iv, rv, _, ssem = rows[sl]
        pltpu.async_copy(rv, acc_sh.at[iv], ssem, add=True)

    def wait_scatter(sl):
        iv, rv, _, ssem = rows[sl]
        pltpu.make_async_copy(rv, acc_sh.at[iv], ssem).wait()

    load(0, 0)
    load(1, 1)

    def group(j, carry):
        for s4 in range(4):
            cc = 4 * j + s4

            @pl.when(cc + 2 < nch)
            def _():
                @pl.when(cc >= 2)
                def _():
                    wait_scatter((s4 + 2) % 4)
                load(cc + 2, (s4 + 2) % 4)

            wait_load(s4)
            scatter(cc, s4)
        return carry

    lax.fori_loop(0, nch // 4, group, 0)
    for s4 in range(nch % 4):
        cc = (nch // 4) * 4 + s4
        wait_load(s4)
        scatter(cc, s4)
    for s4 in range(4):
        wait_scatter(s4)
    plsc.subcore_barrier()

    base_o = pl.multiple_of(c * n, 8)

    @pl.when(s < NS - 1)
    def _():
        b = pl.multiple_of(s * stripe, 8)
        pltpu.sync_copy(acc_sh.at[pl.ds(b, stripe)],
                        out_hbm.at[pl.ds(base_o + b, stripe)])

    @pl.when(s == NS - 1)
    def _():
        pltpu.sync_copy(acc_sh.at[pl.ds(last, rest)],
                        out_hbm.at[pl.ds(base_o + last, rest)])


def _segsum(edge_attr, receivers, zeros):
    e, h = edge_attr.shape
    n = zeros.shape[0]
    ew = e // NW
    nch = ew // CHUNK
    stripe = (n // NS) // 8 * 8
    mesh = plsc.VectorSubcoreMesh(core_axis_name="c", subcore_axis_name="s")
    k = pl.kernel(
        functools.partial(_segsum_body, n, ew, nch, stripe),
        out_type=jax.ShapeDtypeStruct((NC * n, h), jnp.float32),
        mesh=mesh,
        scratch_types=(
            [pltpu.VMEM((CHUNK,), jnp.int32)] * 4
            + [pltpu.VMEM((CHUNK, h), jnp.float32)] * 4
            + [pltpu.VMEM_SHARED((n, h), jnp.float32)]
            + [pltpu.SemaphoreType.DMA] * 8
        ),
    )
    return k(edge_attr, receivers, zeros)


def _gather_body(ew, nch,
                 xa_hbm, xb_hbm, snd_hbm, rcv_hbm, g_hbm,
                 idxs_all, idxr_all,
                 bufa0, bufb0, bufa1, bufb1, bufa2, bufb2, bufa3, bufb3,
                 gsem0, gsem1, gsem2, gsem3, wsem0, wsem1, wsem2, wsem3):
    c = lax.axis_index("c")
    s = lax.axis_index("s")
    wid = c * NS + s
    base_e = pl.multiple_of(wid * ew, CHUNK)

    bufs = [(bufa0, bufb0, gsem0, wsem0), (bufa1, bufb1, gsem1, wsem1),
            (bufa2, bufb2, gsem2, wsem2), (bufa3, bufb3, gsem3, wsem3)]

    pltpu.sync_copy(snd_hbm.at[pl.ds(base_e, ew)], idxs_all)
    pltpu.sync_copy(rcv_hbm.at[pl.ds(base_e, ew)], idxr_all)

    def islice(ref, i):
        return ref.at[pl.ds(pl.multiple_of(i * CHUNK, CHUNK), CHUNK)]

    def issue(i, sl):
        ba, bb, gsem, _ = bufs[sl]
        pltpu.async_copy(xa_hbm.at[islice(idxs_all, i)], ba, gsem)
        pltpu.async_copy(xb_hbm.at[islice(idxr_all, i)], bb, gsem)

    def wait_gather(sl):
        ba, bb, gsem, _ = bufs[sl]
        pltpu.make_async_copy(xa_hbm.at[pl.ds(0, CHUNK)], ba, gsem).wait()
        pltpu.make_async_copy(xb_hbm.at[pl.ds(0, CHUNK)], bb, gsem).wait()

    def add_wb(i, sl):
        ba, bb, _, wsem = bufs[sl]

        def row(j, carry2):
            for kk in range(8):
                plsc.addupdate(ba.at[j, pl.ds(kk * 16, 16)],
                               bb[j, pl.ds(kk * 16, 16)])
            return carry2

        lax.fori_loop(0, CHUNK, row, 0)
        b = pl.multiple_of(base_e + i * CHUNK, CHUNK)
        pltpu.async_copy(ba, g_hbm.at[pl.ds(b, CHUNK)], wsem)

    def wait_wb(sl):
        ba, _, _, wsem = bufs[sl]
        pltpu.make_async_copy(ba, g_hbm.at[pl.ds(0, CHUNK)], wsem).wait()

    issue(0, 0)
    issue(1, 1)

    def group(j, carry):
        for s4 in range(4):
            cc = 4 * j + s4

            @pl.when(cc + 2 < nch)
            def _():
                @pl.when(cc >= 2)
                def _():
                    wait_wb((s4 + 2) % 4)
                issue(cc + 2, (s4 + 2) % 4)

            wait_gather(s4)
            add_wb(cc, s4)
        return carry

    lax.fori_loop(0, nch // 4, group, 0)
    for s4 in range(nch % 4):
        cc = (nch // 4) * 4 + s4
        wait_gather(s4)
        add_wb(cc, s4)
    for s4 in range(4):
        wait_wb(s4)


def _gather_add(xa, xb, senders, receivers):
    n, h = xa.shape
    e = senders.shape[0]
    ew = e // NW
    nch = ew // CHUNK
    mesh = plsc.VectorSubcoreMesh(core_axis_name="c", subcore_axis_name="s")
    k = pl.kernel(
        functools.partial(_gather_body, ew, nch),
        out_type=jax.ShapeDtypeStruct((e, h), jnp.float32),
        mesh=mesh,
        scratch_types=(
            [pltpu.VMEM((ew,), jnp.int32)] * 2
            + [pltpu.VMEM((CHUNK, h), jnp.float32)] * 8
            + [pltpu.SemaphoreType.DMA] * 8
        ),
    )
    return k(xa, xb, senders, receivers)



def _layer_norm(hh, gamma, beta):
    mu = jnp.mean(hh, axis=-1, keepdims=True)
    var = jnp.mean((hh - mu) ** 2, axis=-1, keepdims=True)
    return (hh - mu) * lax.rsqrt(var + 1e-5) * gamma + beta


def _cell_body(x_ref, na_ref, agg0_ref, agg1_ref,
               w1a_ref, w1b_ref, b1_ref, w2_ref, b2_ref, w3_ref, b3_ref,
               g_ref, bt_ref, ew1a_ref, ew1b_ref,
               xout_ref, xa_ref, xb_ref):
    f32 = jnp.float32
    agg = agg0_ref[...] + agg1_ref[...]
    nb = jnp.dot(na_ref[...], w1b_ref[...], preferred_element_type=f32) + b1_ref[...]

    def mlp(xin):
        hh = jax.nn.silu(
            jnp.dot(xin + agg, w1a_ref[...], preferred_element_type=f32) + nb)
        hh = jax.nn.silu(
            jnp.dot(hh, w2_ref[...], preferred_element_type=f32) + b2_ref[...])
        hh = jnp.dot(hh, w3_ref[...], preferred_element_type=f32) + b3_ref[...]
        return _layer_norm(hh, g_ref[...], bt_ref[...])

    x0 = x_ref[...]
    x2 = mlp(mlp(x0))
    xout_ref[...] = x0 + x2
    xa_ref[...] = jnp.dot(x2, ew1a_ref[...], preferred_element_type=f32)
    xb_ref[...] = jnp.dot(x2, ew1b_ref[...], preferred_element_type=f32)


def _cell(x, node_attr, aggp, cb_W1, cb_b1, cb_W2, cb_b2, cb_W3, cb_b3,
          cb_g, cb_bt, eb_W1):
    n, h = x.shape
    hn = node_attr.shape[1]
    w1a, w1b = cb_W1[:h], cb_W1[h:]
    ew1a, ew1b = eb_W1[:h], eb_W1[h:2 * h]
    row = lambda v: v.reshape(1, h)
    r = 2000
    blk = pl.BlockSpec((r, h), lambda i: (i, 0))
    nblk = pl.BlockSpec((r, hn), lambda i: (i, 0))
    a1blk = pl.BlockSpec((r, h), lambda i: (i + n // r, 0))
    wspec = lambda rows: pl.BlockSpec((rows, h), lambda i: (0, 0))
    out = pl.pallas_call(
        _cell_body,
        grid=(n // r,),
        in_specs=[blk, nblk, blk, a1blk, wspec(h), wspec(hn), wspec(1),
                  wspec(h), wspec(1), wspec(h), wspec(1), wspec(1), wspec(1),
                  wspec(h), wspec(h)],
        out_specs=[blk] * 3,
        out_shape=[jax.ShapeDtypeStruct((n, h), jnp.float32)] * 3,
    )(x, node_attr, aggp, aggp, w1a, w1b, row(cb_b1), cb_W2, row(cb_b2),
      cb_W3, row(cb_b3), row(cb_g), row(cb_bt), ew1a, ew1b)
    return out


def _edge_body(g_ref, e_ref, w1c_ref, b1_ref, w2_ref, b2_ref, w3_ref, b3_ref,
               gm_ref, bt_ref, out_ref):
    f32 = jnp.float32
    e0 = e_ref[...]
    hh = jax.nn.silu(
        g_ref[...] + jnp.dot(e0, w1c_ref[...], preferred_element_type=f32)
        + b1_ref[...])
    hh = jax.nn.silu(
        jnp.dot(hh, w2_ref[...], preferred_element_type=f32) + b2_ref[...])
    hh = jnp.dot(hh, w3_ref[...], preferred_element_type=f32) + b3_ref[...]
    out_ref[...] = e0 + _layer_norm(hh, gm_ref[...], bt_ref[...])


def _edge(g, edge_attr, eb_W1, eb_b1, eb_W2, eb_b2, eb_W3, eb_b3, eb_g, eb_bt):
    e, h = edge_attr.shape
    r = 8000
    w1c = eb_W1[2 * h:]
    row = lambda v: v.reshape(1, h)
    blk = pl.BlockSpec((r, h), lambda i: (i, 0))
    wspec = pl.BlockSpec((h, h), lambda i: (0, 0))
    bspec = pl.BlockSpec((1, h), lambda i: (0, 0))
    return pl.pallas_call(
        _edge_body,
        grid=(e // r,),
        in_specs=[blk, blk, wspec, bspec, wspec, bspec, wspec, bspec,
                  bspec, bspec],
        out_specs=blk,
        out_shape=jax.ShapeDtypeStruct((e, h), jnp.float32),
    )(g, edge_attr, w1c, row(eb_b1), eb_W2, row(eb_b2), eb_W3, row(eb_b3),
      row(eb_g), row(eb_bt))



def kernel(x, edge_attr, node_attr, edge_index,
           cb_W1, cb_b1, cb_W2, cb_b2, cb_W3, cb_b3, cb_g, cb_bt,
           eb_W1, eb_b1, eb_W2, eb_b2, eb_W3, eb_b3, eb_g, eb_bt):
    senders = edge_index[0]
    receivers = edge_index[1]
    n, h = x.shape
    zeros = jnp.zeros((n, h), jnp.float32)
    aggp = _segsum(edge_attr, receivers, zeros)
    x_out, xa, xb = _cell(x, node_attr, aggp, cb_W1, cb_b1, cb_W2, cb_b2,
                          cb_W3, cb_b3, cb_g, cb_bt, eb_W1)
    g = _gather_add(xa, xb, senders, receivers)
    e_out = _edge(g, edge_attr, eb_W1, eb_b1, eb_W2, eb_b2, eb_W3, eb_b3,
                  eb_g, eb_bt)
    return (x_out, e_out)

# --- scband reference (transcript-rebuilt; emitter-appended) ---
"""Pipeline reference for scband-gn-block-5952824672848 (READ-ONLY COPY).

The authoritative reference and input builder live on the scoring server;
editing this copy changes nothing except your own understanding.
"""

import jax, jax.numpy as jnp
import numpy as np

N = 10000
E = 320000
H = 128
MP_TIMES = 2


def _mlp(h, W1, b1, W2, b2, W3, b3, g, bt):
    # Linear -> SiLU -> Linear -> SiLU -> Linear -> LayerNorm (matches build_mlp with drop_out=False, lay_norm=True, SiLU)
    h = jax.nn.silu(h @ W1 + b1)
    h = jax.nn.silu(h @ W2 + b2)
    h = h @ W3 + b3
    mu = jnp.mean(h, axis=-1, keepdims=True)
    var = jnp.mean((h - mu) ** 2, axis=-1, keepdims=True)
    h = (h - mu) / jnp.sqrt(var + 1e-5)
    return h * g + bt


def setup_inputs(seed: int = 0):
    key = jax.random.key(seed)
    ks = jax.random.split(key, 12)
    inp = {}
    inp["x"] = jax.random.normal(ks[0], (N, H), dtype=jnp.float32)
    inp["edge_attr"] = jax.random.normal(ks[1], (E, H), dtype=jnp.float32)
    inp["node_attr"] = jax.random.normal(ks[2], (N, H // 2), dtype=jnp.float32)
    inp["edge_index"] = jax.random.randint(ks[3], (2, E), 0, N, dtype=jnp.int32)
    # CellBlock MLP: cb_input_dim = hidden + hidden//2 = 192 -> 128 -> 128
    inp["cb_W1"] = jax.random.normal(ks[4], (H + H // 2, H), dtype=jnp.float32) * 0.05
    inp["cb_b1"] = jnp.zeros((H,), dtype=jnp.float32)
    inp["cb_W2"] = jax.random.normal(ks[5], (H, H), dtype=jnp.float32) * 0.05
    inp["cb_b2"] = jnp.zeros((H,), dtype=jnp.float32)
    inp["cb_W3"] = jax.random.normal(ks[6], (H, H), dtype=jnp.float32) * 0.05
    inp["cb_b3"] = jnp.zeros((H,), dtype=jnp.float32)
    inp["cb_g"] = jnp.ones((H,), dtype=jnp.float32)
    inp["cb_bt"] = jnp.zeros((H,), dtype=jnp.float32)
    # EdgeBlock MLP: eb_input_dim = 3*hidden = 384 -> 128 -> 128
    inp["eb_W1"] = jax.random.normal(ks[7], (3 * H, H), dtype=jnp.float32) * 0.05
    inp["eb_b1"] = jnp.zeros((H,), dtype=jnp.float32)
    inp["eb_W2"] = jax.random.normal(ks[8], (H, H), dtype=jnp.float32) * 0.05
    inp["eb_b2"] = jnp.zeros((H,), dtype=jnp.float32)
    inp["eb_W3"] = jax.random.normal(ks[9], (H, H), dtype=jnp.float32) * 0.05
    inp["eb_b3"] = jnp.zeros((H,), dtype=jnp.float32)
    inp["eb_g"] = jnp.ones((H,), dtype=jnp.float32)
    inp["eb_bt"] = jnp.zeros((H,), dtype=jnp.float32)
    return inp


def reference(x, edge_attr, node_attr, edge_index,
              cb_W1, cb_b1, cb_W2, cb_b2, cb_W3, cb_b3, cb_g, cb_bt,
              eb_W1, eb_b1, eb_W2, eb_b2, eb_W3, eb_b3, eb_g, eb_bt):
    senders = edge_index[0]
    receivers = edge_index[1]
    x0 = x
    e0 = edge_attr
    # CellBlock: mp_times rounds of edge->cell scatter-add aggregation + MLP update
    for _ in range(MP_TIMES):
        agg = jax.ops.segment_sum(edge_attr, receivers, num_segments=x.shape[0])
        x = _mlp(jnp.concatenate([x + agg, node_attr], axis=-1),
                 cb_W1, cb_b1, cb_W2, cb_b2, cb_W3, cb_b3, cb_g, cb_bt)
    # EdgeBlock: gather endpoint cell features + edge features -> MLP
    collected = jnp.concatenate([x[senders], x[receivers], edge_attr], axis=-1)
    e = _mlp(collected, eb_W1, eb_b1, eb_W2, eb_b2, eb_W3, eb_b3, eb_g, eb_bt)
    # GnBlock residuals (copy_geometric_data semantics)
    return (x0 + x, e0 + e)

if __name__ == "__main__":
    import jax
    _d = setup_inputs()
    print(jax.jit(kernel)(*tuple(_d.values())))

</pallas_src>

<mosaic_0001>
#map = affine_map<(d0, d1) -> (0, 0)>
#map1 = affine_map<(d0, d1) -> (0)>
module attributes {stable_mosaic.version = 14 : i64} {
  func.func @_segsum_body(%arg0: i32, %arg1: i32, %arg2: memref<320000x128xf32, #tpu.memory_space<hbm>>, %arg3: memref<320000xi32, #tpu.memory_space<hbm>>, %arg4: memref<10000x128xf32, #tpu.memory_space<hbm>>, %arg5: memref<20000x128xf32, #tpu.memory_space<hbm>>, %arg6: memref<80xi32, #tpu.memory_space<vmem>>, %arg7: memref<80xi32, #tpu.memory_space<vmem>>, %arg8: memref<80xi32, #tpu.memory_space<vmem>>, %arg9: memref<80xi32, #tpu.memory_space<vmem>>, %arg10: memref<80x128xf32, #tpu.memory_space<vmem>>, %arg11: memref<80x128xf32, #tpu.memory_space<vmem>>, %arg12: memref<80x128xf32, #tpu.memory_space<vmem>>, %arg13: memref<80x128xf32, #tpu.memory_space<vmem>>, %arg14: memref<10000x128xf32, #tpu.memory_space<vmem_shared>>, %arg15: memref<!tpu.dma_semaphore, #tpu.memory_space<semaphore_mem>>, %arg16: memref<!tpu.dma_semaphore, #tpu.memory_space<semaphore_mem>>, %arg17: memref<!tpu.dma_semaphore, #tpu.memory_space<semaphore_mem>>, %arg18: memref<!tpu.dma_semaphore, #tpu.memory_space<semaphore_mem>>, %arg19: memref<!tpu.dma_semaphore, #tpu.memory_space<semaphore_mem>>, %arg20: memref<!tpu.dma_semaphore, #tpu.memory_space<semaphore_mem>>, %arg21: memref<!tpu.dma_semaphore, #tpu.memory_space<semaphore_mem>>, %arg22: memref<!tpu.dma_semaphore, #tpu.memory_space<semaphore_mem>>) attributes {dimension_semantics = [#tpu.dimension_semantics<core_parallel>, #tpu.dimension_semantics<subcore_parallel>], iteration_bounds = array<i64: 2, 16>, scalar_prefetch = 0 : i64, scratch_operands = 17 : i64, tpu.core_type = #tpu.core_type<sc_vector_subcore>, window_params = [{transform_indices = #map}, {transform_indices = #map1}, {transform_indices = #map}, {transform_indices = #map}]} {
    %mul3A = arith.constant 16 : i32
    %mul3A_0 = arith.muli %arg0, %mul3A : i32
    %add3A = arith.addi %mul3A_0, %arg1 : i32
    %lt3A = arith.constant 15 : i32
    %lt3A_1 = arith.cmpi slt, %arg1, %lt3A : i32
    %convert_element_type3A = arith.extui %lt3A_1 : i1 to i32
    %cond3A = arith.constant 0 : i32
    %cond3A_2 = arith.cmpi ne, %convert_element_type3A, %cond3A : i32
    scf.if %cond3A_2 {
      %mul3A_69 = arith.constant 624 : i32
      %mul3A_70 = arith.muli %arg1, %mul3A_69 : i32
      %multiple_of3A_71 = tpu.assume_multiple %mul3A_70, 8 : i32
      "tpu.region"() ({
        %run_scoped3A = tpu.sem_alloc : memref<!tpu.dma_semaphore, #tpu.memory_space<semaphore_mem>>
        %dma_start3A_72 = arith.constant 0 : i32
        %dma_start3A_73 = tpu.memref_slice %arg14[%multiple_of3A_71, %dma_start3A_72] : memref<10000x128xf32, #tpu.memory_space<vmem_shared>> -> memref<624x128xf32, #tpu.memory_space<vmem_shared>>
        %dma_start3A_74 = arith.constant 0 : i32
        %dma_start3A_75 = tpu.memref_slice %arg4[%multiple_of3A_71, %dma_start3A_74] : memref<10000x128xf32, #tpu.memory_space<hbm>> -> memref<624x128xf32, #tpu.memory_space<hbm>>
        tpu.enqueue_dma source(%dma_start3A_75 : memref<624x128xf32, #tpu.memory_space<hbm>>) target(%dma_start3A_73 : memref<624x128xf32, #tpu.memory_space<vmem_shared>>) target_semaphore(%run_scoped3A : memref<!tpu.dma_semaphore, #tpu.memory_space<semaphore_mem>>)
        %dma_wait3A_76 = arith.constant 0 : i32
        %dma_wait3A_77 = tpu.memref_slice %arg14[%multiple_of3A_71, %dma_wait3A_76] : memref<10000x128xf32, #tpu.memory_space<vmem_shared>> -> memref<624x128xf32, #tpu.memory_space<vmem_shared>>
        %dma_wait3A_78 = arith.constant 0 : i32
        %dma_wait3A_79 = tpu.memref_slice %arg4[%multiple_of3A_71, %dma_wait3A_78] : memref<10000x128xf32, #tpu.memory_space<hbm>> -> memref<624x128xf32, #tpu.memory_space<hbm>>
        tpu.wait_dma2 semaphore(%run_scoped3A : memref<!tpu.dma_semaphore, #tpu.memory_space<semaphore_mem>>) src(%dma_wait3A_79 : memref<624x128xf32, #tpu.memory_space<hbm>>) dst(%dma_wait3A_77 : memref<624x128xf32, #tpu.memory_space<vmem_shared>>)
        tpu.yield
      }) : () -> ()
    } else {
    }
    %eq3A = arith.constant 15 : i32
    %eq3A_3 = arith.cmpi eq, %arg1, %eq3A : i32
    %convert_element_type3A_4 = arith.extui %eq3A_3 : i1 to i32
    %cond3A_5 = arith.constant 0 : i32
    %cond3A_6 = arith.cmpi ne, %convert_element_type3A_4, %cond3A_5 : i32
    scf.if %cond3A_6 {
      "tpu.region"() ({
        %run_scoped3A = tpu.sem_alloc : memref<!tpu.dma_semaphore, #tpu.memory_space<semaphore_mem>>
        %dma_start3A_69 = arith.constant 9360 : i32
        %dma_start3A_70 = arith.constant 0 : i32
        %dma_start3A_71 = tpu.memref_slice %arg14[%dma_start3A_69, %dma_start3A_70] : memref<10000x128xf32, #tpu.memory_space<vmem_shared>> -> memref<640x128xf32, #tpu.memory_space<vmem_shared>>
        %dma_start3A_72 = arith.constant 9360 : i32
        %dma_start3A_73 = arith.constant 0 : i32
        %dma_start3A_74 = tpu.memref_slice %arg4[%dma_start3A_72, %dma_start3A_73] : memref<10000x128xf32, #tpu.memory_space<hbm>> -> memref<640x128xf32, #tpu.memory_space<hbm>>
        tpu.enqueue_dma source(%dma_start3A_74 : memref<640x128xf32, #tpu.memory_space<hbm>>) target(%dma_start3A_71 : memref<640x128xf32, #tpu.memory_space<vmem_shared>>) target_semaphore(%run_scoped3A : memref<!tpu.dma_semaphore, #tpu.memory_space<semaphore_mem>>)
        %dma_wait3A_75 = arith.constant 9360 : i32
        %dma_wait3A_76 = arith.constant 0 : i32
        %dma_wait3A_77 = tpu.memref_slice %arg14[%dma_wait3A_75, %dma_wait3A_76] : memref<10000x128xf32, #tpu.memory_space<vmem_shared>> -> memref<640x128xf32, #tpu.memory_space<vmem_shared>>
        %dma_wait3A_78 = arith.constant 9360 : i32
        %dma_wait3A_79 = arith.constant 0 : i32
        %dma_wait3A_80 = tpu.memref_slice %arg4[%dma_wait3A_78, %dma_wait3A_79] : memref<10000x128xf32, #tpu.memory_space<hbm>> -> memref<640x128xf32, #tpu.memory_space<hbm>>
        tpu.wait_dma2 semaphore(%run_scoped3A : memref<!tpu.dma_semaphore, #tpu.memory_space<semaphore_mem>>) src(%dma_wait3A_80 : memref<640x128xf32, #tpu.memory_space<hbm>>) dst(%dma_wait3A_77 : memref<640x128xf32, #tpu.memory_space<vmem_shared>>)
        tpu.yield
      }) : () -> ()
    } else {
    }
    %barrier3A = arith.constant 0 : index
    tpu.barrier barrier_id(%barrier3A)
    %mul3A_7 = arith.constant 10000 : i32
    %mul3A_8 = arith.muli %add3A, %mul3A_7 : i32
    %multiple_of3A = tpu.assume_multiple %mul3A_8, 80 : i32
    %add3A_9 = arith.constant 0 : i32
    %add3A_10 = arith.addi %multiple_of3A, %add3A_9 : i32
    %multiple_of3A_11 = tpu.assume_multiple %add3A_10, 80 : i32
    %dma_start3A = tpu.memref_slice %arg3[%multiple_of3A_11] : memref<320000xi32, #tpu.memory_space<hbm>> -> memref<80xi32, #tpu.memory_space<hbm>>
    %dma_start3A_12 = tpu.memref_slice %arg3[%multiple_of3A_11] : memref<320000xi32, #tpu.memory_space<hbm>> -> memref<80xi32, #tpu.memory_space<hbm>>
    tpu.enqueue_dma source(%dma_start3A_12 : memref<80xi32, #tpu.memory_space<hbm>>) target(%arg6 : memref<80xi32, #tpu.memory_space<vmem>>) target_semaphore(%arg15 : memref<!tpu.dma_semaphore, #tpu.memory_space<semaphore_mem>>)
    %dma_start3A_13 = arith.constant 0 : i32
    %dma_start3A_14 = tpu.memref_slice %arg2[%multiple_of3A_11, %dma_start3A_13] : memref<320000x128xf32, #tpu.memory_space<hbm>> -> memref<80x128xf32, #tpu.memory_space<hbm>>
    %dma_start3A_15 = arith.constant 0 : i32
    %dma_start3A_16 = tpu.memref_slice %arg2[%multiple_of3A_11, %dma_start3A_15] : memref<320000x128xf32, #tpu.memory_space<hbm>> -> memref<80x128xf32, #tpu.memory_space<hbm>>
    tpu.enqueue_dma source(%dma_start3A_16 : memref<80x128xf32, #tpu.memory_space<hbm>>) target(%arg10 : memref<80x128xf32, #tpu.memory_space<vmem>>) target_semaphore(%arg15 : memref<!tpu.dma_semaphore, #tpu.memory_space<semaphore_mem>>)
    %add3A_17 = arith.constant 80 : i32
    %add3A_18 = arith.addi %multiple_of3A, %add3A_17 : i32
    %multiple_of3A_19 = tpu.assume_multiple %add3A_18, 80 : i32
    %dma_start3A_20 = tpu.memref_slice %arg3[%multiple_of3A_19] : memref<320000xi32, #tpu.memory_space<hbm>> -> memref<80xi32, #tpu.memory_space<hbm>>
    %dma_start3A_21 = tpu.memref_slice %arg3[%multiple_of3A_19] : memref<320000xi32, #tpu.memory_space<hbm>> -> memref<80xi32, #tpu.memory_space<hbm>>
    tpu.enqueue_dma source(%dma_start3A_21 : memref<80xi32, #tpu.memory_space<hbm>>) target(%arg7 : memref<80xi32, #tpu.memory_space<vmem>>) target_semaphore(%arg16 : memref<!tpu.dma_semaphore, #tpu.memory_space<semaphore_mem>>)
    %dma_start3A_22 = arith.constant 0 : i32
    %dma_start3A_23 = tpu.memref_slice %arg2[%multiple_of3A_19, %dma_start3A_22] : memref<320000x128xf32, #tpu.memory_space<hbm>> -> memref<80x128xf32, #tpu.memory_space<hbm>>
    %dma_start3A_24 = arith.constant 0 : i32
    %dma_start3A_25 = tpu.memref_slice %arg2[%multiple_of3A_19, %dma_start3A_24] : memref<320000x128xf32, #tpu.memory_space<hbm>> -> memref<80x128xf32, #tpu.memory_space<hbm>>
    tpu.enqueue_dma source(%dma_start3A_25 : memref<80x128xf32, #tpu.memory_space<hbm>>) target(%arg11 : memref<80x128xf32, #tpu.memory_space<vmem>>) target_semaphore(%arg16 : memref<!tpu.dma_semaphore, #tpu.memory_space<semaphore_mem>>)
    %scan3A = arith.constant 0 : i32
    %scan3A_26 = arith.constant 0 : i32
    %scan3A_27 = arith.constant 31 : i32
    %scan3A_28 = arith.addi %scan3A_26, %scan3A_27 : i32
    %scan3A_29 = arith.constant 1 : i32
    scf.for %scan3A_69 = %scan3A_26 to %scan3A_28 step %scan3A_29  : i32 {
      %mul3A_70 = arith.constant 4 : i32
      %mul3A_71 = arith.muli %mul3A_70, %scan3A_69 : i32
      %add3A_72 = arith.constant 0 : i32
      %add3A_73 = arith.addi %mul3A_71, %add3A_72 : i32
      %add3A_74 = arith.constant 2 : i32
      %add3A_75 = arith.addi %add3A_73, %add3A_74 : i32
      %lt3A_76 = arith.constant 125 : i32
      %lt3A_77 = arith.cmpi slt, %add3A_75, %lt3A_76 : i32
      %convert_element_type3A_78 = arith.extui %lt3A_77 : i1 to i32
      %cond3A_79 = arith.constant 0 : i32
      %cond3A_80 = arith.cmpi ne, %convert_element_type3A_78, %cond3A_79 : i32
      scf.if %cond3A_80 {
        %ge3A = arith.constant 2 : i32
        %ge3A_166 = arith.cmpi sge, %add3A_73, %ge3A : i32
        %convert_element_type3A_167 = arith.extui %ge3A_166 : i1 to i32
        %cond3A_168 = arith.constant 0 : i32
        %cond3A_169 = arith.cmpi ne, %convert_element_type3A_167, %cond3A_168 : i32
        scf.if %cond3A_169 {
          %dma_wait3A_182 = arith.constant 0 : i32
          %dma_wait3A_183 = arith.constant 0 : i32
          %dma_wait3A_184 = tpu.memref_slice %arg14[%dma_wait3A_182, %dma_wait3A_183] : memref<10000x128xf32, #tpu.memory_space<vmem_shared>> -> memref<10000x128xf32, #tpu.memory_space<vmem_shared>>
          tpu.wait_indirect_dma semaphore(%arg21 : memref<!tpu.dma_semaphore, #tpu.memory_space<semaphore_mem>>) src(%arg12 : memref<80x128xf32, #tpu.memory_space<vmem>>) dst(%dma_wait3A_184 : memref<10000x128xf32, #tpu.memory_space<vmem_shared>>)
        } else {
        }
        %add3A_170 = arith.constant 2 : i32
        %add3A_171 = arith.addi %add3A_73, %add3A_170 : i32
        %mul3A_172 = arith.constant 80 : i32
        %mul3A_173 = arith.muli %add3A_171, %mul3A_172 : i32
        %add3A_174 = arith.addi %multiple_of3A, %mul3A_173 : i32
        %multiple_of3A_175 = tpu.assume_multiple %add3A_174, 80 : i32
        %dma_start3A_176 = tpu.memref_slice %arg3[%multiple_of3A_175] : memref<320000xi32, #tpu.memory_space<hbm>> -> memref<80xi32, #tpu.memory_space<hbm>>
        %dma_start3A_177 = tpu.memref_slice %arg3[%multiple_of3A_175] : memref<320000xi32, #tpu.memory_space<hbm>> -> memref<80xi32, #tpu.memory_space<hbm>>
        tpu.enqueue_dma source(%dma_start3A_177 : memref<80xi32, #tpu.memory_space<hbm>>) target(%arg8 : memref<80xi32, #tpu.memory_space<vmem>>) target_semaphore(%arg17 : memref<!tpu.dma_semaphore, #tpu.memory_space<semaphore_mem>>)
        %dma_start3A_178 = arith.constant 0 : i32
        %dma_start3A_179 = tpu.memref_slice %arg2[%multiple_of3A_175, %dma_start3A_178] : memref<320000x128xf32, #tpu.memory_space<hbm>> -> memref<80x128xf32, #tpu.memory_space<hbm>>
        %dma_start3A_180 = arith.constant 0 : i32
        %dma_start3A_181 = tpu.memref_slice %arg2[%multiple_of3A_175, %dma_start3A_180] : memref<320000x128xf32, #tpu.memory_space<hbm>> -> memref<80x128xf32, #tpu.memory_space<hbm>>
        tpu.enqueue_dma source(%dma_start3A_181 : memref<80x128xf32, #tpu.memory_space<hbm>>) target(%arg12 : memref<80x128xf32, #tpu.memory_space<vmem>>) target_semaphore(%arg17 : memref<!tpu.dma_semaphore, #tpu.memory_space<semaphore_mem>>)
      } else {
      }
      %dma_wait3A_81 = arith.constant 0 : i32
      %dma_wait3A_82 = tpu.memref_slice %arg3[%dma_wait3A_81] : memref<320000xi32, #tpu.memory_space<hbm>> -> memref<80xi32, #tpu.memory_space<hbm>>
      %dma_wait3A_83 = arith.constant 0 : i32
      %dma_wait3A_84 = tpu.memref_slice %arg3[%dma_wait3A_83] : memref<320000xi32, #tpu.memory_space<hbm>> -> memref<80xi32, #tpu.memory_space<hbm>>
      tpu.wait_dma2 semaphore(%arg15 : memref<!tpu.dma_semaphore, #tpu.memory_space<semaphore_mem>>) src(%dma_wait3A_84 : memref<80xi32, #tpu.memory_space<hbm>>) dst(%arg6 : memref<80xi32, #tpu.memory_space<vmem>>)
      %dma_wait3A_85 = arith.constant 0 : i32
      %dma_wait3A_86 = arith.constant 0 : i32
      %dma_wait3A_87 = tpu.memref_slice %arg2[%dma_wait3A_85, %dma_wait3A_86] : memref<320000x128xf32, #tpu.memory_space<hbm>> -> memref<80x128xf32, #tpu.memory_space<hbm>>
      %dma_wait3A_88 = arith.constant 0 : i32
      %dma_wait3A_89 = arith.constant 0 : i32
      %dma_wait3A_90 = tpu.memref_slice %arg2[%dma_wait3A_88, %dma_wait3A_89] : memref<320000x128xf32, #tpu.memory_space<hbm>> -> memref<80x128xf32, #tpu.memory_space<hbm>>
      tpu.wait_dma2 semaphore(%arg15 : memref<!tpu.dma_semaphore, #tpu.memory_space<semaphore_mem>>) src(%dma_wait3A_90 : memref<80x128xf32, #tpu.memory_space<hbm>>) dst(%arg10 : memref<80x128xf32, #tpu.memory_space<vmem>>)
      %dma_start3A_91 = arith.constant 0 : i32
      %dma_start3A_92 = arith.constant 0 : i32
      %dma_start3A_93 = tpu.memref_slice %arg14[%dma_start3A_91, %dma_start3A_92] : memref<10000x128xf32, #tpu.memory_space<vmem_shared>> -> memref<10000x128xf32, #tpu.memory_space<vmem_shared>>
      tpu.enqueue_indirect_dma source(%arg10 : memref<80x128xf32, #tpu.memory_space<vmem>>) target(%dma_start3A_93 : memref<10000x128xf32, #tpu.memory_space<vmem_shared>>) offsets(%arg6 : memref<80xi32, #tpu.memory_space<vmem>>) semaphore(%arg19 : memref<!tpu.dma_semaphore, #tpu.memory_space<semaphore_mem>>) {add = true}
      %mul3A_94 = arith.constant 4 : i32
      %mul3A_95 = arith.muli %mul3A_94, %scan3A_69 : i32
      %add3A_96 = arith.constant 1 : i32
      %add3A_97 = arith.addi %mul3A_95, %add3A_96 : i32
      %add3A_98 = arith.constant 2 : i32
      %add3A_99 = arith.addi %add3A_97, %add3A_98 : i32
      %lt3A_100 = arith.constant 125 : i32
      %lt3A_101 = arith.cmpi slt, %add3A_99, %lt3A_100 : i32
      %convert_element_type3A_102 = arith.extui %lt3A_101 : i1 to i32
      %cond3A_103 = arith.constant 0 : i32
      %cond3A_104 = arith.cmpi ne, %convert_element_type3A_102, %cond3A_103 : i32
      scf.if %cond3A_104 {
        %ge3A = arith.constant 2 : i32
        %ge3A_166 = arith.cmpi sge, %add3A_97, %ge3A : i32
        %convert_element_type3A_167 = arith.extui %ge3A_166 : i1 to i32
        %cond3A_168 = arith.constant 0 : i32
        %cond3A_169 = arith.cmpi ne, %convert_element_type3A_167, %cond3A_168 : i32
        scf.if %cond3A_169 {
          %dma_wait3A_182 = arith.constant 0 : i32
          %dma_wait3A_183 = arith.constant 0 : i32
          %dma_wait3A_184 = tpu.memref_slice %arg14[%dma_wait3A_182, %dma_wait3A_183] : memref<10000x128xf32, #tpu.memory_space<vmem_shared>> -> memref<10000x128xf32, #tpu.memory_space<vmem_shared>>
          tpu.wait_indirect_dma semaphore(%arg22 : memref<!tpu.dma_semaphore, #tpu.memory_space<semaphore_mem>>) src(%arg13 : memref<80x128xf32, #tpu.memory_space<vmem>>) dst(%dma_wait3A_184 : memref<10000x128xf32, #tpu.memory_space<vmem_shared>>)
        } else {
        }
        %add3A_170 = arith.constant 2 : i32
        %add3A_171 = arith.addi %add3A_97, %add3A_170 : i32
        %mul3A_172 = arith.constant 80 : i32
        %mul3A_173 = arith.muli %add3A_171, %mul3A_172 : i32
        %add3A_174 = arith.addi %multiple_of3A, %mul3A_173 : i32
        %multiple_of3A_175 = tpu.assume_multiple %add3A_174, 80 : i32
        %dma_start3A_176 = tpu.memref_slice %arg3[%multiple_of3A_175] : memref<320000xi32, #tpu.memory_space<hbm>> -> memref<80xi32, #tpu.memory_space<hbm>>
        %dma_start3A_177 = tpu.memref_slice %arg3[%multiple_of3A_175] : memref<320000xi32, #tpu.memory_space<hbm>> -> memref<80xi32, #tpu.memory_space<hbm>>
        tpu.enqueue_dma source(%dma_start3A_177 : memref<80xi32, #tpu.memory_space<hbm>>) target(%arg9 : memref<80xi32, #tpu.memory_space<vmem>>) target_semaphore(%arg18 : memref<!tpu.dma_semaphore, #tpu.memory_space<semaphore_mem>>)
        %dma_start3A_178 = arith.constant 0 : i32
        %dma_start3A_179 = tpu.memref_slice %arg2[%multiple_of3A_175, %dma_start3A_178] : memref<320000x128xf32, #tpu.memory_space<hbm>> -> memref<80x128xf32, #tpu.memory_space<hbm>>
        %dma_start3A_180 = arith.constant 0 : i32
        %dma_start3A_181 = tpu.memref_slice %arg2[%multiple_of3A_175, %dma_start3A_180] : memref<320000x128xf32, #tpu.memory_space<hbm>> -> memref<80x128xf32, #tpu.memory_space<hbm>>
        tpu.enqueue_dma source(%dma_start3A_181 : memref<80x128xf32, #tpu.memory_space<hbm>>) target(%arg13 : memref<80x128xf32, #tpu.memory_space<vmem>>) target_semaphore(%arg18 : memref<!tpu.dma_semaphore, #tpu.memory_space<semaphore_mem>>)
      } else {
      }
      %dma_wait3A_105 = arith.constant 0 : i32
      %dma_wait3A_106 = tpu.memref_slice %arg3[%dma_wait3A_105] : memref<320000xi32, #tpu.memory_space<hbm>> -> memref<80xi32, #tpu.memory_space<hbm>>
      %dma_wait3A_107 = arith.constant 0 : i32
      %dma_wait3A_108 = tpu.memref_slice %arg3[%dma_wait3A_107] : memref<320000xi32, #tpu.memory_space<hbm>> -> memref<80xi32, #tpu.memory_space<hbm>>
      tpu.wait_dma2 semaphore(%arg16 : memref<!tpu.dma_semaphore, #tpu.memory_space<semaphore_mem>>) src(%dma_wait3A_108 : memref<80xi32, #tpu.memory_space<hbm>>) dst(%arg7 : memref<80xi32, #tpu.memory_space<vmem>>)
      %dma_wait3A_109 = arith.constant 0 : i32
      %dma_wait3A_110 = arith.constant 0 : i32
      %dma_wait3A_111 = tpu.memref_slice %arg2[%dma_wait3A_109, %dma_wait3A_110] : memref<320000x128xf32, #tpu.memory_space<hbm>> -> memref<80x128xf32, #tpu.memory_space<hbm>>
      %dma_wait3A_112 = arith.constant 0 : i32
      %dma_wait3A_113 = arith.constant 0 : i32
      %dma_wait3A_114 = tpu.memref_slice %arg2[%dma_wait3A_112, %dma_wait3A_113] : memref<320000x128xf32, #tpu.memory_space<hbm>> -> memref<80x128xf32, #tpu.memory_space<hbm>>
      tpu.wait_dma2 semaphore(%arg16 : memref<!tpu.dma_semaphore, #tpu.memory_space<semaphore_mem>>) src(%dma_wait3A_114 : memref<80x128xf32, #tpu.memory_space<hbm>>) dst(%arg11 : memref<80x128xf32, #tpu.memory_space<vmem>>)
      %dma_start3A_115 = arith.constant 0 : i32
      %dma_start3A_116 = arith.constant 0 : i32
      %dma_start3A_117 = tpu.memref_slice %arg14[%dma_start3A_115, %dma_start3A_116] : memref<10000x128xf32, #tpu.memory_space<vmem_shared>> -> memref<10000x128xf32, #tpu.memory_space<vmem_shared>>
      tpu.enqueue_indirect_dma source(%arg11 : memref<80x128xf32, #tpu.memory_space<vmem>>) target(%dma_start3A_117 : memref<10000x128xf32, #tpu.memory_space<vmem_shared>>) offsets(%arg7 : memref<80xi32, #tpu.memory_space<vmem>>) semaphore(%arg20 : memref<!tpu.dma_semaphore, #tpu.memory_space<semaphore_mem>>) {add = true}
      %mul3A_118 = arith.constant 4 : i32
      %mul3A_119 = arith.muli %mul3A_118, %scan3A_69 : i32
      %add3A_120 = arith.constant 2 : i32
      %add3A_121 = arith.addi %mul3A_119, %add3A_120 : i32
      %add3A_122 = arith.constant 2 : i32
      %add3A_123 = arith.addi %add3A_121, %add3A_122 : i32
      %lt3A_124 = arith.constant 125 : i32
      %lt3A_125 = arith.cmpi slt, %add3A_123, %lt3A_124 : i32
      %convert_element_type3A_126 = arith.extui %lt3A_125 : i1 to i32
      %cond3A_127 = arith.constant 0 : i32
      %cond3A_128 = arith.cmpi ne, %convert_element_type3A_126, %cond3A_127 : i32
      scf.if %cond3A_128 {
        %ge3A = arith.constant 2 : i32
        %ge3A_166 = arith.cmpi sge, %add3A_121, %ge3A : i32
        %convert_element_type3A_167 = arith.extui %ge3A_166 : i1 to i32
        %cond3A_168 = arith.constant 0 : i32
        %cond3A_169 = arith.cmpi ne, %convert_element_type3A_167, %cond3A_168 : i32
        scf.if %cond3A_169 {
          %dma_wait3A_182 = arith.constant 0 : i32
          %dma_wait3A_183 = arith.constant 0 : i32
          %dma_wait3A_184 = tpu.memref_slice %arg14[%dma_wait3A_182, %dma_wait3A_183] : memref<10000x128xf32, #tpu.memory_space<vmem_shared>> -> memref<10000x128xf32, #tpu.memory_space<vmem_shared>>
          tpu.wait_indirect_dma semaphore(%arg19 : memref<!tpu.dma_semaphore, #tpu.memory_space<semaphore_mem>>) src(%arg10 : memref<80x128xf32, #tpu.memory_space<vmem>>) dst(%dma_wait3A_184 : memref<10000x128xf32, #tpu.memory_space<vmem_shared>>)
        } else {
        }
        %add3A_170 = arith.constant 2 : i32
        %add3A_171 = arith.addi %add3A_121, %add3A_170 : i32
        %mul3A_172 = arith.constant 80 : i32
        %mul3A_173 = arith.muli %add3A_171, %mul3A_172 : i32
        %add3A_174 = arith.addi %multiple_of3A, %mul3A_173 : i32
        %multiple_of3A_175 = tpu.assume_multiple %add3A_174, 80 : i32
        %dma_start3A_176 = tpu.memref_slice %arg3[%multiple_of3A_175] : memref<320000xi32, #tpu.memory_space<hbm>> -> memref<80xi32, #tpu.memory_space<hbm>>
        %dma_start3A_177 = tpu.memref_slice %arg3[%multiple_of3A_175] : memref<320000xi32, #tpu.memory_space<hbm>> -> memref<80xi32, #tpu.memory_space<hbm>>
        tpu.enqueue_dma source(%dma_start3A_177 : memref<80xi32, #tpu.memory_space<hbm>>) target(%arg6 : memref<80xi32, #tpu.memory_space<vmem>>) target_semaphore(%arg15 : memref<!tpu.dma_semaphore, #tpu.memory_space<semaphore_mem>>)
        %dma_start3A_178 = arith.constant 0 : i32
        %dma_start3A_179 = tpu.memref_slice %arg2[%multiple_of3A_175, %dma_start3A_178] : memref<320000x128xf32, #tpu.memory_space<hbm>> -> memref<80x128xf32, #tpu.memory_space<hbm>>
        %dma_start3A_180 = arith.constant 0 : i32
        %dma_start3A_181 = tpu.memref_slice %arg2[%multiple_of3A_175, %dma_start3A_180] : memref<320000x128xf32, #tpu.memory_space<hbm>> -> memref<80x128xf32, #tpu.memory_space<hbm>>
        tpu.enqueue_dma source(%dma_start3A_181 : memref<80x128xf32, #tpu.memory_space<hbm>>) target(%arg10 : memref<80x128xf32, #tpu.memory_space<vmem>>) target_semaphore(%arg15 : memref<!tpu.dma_semaphore, #tpu.memory_space<semaphore_mem>>)
      } else {
      }
      %dma_wait3A_129 = arith.constant 0 : i32
      %dma_wait3A_130 = tpu.memref_slice %arg3[%dma_wait3A_129] : memref<320000xi32, #tpu.memory_space<hbm>> -> memref<80xi32, #tpu.memory_space<hbm>>
      %dma_wait3A_131 = arith.constant 0 : i32
      %dma_wait3A_132 = tpu.memref_slice %arg3[%dma_wait3A_131] : memref<320000xi32, #tpu.memory_space<hbm>> -> memref<80xi32, #tpu.memory_space<hbm>>
      tpu.wait_dma2 semaphore(%arg17 : memref<!tpu.dma_semaphore, #tpu.memory_space<semaphore_mem>>) src(%dma_wait3A_132 : memref<80xi32, #tpu.memory_space<hbm>>) dst(%arg8 : memref<80xi32, #tpu.memory_space<vmem>>)
      %dma_wait3A_133 = arith.constant 0 : i32
      %dma_wait3A_134 = arith.constant 0 : i32
      %dma_wait3A_135 = tpu.memref_slice %arg2[%dma_wait3A_133, %dma_wait3A_134] : memref<320000x128xf32, #tpu.memory_space<hbm>> -> memref<80x128xf32, #tpu.memory_space<hbm>>
      %dma_wait3A_136 = arith.constant 0 : i32
      %dma_wait3A_137 = arith.constant 0 : i32
      %dma_wait3A_138 = tpu.memref_slice %arg2[%dma_wait3A_136, %dma_wait3A_137] : memref<320000x128xf32, #tpu.memory_space<hbm>> -> memref<80x128xf32, #tpu.memory_space<hbm>>
      tpu.wait_dma2 semaphore(%arg17 : memref<!tpu.dma_semaphore, #tpu.memory_space<semaphore_mem>>) src(%dma_wait3A_138 : memref<80x128xf32, #tpu.memory_space<hbm>>) dst(%arg12 : memref<80x128xf32, #tpu.memory_space<vmem>>)
      %dma_start3A_139 = arith.constant 0 : i32
      %dma_start3A_140 = arith.constant 0 : i32
      %dma_start3A_141 = tpu.memref_slice %arg14[%dma_start3A_139, %dma_start3A_140] : memref<10000x128xf32, #tpu.memory_space<vmem_shared>> -> memref<10000x128xf32, #tpu.memory_space<vmem_shared>>
      tpu.enqueue_indirect_dma source(%arg12 : memref<80x128xf32, #tpu.memory_space<vmem>>) target(%dma_start3A_141 : memref<10000x128xf32, #tpu.memory_space<vmem_shared>>) offsets(%arg8 : memref<80xi32, #tpu.memory_space<vmem>>) semaphore(%arg21 : memref<!tpu.dma_semaphore, #tpu.memory_space<semaphore_mem>>) {add = true}
      %mul3A_142 = arith.constant 4 : i32
      %mul3A_143 = arith.muli %mul3A_142, %scan3A_69 : i32
      %add3A_144 = arith.constant 3 : i32
      %add3A_145 = arith.addi %mul3A_143, %add3A_144 : i32
      %add3A_146 = arith.constant 2 : i32
      %add3A_147 = arith.addi %add3A_145, %add3A_146 : i32
      %lt3A_148 = arith.constant 125 : i32
      %lt3A_149 = arith.cmpi slt, %add3A_147, %lt3A_148 : i32
      %convert_element_type3A_150 = arith.extui %lt3A_149 : i1 to i32
      %cond3A_151 = arith.constant 0 : i32
      %cond3A_152 = arith.cmpi ne, %convert_element_type3A_150, %cond3A_151 : i32
      scf.if %cond3A_152 {
        %ge3A = arith.constant 2 : i32
        %ge3A_166 = arith.cmpi sge, %add3A_145, %ge3A : i32
        %convert_element_type3A_167 = arith.extui %ge3A_166 : i1 to i32
        %cond3A_168 = arith.constant 0 : i32
        %cond3A_169 = arith.cmpi ne, %convert_element_type3A_167, %cond3A_168 : i32
        scf.if %cond3A_169 {
          %dma_wait3A_182 = arith.constant 0 : i32
          %dma_wait3A_183 = arith.constant 0 : i32
          %dma_wait3A_184 = tpu.memref_slice %arg14[%dma_wait3A_182, %dma_wait3A_183] : memref<10000x128xf32, #tpu.memory_space<vmem_shared>> -> memref<10000x128xf32, #tpu.memory_space<vmem_shared>>
          tpu.wait_indirect_dma semaphore(%arg20 : memref<!tpu.dma_semaphore, #tpu.memory_space<semaphore_mem>>) src(%arg11 : memref<80x128xf32, #tpu.memory_space<vmem>>) dst(%dma_wait3A_184 : memref<10000x128xf32, #tpu.memory_space<vmem_shared>>)
        } else {
        }
        %add3A_170 = arith.constant 2 : i32
        %add3A_171 = arith.addi %add3A_145, %add3A_170 : i32
        %mul3A_172 = arith.constant 80 : i32
        %mul3A_173 = arith.muli %add3A_171, %mul3A_172 : i32
        %add3A_174 = arith.addi %multiple_of3A, %mul3A_173 : i32
        %multiple_of3A_175 = tpu.assume_multiple %add3A_174, 80 : i32
        %dma_start3A_176 = tpu.memref_slice %arg3[%multiple_of3A_175] : memref<320000xi32, #tpu.memory_space<hbm>> -> memref<80xi32, #tpu.memory_space<hbm>>
        %dma_start3A_177 = tpu.memref_slice %arg3[%multiple_of3A_175] : memref<320000xi32, #tpu.memory_space<hbm>> -> memref<80xi32, #tpu.memory_space<hbm>>
        tpu.enqueue_dma source(%dma_start3A_177 : memref<80xi32, #tpu.memory_space<hbm>>) target(%arg7 : memref<80xi32, #tpu.memory_space<vmem>>) target_semaphore(%arg16 : memref<!tpu.dma_semaphore, #tpu.memory_space<semaphore_mem>>)
        %dma_start3A_178 = arith.constant 0 : i32
        %dma_start3A_179 = tpu.memref_slice %arg2[%multiple_of3A_175, %dma_start3A_178] : memref<320000x128xf32, #tpu.memory_space<hbm>> -> memref<80x128xf32, #tpu.memory_space<hbm>>
        %dma_start3A_180 = arith.constant 0 : i32
        %dma_start3A_181 = tpu.memref_slice %arg2[%multiple_of3A_175, %dma_start3A_180] : memref<320000x128xf32, #tpu.memory_space<hbm>> -> memref<80x128xf32, #tpu.memory_space<hbm>>
        tpu.enqueue_dma source(%dma_start3A_181 : memref<80x128xf32, #tpu.memory_space<hbm>>) target(%arg11 : memref<80x128xf32, #tpu.memory_space<vmem>>) target_semaphore(%arg16 : memref<!tpu.dma_semaphore, #tpu.memory_space<semaphore_mem>>)
      } else {
      }
      %dma_wait3A_153 = arith.constant 0 : i32
      %dma_wait3A_154 = tpu.memref_slice %arg3[%dma_wait3A_153] : memref<320000xi32, #tpu.memory_space<hbm>> -> memref<80xi32, #tpu.memory_space<hbm>>
      %dma_wait3A_155 = arith.constant 0 : i32
      %dma_wait3A_156 = tpu.memref_slice %arg3[%dma_wait3A_155] : memref<320000xi32, #tpu.memory_space<hbm>> -> memref<80xi32, #tpu.memory_space<hbm>>
      tpu.wait_dma2 semaphore(%arg18 : memref<!tpu.dma_semaphore, #tpu.memory_space<semaphore_mem>>) src(%dma_wait3A_156 : memref<80xi32, #tpu.memory_space<hbm>>) dst(%arg9 : memref<80xi32, #tpu.memory_space<vmem>>)
      %dma_wait3A_157 = arith.constant 0 : i32
      %dma_wait3A_158 = arith.constant 0 : i32
      %dma_wait3A_159 = tpu.memref_slice %arg2[%dma_wait3A_157, %dma_wait3A_158] : memref<320000x128xf32, #tpu.memory_space<hbm>> -> memref<80x128xf32, #tpu.memory_space<hbm>>
      %dma_wait3A_160 = arith.constant 0 : i32
      %dma_wait3A_161 = arith.constant 0 : i32
      %dma_wait3A_162 = tpu.memref_slice %arg2[%dma_wait3A_160, %dma_wait3A_161] : memref<320000x128xf32, #tpu.memory_space<hbm>> -> memref<80x128xf32, #tpu.memory_space<hbm>>
      tpu.wait_dma2 semaphore(%arg18 : memref<!tpu.dma_semaphore, #tpu.memory_space<semaphore_mem>>) src(%dma_wait3A_162 : memref<80x128xf32, #tpu.memory_space<hbm>>) dst(%arg13 : memref<80x128xf32, #tpu.memory_space<vmem>>)
      %dma_start3A_163 = arith.constant 0 : i32
      %dma_start3A_164 = arith.constant 0 : i32
      %dma_start3A_165 = tpu.memref_slice %arg14[%dma_start3A_163, %dma_start3A_164] : memref<10000x128xf32, #tpu.memory_space<vmem_shared>> -> memref<10000x128xf32, #tpu.memory_space<vmem_shared>>
      tpu.enqueue_indirect_dma source(%arg13 : memref<80x128xf32, #tpu.memory_space<vmem>>) target(%dma_start3A_165 : memref<10000x128xf32, #tpu.memory_space<vmem_shared>>) offsets(%arg9 : memref<80xi32, #tpu.memory_space<vmem>>) semaphore(%arg22 : memref<!tpu.dma_semaphore, #tpu.memory_space<semaphore_mem>>) {add = true}
    }
    %scan3A_30 = arith.constant 31 : i32
    %dma_wait3A = arith.constant 0 : i32
    %dma_wait3A_31 = tpu.memref_slice %arg3[%dma_wait3A] : memref<320000xi32, #tpu.memory_space<hbm>> -> memref<80xi32, #tpu.memory_space<hbm>>
    %dma_wait3A_32 = arith.constant 0 : i32
    %dma_wait3A_33 = tpu.memref_slice %arg3[%dma_wait3A_32] : memref<320000xi32, #tpu.memory_space<hbm>> -> memref<80xi32, #tpu.memory_space<hbm>>
    tpu.wait_dma2 semaphore(%arg15 : memref<!tpu.dma_semaphore, #tpu.memory_space<semaphore_mem>>) src(%dma_wait3A_33 : memref<80xi32, #tpu.memory_space<hbm>>) dst(%arg6 : memref<80xi32, #tpu.memory_space<vmem>>)
    %dma_wait3A_34 = arith.constant 0 : i32
    %dma_wait3A_35 = arith.constant 0 : i32
    %dma_wait3A_36 = tpu.memref_slice %arg2[%dma_wait3A_34, %dma_wait3A_35] : memref<320000x128xf32, #tpu.memory_space<hbm>> -> memref<80x128xf32, #tpu.memory_space<hbm>>
    %dma_wait3A_37 = arith.constant 0 : i32
    %dma_wait3A_38 = arith.constant 0 : i32
    %dma_wait3A_39 = tpu.memref_slice %arg2[%dma_wait3A_37, %dma_wait3A_38] : memref<320000x128xf32, #tpu.memory_space<hbm>> -> memref<80x128xf32, #tpu.memory_space<hbm>>
    tpu.wait_dma2 semaphore(%arg15 : memref<!tpu.dma_semaphore, #tpu.memory_space<semaphore_mem>>) src(%dma_wait3A_39 : memref<80x128xf32, #tpu.memory_space<hbm>>) dst(%arg10 : memref<80x128xf32, #tpu.memory_space<vmem>>)
    %dma_start3A_40 = arith.constant 0 : i32
    %dma_start3A_41 = arith.constant 0 : i32
    %dma_start3A_42 = tpu.memref_slice %arg14[%dma_start3A_40, %dma_start3A_41] : memref<10000x128xf32, #tpu.memory_space<vmem_shared>> -> memref<10000x128xf32, #tpu.memory_space<vmem_shared>>
    tpu.enqueue_indirect_dma source(%arg10 : memref<80x128xf32, #tpu.memory_space<vmem>>) target(%dma_start3A_42 : memref<10000x128xf32, #tpu.memory_space<vmem_shared>>) offsets(%arg6 : memref<80xi32, #tpu.memory_space<vmem>>) semaphore(%arg19 : memref<!tpu.dma_semaphore, #tpu.memory_space<semaphore_mem>>) {add = true}
    %dma_wait3A_43 = arith.constant 0 : i32
    %dma_wait3A_44 = arith.constant 0 : i32
    %dma_wait3A_45 = tpu.memref_slice %arg14[%dma_wait3A_43, %dma_wait3A_44] : memref<10000x128xf32, #tpu.memory_space<vmem_shared>> -> memref<10000x128xf32, #tpu.memory_space<vmem_shared>>
    tpu.wait_indirect_dma semaphore(%arg19 : memref<!tpu.dma_semaphore, #tpu.memory_space<semaphore_mem>>) src(%arg10 : memref<80x128xf32, #tpu.memory_space<vmem>>) dst(%dma_wait3A_45 : memref<10000x128xf32, #tpu.memory_space<vmem_shared>>)
    %dma_wait3A_46 = arith.constant 0 : i32
    %dma_wait3A_47 = arith.constant 0 : i32
    %dma_wait3A_48 = tpu.memref_slice %arg14[%dma_wait3A_46, %dma_wait3A_47] : memref<10000x128xf32, #tpu.memory_space<vmem_shared>> -> memref<10000x128xf32, #tpu.memory_space<vmem_shared>>
    tpu.wait_indirect_dma semaphore(%arg20 : memref<!tpu.dma_semaphore, #tpu.memory_space<semaphore_mem>>) src(%arg11 : memref<80x128xf32, #tpu.memory_space<vmem>>) dst(%dma_wait3A_48 : memref<10000x128xf32, #tpu.memory_space<vmem_shared>>)
    %dma_wait3A_49 = arith.constant 0 : i32
    %dma_wait3A_50 = arith.constant 0 : i32
    %dma_wait3A_51 = tpu.memref_slice %arg14[%dma_wait3A_49, %dma_wait3A_50] : memref<10000x128xf32, #tpu.memory_space<vmem_shared>> -> memref<10000x128xf32, #tpu.memory_space<vmem_shared>>
    tpu.wait_indirect_dma semaphore(%arg21 : memref<!tpu.dma_semaphore, #tpu.memory_space<semaphore_mem>>) src(%arg12 : memref<80x128xf32, #tpu.memory_space<vmem>>) dst(%dma_wait3A_51 : memref<10000x128xf32, #tpu.memory_space<vmem_shared>>)
    %dma_wait3A_52 = arith.constant 0 : i32
    %dma_wait3A_53 = arith.constant 0 : i32
    %dma_wait3A_54 = tpu.memref_slice %arg14[%dma_wait3A_52, %dma_wait3A_53] : memref<10000x128xf32, #tpu.memory_space<vmem_shared>> -> memref<10000x128xf32, #tpu.memory_space<vmem_shared>>
    tpu.wait_indirect_dma semaphore(%arg22 : memref<!tpu.dma_semaphore, #tpu.memory_space<semaphore_mem>>) src(%arg13 : memref<80x128xf32, #tpu.memory_space<vmem>>) dst(%dma_wait3A_54 : memref<10000x128xf32, #tpu.memory_space<vmem_shared>>)
    %barrier3A_55 = arith.constant 0 : index
    tpu.barrier barrier_id(%barrier3A_55)
    %mul3A_56 = arith.constant 10000 : i32
    %mul3A_57 = arith.muli %arg0, %mul3A_56 : i32
    %multiple_of3A_58 = tpu.assume_multiple %mul3A_57, 8 : i32
    %lt3A_59 = arith.constant 15 : i32
    %lt3A_60 = arith.cmpi slt, %arg1, %lt3A_59 : i32
    %convert_element_type3A_61 = arith.extui %lt3A_60 : i1 to i32
    %cond3A_62 = arith.constant 0 : i32
    %cond3A_63 = arith.cmpi ne, %convert_element_type3A_61, %cond3A_62 : i32
    scf.if %cond3A_63 {
      %mul3A_69 = arith.constant 624 : i32
      %mul3A_70 = arith.muli %arg1, %mul3A_69 : i32
      %multiple_of3A_71 = tpu.assume_multiple %mul3A_70, 8 : i32
      %add3A_72 = arith.addi %multiple_of3A_58, %multiple_of3A_71 : i32
      "tpu.region"() ({
        %run_scoped3A = tpu.sem_alloc : memref<!tpu.dma_semaphore, #tpu.memory_space<semaphore_mem>>
        %dma_start3A_73 = arith.constant 0 : i32
        %dma_start3A_74 = tpu.memref_slice %arg5[%add3A_72, %dma_start3A_73] : memref<20000x128xf32, #tpu.memory_space<hbm>> -> memref<624x128xf32, #tpu.memory_space<hbm>>
        %dma_start3A_75 = arith.constant 0 : i32
        %dma_start3A_76 = tpu.memref_slice %arg14[%multiple_of3A_71, %dma_start3A_75] : memref<10000x128xf32, #tpu.memory_space<vmem_shared>> -> memref<624x128xf32, #tpu.memory_space<vmem_shared>>
        tpu.enqueue_dma source(%dma_start3A_76 : memref<624x128xf32, #tpu.memory_space<vmem_shared>>) target(%dma_start3A_74 : memref<624x128xf32, #tpu.memory_space<hbm>>) target_semaphore(%run_scoped3A : memref<!tpu.dma_semaphore, #tpu.memory_space<semaphore_mem>>)
        %dma_wait3A_77 = arith.constant 0 : i32
        %dma_wait3A_78 = tpu.memref_slice %arg5[%add3A_72, %dma_wait3A_77] : memref<20000x128xf32, #tpu.memory_space<hbm>> -> memref<624x128xf32, #tpu.memory_space<hbm>>
        %dma_wait3A_79 = arith.constant 0 : i32
        %dma_wait3A_80 = tpu.memref_slice %arg14[%multiple_of3A_71, %dma_wait3A_79] : memref<10000x128xf32, #tpu.memory_space<vmem_shared>> -> memref<624x128xf32, #tpu.memory_space<vmem_shared>>
        tpu.wait_dma2 semaphore(%run_scoped3A : memref<!tpu.dma_semaphore, #tpu.memory_space<semaphore_mem>>) src(%dma_wait3A_80 : memref<624x128xf32, #tpu.memory_space<vmem_shared>>) dst(%dma_wait3A_78 : memref<624x128xf32, #tpu.memory_space<hbm>>)
        tpu.yield
      }) : () -> ()
    } else {
    }
    %eq3A_64 = arith.constant 15 : i32
    %eq3A_65 = arith.cmpi eq, %arg1, %eq3A_64 : i32
    %convert_element_type3A_66 = arith.extui %eq3A_65 : i1 to i32
    %cond3A_67 = arith.constant 0 : i32
    %cond3A_68 = arith.cmpi ne, %convert_element_type3A_66, %cond3A_67 : i32
    scf.if %cond3A_68 {
      %add3A_69 = arith.constant 9360 : i32
      %add3A_70 = arith.addi %multiple_of3A_58, %add3A_69 : i32
      "tpu.region"() ({
        %run_scoped3A = tpu.sem_alloc : memref<!tpu.dma_semaphore, #tpu.memory_space<semaphore_mem>>
        %dma_start3A_71 = arith.constant 0 : i32
        %dma_start3A_72 = tpu.memref_slice %arg5[%add3A_70, %dma_start3A_71] : memref<20000x128xf32, #tpu.memory_space<hbm>> -> memref<640x128xf32, #tpu.memory_space<hbm>>
        %dma_start3A_73 = arith.constant 9360 : i32
        %dma_start3A_74 = arith.constant 0 : i32
        %dma_start3A_75 = tpu.memref_slice %arg14[%dma_start3A_73, %dma_start3A_74] : memref<10000x128xf32, #tpu.memory_space<vmem_shared>> -> memref<640x128xf32, #tpu.memory_space<vmem_shared>>
        tpu.enqueue_dma source(%dma_start3A_75 : memref<640x128xf32, #tpu.memory_space<vmem_shared>>) target(%dma_start3A_72 : memref<640x128xf32, #tpu.memory_space<hbm>>) target_semaphore(%run_scoped3A : memref<!tpu.dma_semaphore, #tpu.memory_space<semaphore_mem>>)
        %dma_wait3A_76 = arith.constant 0 : i32
        %dma_wait3A_77 = tpu.memref_slice %arg5[%add3A_70, %dma_wait3A_76] : memref<20000x128xf32, #tpu.memory_space<hbm>> -> memref<640x128xf32, #tpu.memory_space<hbm>>
        %dma_wait3A_78 = arith.constant 9360 : i32
        %dma_wait3A_79 = arith.constant 0 : i32
        %dma_wait3A_80 = tpu.memref_slice %arg14[%dma_wait3A_78, %dma_wait3A_79] : memref<10000x128xf32, #tpu.memory_space<vmem_shared>> -> memref<640x128xf32, #tpu.memory_space<vmem_shared>>
        tpu.wait_dma2 semaphore(%run_scoped3A : memref<!tpu.dma_semaphore, #tpu.memory_space<semaphore_mem>>) src(%dma_wait3A_80 : memref<640x128xf32, #tpu.memory_space<vmem_shared>>) dst(%dma_wait3A_77 : memref<640x128xf32, #tpu.memory_space<hbm>>)
        tpu.yield
      }) : () -> ()
    } else {
    }
    return
  }
}

#map = affine_map<(d0, d1) -> (0, 0)>
#map1 = affine_map<(d0, d1) -> (0)>
module attributes {stable_mosaic.version = 14 : i64} {
  func.func @_gather_body(%arg0: i32, %arg1: i32, %arg2: memref<10000x128xf32, #tpu.memory_space<hbm>>, %arg3: memref<10000x128xf32, #tpu.memory_space<hbm>>, %arg4: memref<320000xi32, #tpu.memory_space<hbm>>, %arg5: memref<320000xi32, #tpu.memory_space<hbm>>, %arg6: memref<320000x128xf32, #tpu.memory_space<hbm>>, %arg7: memref<10000xi32, #tpu.memory_space<vmem>>, %arg8: memref<10000xi32, #tpu.memory_space<vmem>>, %arg9: memref<80x128xf32, #tpu.memory_space<vmem>>, %arg10: memref<80x128xf32, #tpu.memory_space<vmem>>, %arg11: memref<80x128xf32, #tpu.memory_space<vmem>>, %arg12: memref<80x128xf32, #tpu.memory_space<vmem>>, %arg13: memref<80x128xf32, #tpu.memory_space<vmem>>, %arg14: memref<80x128xf32, #tpu.memory_space<vmem>>, %arg15: memref<80x128xf32, #tpu.memory_space<vmem>>, %arg16: memref<80x128xf32, #tpu.memory_space<vmem>>, %arg17: memref<!tpu.dma_semaphore, #tpu.memory_space<semaphore_mem>>, %arg18: memref<!tpu.dma_semaphore, #tpu.memory_space<semaphore_mem>>, %arg19: memref<!tpu.dma_semaphore, #tpu.memory_space<semaphore_mem>>, %arg20: memref<!tpu.dma_semaphore, #tpu.memory_space<semaphore_mem>>, %arg21: memref<!tpu.dma_semaphore, #tpu.memory_space<semaphore_mem>>, %arg22: memref<!tpu.dma_semaphore, #tpu.memory_space<semaphore_mem>>, %arg23: memref<!tpu.dma_semaphore, #tpu.memory_space<semaphore_mem>>, %arg24: memref<!tpu.dma_semaphore, #tpu.memory_space<semaphore_mem>>) attributes {dimension_semantics = [#tpu.dimension_semantics<core_parallel>, #tpu.dimension_semantics<subcore_parallel>], iteration_bounds = array<i64: 2, 16>, scalar_prefetch = 0 : i64, scratch_operands = 18 : i64, tpu.core_type = #tpu.core_type<sc_vector_subcore>, window_params = [{transform_indices = #map}, {transform_indices = #map}, {transform_indices = #map1}, {transform_indices = #map1}, {transform_indices = #map}]} {
    %mul3A = arith.constant 16 : i32
    %mul3A_0 = arith.muli %arg0, %mul3A : i32
    %add3A = arith.addi %mul3A_0, %arg1 : i32
    %mul3A_1 = arith.constant 10000 : i32
    %mul3A_2 = arith.muli %add3A, %mul3A_1 : i32
    %multiple_of3A = tpu.assume_multiple %mul3A_2, 80 : i32
    "tpu.region"() ({
      %run_scoped3A = tpu.sem_alloc : memref<!tpu.dma_semaphore, #tpu.memory_space<semaphore_mem>>
      %dma_start3A_79 = tpu.memref_slice %arg4[%multiple_of3A] : memref<320000xi32, #tpu.memory_space<hbm>> -> memref<10000xi32, #tpu.memory_space<hbm>>
      %dma_start3A_80 = tpu.memref_slice %arg4[%multiple_of3A] : memref<320000xi32, #tpu.memory_space<hbm>> -> memref<10000xi32, #tpu.memory_space<hbm>>
      tpu.enqueue_dma source(%dma_start3A_80 : memref<10000xi32, #tpu.memory_space<hbm>>) target(%arg7 : memref<10000xi32, #tpu.memory_space<vmem>>) target_semaphore(%run_scoped3A : memref<!tpu.dma_semaphore, #tpu.memory_space<semaphore_mem>>)
      %dma_wait3A_81 = tpu.memref_slice %arg4[%multiple_of3A] : memref<320000xi32, #tpu.memory_space<hbm>> -> memref<10000xi32, #tpu.memory_space<hbm>>
      %dma_wait3A_82 = tpu.memref_slice %arg4[%multiple_of3A] : memref<320000xi32, #tpu.memory_space<hbm>> -> memref<10000xi32, #tpu.memory_space<hbm>>
      tpu.wait_dma2 semaphore(%run_scoped3A : memref<!tpu.dma_semaphore, #tpu.memory_space<semaphore_mem>>) src(%dma_wait3A_82 : memref<10000xi32, #tpu.memory_space<hbm>>) dst(%arg7 : memref<10000xi32, #tpu.memory_space<vmem>>)
      tpu.yield
    }) : () -> ()
    "tpu.region"() ({
      %run_scoped3A = tpu.sem_alloc : memref<!tpu.dma_semaphore, #tpu.memory_space<semaphore_mem>>
      %dma_start3A_79 = tpu.memref_slice %arg5[%multiple_of3A] : memref<320000xi32, #tpu.memory_space<hbm>> -> memref<10000xi32, #tpu.memory_space<hbm>>
      %dma_start3A_80 = tpu.memref_slice %arg5[%multiple_of3A] : memref<320000xi32, #tpu.memory_space<hbm>> -> memref<10000xi32, #tpu.memory_space<hbm>>
      tpu.enqueue_dma source(%dma_start3A_80 : memref<10000xi32, #tpu.memory_space<hbm>>) target(%arg8 : memref<10000xi32, #tpu.memory_space<vmem>>) target_semaphore(%run_scoped3A : memref<!tpu.dma_semaphore, #tpu.memory_space<semaphore_mem>>)
      %dma_wait3A_81 = tpu.memref_slice %arg5[%multiple_of3A] : memref<320000xi32, #tpu.memory_space<hbm>> -> memref<10000xi32, #tpu.memory_space<hbm>>
      %dma_wait3A_82 = tpu.memref_slice %arg5[%multiple_of3A] : memref<320000xi32, #tpu.memory_space<hbm>> -> memref<10000xi32, #tpu.memory_space<hbm>>
      tpu.wait_dma2 semaphore(%run_scoped3A : memref<!tpu.dma_semaphore, #tpu.memory_space<semaphore_mem>>) src(%dma_wait3A_82 : memref<10000xi32, #tpu.memory_space<hbm>>) dst(%arg8 : memref<10000xi32, #tpu.memory_space<vmem>>)
      tpu.yield
    }) : () -> ()
    %multiple_of3A_3 = arith.constant 0 : i32
    %multiple_of3A_4 = tpu.assume_multiple %multiple_of3A_3, 80 : i32
    %dma_start3A = tpu.memref_slice %arg7[%multiple_of3A_4] : memref<10000xi32, #tpu.memory_space<vmem>> -> memref<80xi32, #tpu.memory_space<vmem>>
    %dma_start3A_5 = arith.constant 0 : i32
    %dma_start3A_6 = arith.constant 0 : i32
    %dma_start3A_7 = tpu.memref_slice %arg2[%dma_start3A_5, %dma_start3A_6] : memref<10000x128xf32, #tpu.memory_space<hbm>> -> memref<10000x128xf32, #tpu.memory_space<hbm>>
    tpu.enqueue_indirect_dma source(%dma_start3A_7 : memref<10000x128xf32, #tpu.memory_space<hbm>>) target(%arg9 : memref<80x128xf32, #tpu.memory_space<vmem>>) offsets(%dma_start3A : memref<80xi32, #tpu.memory_space<vmem>>) semaphore(%arg17 : memref<!tpu.dma_semaphore, #tpu.memory_space<semaphore_mem>>)
    %multiple_of3A_8 = arith.constant 0 : i32
    %multiple_of3A_9 = tpu.assume_multiple %multiple_of3A_8, 80 : i32
    %dma_start3A_10 = tpu.memref_slice %arg8[%multiple_of3A_9] : memref<10000xi32, #tpu.memory_space<vmem>> -> memref<80xi32, #tpu.memory_space<vmem>>
    %dma_start3A_11 = arith.constant 0 : i32
    %dma_start3A_12 = arith.constant 0 : i32
    %dma_start3A_13 = tpu.memref_slice %arg3[%dma_start3A_11, %dma_start3A_12] : memref<10000x128xf32, #tpu.memory_space<hbm>> -> memref<10000x128xf32, #tpu.memory_space<hbm>>
    tpu.enqueue_indirect_dma source(%dma_start3A_13 : memref<10000x128xf32, #tpu.memory_space<hbm>>) target(%arg10 : memref<80x128xf32, #tpu.memory_space<vmem>>) offsets(%dma_start3A_10 : memref<80xi32, #tpu.memory_space<vmem>>) semaphore(%arg17 : memref<!tpu.dma_semaphore, #tpu.memory_space<semaphore_mem>>)
    %multiple_of3A_14 = arith.constant 80 : i32
    %multiple_of3A_15 = tpu.assume_multiple %multiple_of3A_14, 80 : i32
    %dma_start3A_16 = tpu.memref_slice %arg7[%multiple_of3A_15] : memref<10000xi32, #tpu.memory_space<vmem>> -> memref<80xi32, #tpu.memory_space<vmem>>
    %dma_start3A_17 = arith.constant 0 : i32
    %dma_start3A_18 = arith.constant 0 : i32
    %dma_start3A_19 = tpu.memref_slice %arg2[%dma_start3A_17, %dma_start3A_18] : memref<10000x128xf32, #tpu.memory_space<hbm>> -> memref<10000x128xf32, #tpu.memory_space<hbm>>
    tpu.enqueue_indirect_dma source(%dma_start3A_19 : memref<10000x128xf32, #tpu.memory_space<hbm>>) target(%arg11 : memref<80x128xf32, #tpu.memory_space<vmem>>) offsets(%dma_start3A_16 : memref<80xi32, #tpu.memory_space<vmem>>) semaphore(%arg18 : memref<!tpu.dma_semaphore, #tpu.memory_space<semaphore_mem>>)
    %multiple_of3A_20 = arith.constant 80 : i32
    %multiple_of3A_21 = tpu.assume_multiple %multiple_of3A_20, 80 : i32
    %dma_start3A_22 = tpu.memref_slice %arg8[%multiple_of3A_21] : memref<10000xi32, #tpu.memory_space<vmem>> -> memref<80xi32, #tpu.memory_space<vmem>>
    %dma_start3A_23 = arith.constant 0 : i32
    %dma_start3A_24 = arith.constant 0 : i32
    %dma_start3A_25 = tpu.memref_slice %arg3[%dma_start3A_23, %dma_start3A_24] : memref<10000x128xf32, #tpu.memory_space<hbm>> -> memref<10000x128xf32, #tpu.memory_space<hbm>>
    tpu.enqueue_indirect_dma source(%dma_start3A_25 : memref<10000x128xf32, #tpu.memory_space<hbm>>) target(%arg12 : memref<80x128xf32, #tpu.memory_space<vmem>>) offsets(%dma_start3A_22 : memref<80xi32, #tpu.memory_space<vmem>>) semaphore(%arg18 : memref<!tpu.dma_semaphore, #tpu.memory_space<semaphore_mem>>)
    %scan3A = arith.constant 0 : i32
    %scan3A_26 = arith.constant 0 : i32
    %scan3A_27 = arith.constant 31 : i32
    %scan3A_28 = arith.addi %scan3A_26, %scan3A_27 : i32
    %scan3A_29 = arith.constant 1 : i32
    scf.for %scan3A_79 = %scan3A_26 to %scan3A_28 step %scan3A_29  : i32 {
      %mul3A_80 = arith.constant 4 : i32
      %mul3A_81 = arith.muli %mul3A_80, %scan3A_79 : i32
      %add3A_82 = arith.constant 0 : i32
      %add3A_83 = arith.addi %mul3A_81, %add3A_82 : i32
      %add3A_84 = arith.constant 2 : i32
      %add3A_85 = arith.addi %add3A_83, %add3A_84 : i32
      %lt3A = arith.constant 125 : i32
      %lt3A_86 = arith.cmpi slt, %add3A_85, %lt3A : i32
      %convert_element_type3A = arith.extui %lt3A_86 : i1 to i32
      %cond3A = arith.constant 0 : i32
      %cond3A_87 = arith.cmpi ne, %convert_element_type3A, %cond3A : i32
      scf.if %cond3A_87 {
        %ge3A = arith.constant 2 : i32
        %ge3A_225 = arith.cmpi sge, %add3A_83, %ge3A : i32
        %convert_element_type3A_226 = arith.extui %ge3A_225 : i1 to i32
        %cond3A_227 = arith.constant 0 : i32
        %cond3A_228 = arith.cmpi ne, %convert_element_type3A_226, %cond3A_227 : i32
        scf.if %cond3A_228 {
          %dma_wait3A_245 = arith.constant 0 : i32
          %dma_wait3A_246 = arith.constant 0 : i32
          %dma_wait3A_247 = tpu.memref_slice %arg6[%dma_wait3A_245, %dma_wait3A_246] : memref<320000x128xf32, #tpu.memory_space<hbm>> -> memref<80x128xf32, #tpu.memory_space<hbm>>
          %dma_wait3A_248 = arith.constant 0 : i32
          %dma_wait3A_249 = arith.constant 0 : i32
          %dma_wait3A_250 = tpu.memref_slice %arg6[%dma_wait3A_248, %dma_wait3A_249] : memref<320000x128xf32, #tpu.memory_space<hbm>> -> memref<80x128xf32, #tpu.memory_space<hbm>>
          tpu.wait_dma2 semaphore(%arg23 : memref<!tpu.dma_semaphore, #tpu.memory_space<semaphore_mem>>) src(%arg13 : memref<80x128xf32, #tpu.memory_space<vmem>>) dst(%dma_wait3A_250 : memref<80x128xf32, #tpu.memory_space<hbm>>)
        } else {
        }
        %add3A_229 = arith.constant 2 : i32
        %add3A_230 = arith.addi %add3A_83, %add3A_229 : i32
        %mul3A_231 = arith.constant 80 : i32
        %mul3A_232 = arith.muli %add3A_230, %mul3A_231 : i32
        %multiple_of3A_233 = tpu.assume_multiple %mul3A_232, 80 : i32
        %dma_start3A_234 = tpu.memref_slice %arg7[%multiple_of3A_233] : memref<10000xi32, #tpu.memory_space<vmem>> -> memref<80xi32, #tpu.memory_space<vmem>>
        %dma_start3A_235 = arith.constant 0 : i32
        %dma_start3A_236 = arith.constant 0 : i32
        %dma_start3A_237 = tpu.memref_slice %arg2[%dma_start3A_235, %dma_start3A_236] : memref<10000x128xf32, #tpu.memory_space<hbm>> -> memref<10000x128xf32, #tpu.memory_space<hbm>>
        tpu.enqueue_indirect_dma source(%dma_start3A_237 : memref<10000x128xf32, #tpu.memory_space<hbm>>) target(%arg13 : memref<80x128xf32, #tpu.memory_space<vmem>>) offsets(%dma_start3A_234 : memref<80xi32, #tpu.memory_space<vmem>>) semaphore(%arg19 : memref<!tpu.dma_semaphore, #tpu.memory_space<semaphore_mem>>)
        %mul3A_238 = arith.constant 80 : i32
        %mul3A_239 = arith.muli %add3A_230, %mul3A_238 : i32
        %multiple_of3A_240 = tpu.assume_multiple %mul3A_239, 80 : i32
        %dma_start3A_241 = tpu.memref_slice %arg8[%multiple_of3A_240] : memref<10000xi32, #tpu.memory_space<vmem>> -> memref<80xi32, #tpu.memory_space<vmem>>
        %dma_start3A_242 = arith.constant 0 : i32
        %dma_start3A_243 = arith.constant 0 : i32
        %dma_start3A_244 = tpu.memref_slice %arg3[%dma_start3A_242, %dma_start3A_243] : memref<10000x128xf32, #tpu.memory_space<hbm>> -> memref<10000x128xf32, #tpu.memory_space<hbm>>
        tpu.enqueue_indirect_dma source(%dma_start3A_244 : memref<10000x128xf32, #tpu.memory_space<hbm>>) target(%arg14 : memref<80x128xf32, #tpu.memory_space<vmem>>) offsets(%dma_start3A_241 : memref<80xi32, #tpu.memory_space<vmem>>) semaphore(%arg19 : memref<!tpu.dma_semaphore, #tpu.memory_space<semaphore_mem>>)
      } else {
      }
      %dma_wait3A_88 = arith.constant 0 : i32
      %dma_wait3A_89 = arith.constant 0 : i32
      %dma_wait3A_90 = tpu.memref_slice %arg2[%dma_wait3A_88, %dma_wait3A_89] : memref<10000x128xf32, #tpu.memory_space<hbm>> -> memref<80x128xf32, #tpu.memory_space<hbm>>
      %dma_wait3A_91 = arith.constant 0 : i32
      %dma_wait3A_92 = arith.constant 0 : i32
      %dma_wait3A_93 = tpu.memref_slice %arg2[%dma_wait3A_91, %dma_wait3A_92] : memref<10000x128xf32, #tpu.memory_space<hbm>> -> memref<80x128xf32, #tpu.memory_space<hbm>>
      tpu.wait_dma2 semaphore(%arg17 : memref<!tpu.dma_semaphore, #tpu.memory_space<semaphore_mem>>) src(%dma_wait3A_93 : memref<80x128xf32, #tpu.memory_space<hbm>>) dst(%arg9 : memref<80x128xf32, #tpu.memory_space<vmem>>)
      %dma_wait3A_94 = arith.constant 0 : i32
      %dma_wait3A_95 = arith.constant 0 : i32
      %dma_wait3A_96 = tpu.memref_slice %arg3[%dma_wait3A_94, %dma_wait3A_95] : memref<10000x128xf32, #tpu.memory_space<hbm>> -> memref<80x128xf32, #tpu.memory_space<hbm>>
      %dma_wait3A_97 = arith.constant 0 : i32
      %dma_wait3A_98 = arith.constant 0 : i32
      %dma_wait3A_99 = tpu.memref_slice %arg3[%dma_wait3A_97, %dma_wait3A_98] : memref<10000x128xf32, #tpu.memory_space<hbm>> -> memref<80x128xf32, #tpu.memory_space<hbm>>
      tpu.wait_dma2 semaphore(%arg17 : memref<!tpu.dma_semaphore, #tpu.memory_space<semaphore_mem>>) src(%dma_wait3A_99 : memref<80x128xf32, #tpu.memory_space<hbm>>) dst(%arg10 : memref<80x128xf32, #tpu.memory_space<vmem>>)
      %scan3A_100 = arith.constant 0 : i32
      %scan3A_101 = arith.constant 0 : i32
      %scan3A_102 = arith.constant 80 : i32
      %scan3A_103 = arith.addi %scan3A_101, %scan3A_102 : i32
      %scan3A_104 = arith.constant 1 : i32
      scf.for %scan3A_225 = %scan3A_101 to %scan3A_103 step %scan3A_104  : i32 {
        %get3A = arith.index_cast %scan3A_225 : i32 to index
        %get3A_226 = arith.constant 0 : index
        %get3A_227 = tpu.vector_load %arg10[%get3A, %get3A_226] {strides = array<i32>} : memref<80x128xf32, #tpu.memory_space<vmem>>, vector<1x16xf32>,
        %get3A_228 = vector.shape_cast %get3A_227 : vector<1x16xf32> to vector<16xf32>
        %swap3A = arith.index_cast %scan3A_225 : i32 to index
        %swap3A_229 = arith.constant 0 : index
        %swap3A_230 = tpu.vector_load %arg9[%swap3A, %swap3A_229] {strides = array<i32>} : memref<80x128xf32, #tpu.memory_space<vmem>>, vector<1x16xf32>,
        %swap3A_231 = vector.shape_cast %swap3A_230 : vector<1x16xf32> to vector<16xf32>
        %swap3A_232 = vector.shape_cast %get3A_228 : vector<16xf32> to vector<1x16xf32>
        tpu.vector_store %arg9[%swap3A, %swap3A_229], %swap3A_232 {add = true, strides = array<i32>} : memref<80x128xf32, #tpu.memory_space<vmem>>, vector<1x16xf32>,
        %get3A_233 = arith.index_cast %scan3A_225 : i32 to index
        %get3A_234 = arith.constant 16 : index
        %get3A_235 = tpu.vector_load %arg10[%get3A_233, %get3A_234] {strides = array<i32>} : memref<80x128xf32, #tpu.memory_space<vmem>>, vector<1x16xf32>,
        %get3A_236 = vector.shape_cast %get3A_235 : vector<1x16xf32> to vector<16xf32>
        %swap3A_237 = arith.index_cast %scan3A_225 : i32 to index
        %swap3A_238 = arith.constant 16 : index
        %swap3A_239 = tpu.vector_load %arg9[%swap3A_237, %swap3A_238] {strides = array<i32>} : memref<80x128xf32, #tpu.memory_space<vmem>>, vector<1x16xf32>,
        %swap3A_240 = vector.shape_cast %swap3A_239 : vector<1x16xf32> to vector<16xf32>
        %swap3A_241 = vector.shape_cast %get3A_236 : vector<16xf32> to vector<1x16xf32>
        tpu.vector_store %arg9[%swap3A_237, %swap3A_238], %swap3A_241 {add = true, strides = array<i32>} : memref<80x128xf32, #tpu.memory_space<vmem>>, vector<1x16xf32>,
        %get3A_242 = arith.index_cast %scan3A_225 : i32 to index
        %get3A_243 = arith.constant 32 : index
        %get3A_244 = tpu.vector_load %arg10[%get3A_242, %get3A_243] {strides = array<i32>} : memref<80x128xf32, #tpu.memory_space<vmem>>, vector<1x16xf32>,
        %get3A_245 = vector.shape_cast %get3A_244 : vector<1x16xf32> to vector<16xf32>
        %swap3A_246 = arith.index_cast %scan3A_225 : i32 to index
        %swap3A_247 = arith.constant 32 : index
        %swap3A_248 = tpu.vector_load %arg9[%swap3A_246, %swap3A_247] {strides = array<i32>} : memref<80x128xf32, #tpu.memory_space<vmem>>, vector<1x16xf32>,
        %swap3A_249 = vector.shape_cast %swap3A_248 : vector<1x16xf32> to vector<16xf32>
        %swap3A_250 = vector.shape_cast %get3A_245 : vector<16xf32> to vector<1x16xf32>
        tpu.vector_store %arg9[%swap3A_246, %swap3A_247], %swap3A_250 {add = true, strides = array<i32>} : memref<80x128xf32, #tpu.memory_space<vmem>>, vector<1x16xf32>,
        %get3A_251 = arith.index_cast %scan3A_225 : i32 to index
        %get3A_252 = arith.constant 48 : index
        %get3A_253 = tpu.vector_load %arg10[%get3A_251, %get3A_252] {strides = array<i32>} : memref<80x128xf32, #tpu.memory_space<vmem>>, vector<1x16xf32>,
        %get3A_254 = vector.shape_cast %get3A_253 : vector<1x16xf32> to vector<16xf32>
        %swap3A_255 = arith.index_cast %scan3A_225 : i32 to index
        %swap3A_256 = arith.constant 48 : index
        %swap3A_257 = tpu.vector_load %arg9[%swap3A_255, %swap3A_256] {strides = array<i32>} : memref<80x128xf32, #tpu.memory_space<vmem>>, vector<1x16xf32>,
        %swap3A_258 = vector.shape_cast %swap3A_257 : vector<1x16xf32> to vector<16xf32>
        %swap3A_259 = vector.shape_cast %get3A_254 : vector<16xf32> to vector<1x16xf32>
        tpu.vector_store %arg9[%swap3A_255, %swap3A_256], %swap3A_259 {add = true, strides = array<i32>} : memref<80x128xf32, #tpu.memory_space<vmem>>, vector<1x16xf32>,
        %get3A_260 = arith.index_cast %scan3A_225 : i32 to index
        %get3A_261 = arith.constant 64 : index
        %get3A_262 = tpu.vector_load %arg10[%get3A_260, %get3A_261] {strides = array<i32>} : memref<80x128xf32, #tpu.memory_space<vmem>>, vector<1x16xf32>,
        %get3A_263 = vector.shape_cast %get3A_262 : vector<1x16xf32> to vector<16xf32>
        %swap3A_264 = arith.index_cast %scan3A_225 : i32 to index
        %swap3A_265 = arith.constant 64 : index
        %swap3A_266 = tpu.vector_load %arg9[%swap3A_264, %swap3A_265] {strides = array<i32>} : memref<80x128xf32, #tpu.memory_space<vmem>>, vector<1x16xf32>,
        %swap3A_267 = vector.shape_cast %swap3A_266 : vector<1x16xf32> to vector<16xf32>
        %swap3A_268 = vector.shape_cast %get3A_263 : vector<16xf32> to vector<1x16xf32>
        tpu.vector_store %arg9[%swap3A_264, %swap3A_265], %swap3A_268 {add = true, strides = array<i32>} : memref<80x128xf32, #tpu.memory_space<vmem>>, vector<1x16xf32>,
        %get3A_269 = arith.index_cast %scan3A_225 : i32 to index
        %get3A_270 = arith.constant 80 : index
        %get3A_271 = tpu.vector_load %arg10[%get3A_269, %get3A_270] {strides = array<i32>} : memref<80x128xf32, #tpu.memory_space<vmem>>, vector<1x16xf32>,
        %get3A_272 = vector.shape_cast %get3A_271 : vector<1x16xf32> to vector<16xf32>
        %swap3A_273 = arith.index_cast %scan3A_225 : i32 to index
        %swap3A_274 = arith.constant 80 : index
        %swap3A_275 = tpu.vector_load %arg9[%swap3A_273, %swap3A_274] {strides = array<i32>} : memref<80x128xf32, #tpu.memory_space<vmem>>, vector<1x16xf32>,
        %swap3A_276 = vector.shape_cast %swap3A_275 : vector<1x16xf32> to vector<16xf32>
        %swap3A_277 = vector.shape_cast %get3A_272 : vector<16xf32> to vector<1x16xf32>
        tpu.vector_store %arg9[%swap3A_273, %swap3A_274], %swap3A_277 {add = true, strides = array<i32>} : memref<80x128xf32, #tpu.memory_space<vmem>>, vector<1x16xf32>,
        %get3A_278 = arith.index_cast %scan3A_225 : i32 to index
        %get3A_279 = arith.constant 96 : index
        %get3A_280 = tpu.vector_load %arg10[%get3A_278, %get3A_279] {strides = array<i32>} : memref<80x128xf32, #tpu.memory_space<vmem>>, vector<1x16xf32>,
        %get3A_281 = vector.shape_cast %get3A_280 : vector<1x16xf32> to vector<16xf32>
        %swap3A_282 = arith.index_cast %scan3A_225 : i32 to index
        %swap3A_283 = arith.constant 96 : index
        %swap3A_284 = tpu.vector_load %arg9[%swap3A_282, %swap3A_283] {strides = array<i32>} : memref<80x128xf32, #tpu.memory_space<vmem>>, vector<1x16xf32>,
        %swap3A_285 = vector.shape_cast %swap3A_284 : vector<1x16xf32> to vector<16xf32>
        %swap3A_286 = vector.shape_cast %get3A_281 : vector<16xf32> to vector<1x16xf32>
        tpu.vector_store %arg9[%swap3A_282, %swap3A_283], %swap3A_286 {add = true, strides = array<i32>} : memref<80x128xf32, #tpu.memory_space<vmem>>, vector<1x16xf32>,
        %get3A_287 = arith.index_cast %scan3A_225 : i32 to index
        %get3A_288 = arith.constant 112 : index
        %get3A_289 = tpu.vector_load %arg10[%get3A_287, %get3A_288] {strides = array<i32>} : memref<80x128xf32, #tpu.memory_space<vmem>>, vector<1x16xf32>,
        %get3A_290 = vector.shape_cast %get3A_289 : vector<1x16xf32> to vector<16xf32>
        %swap3A_291 = arith.index_cast %scan3A_225 : i32 to index
        %swap3A_292 = arith.constant 112 : index
        %swap3A_293 = tpu.vector_load %arg9[%swap3A_291, %swap3A_292] {strides = array<i32>} : memref<80x128xf32, #tpu.memory_space<vmem>>, vector<1x16xf32>,
        %swap3A_294 = vector.shape_cast %swap3A_293 : vector<1x16xf32> to vector<16xf32>
        %swap3A_295 = vector.shape_cast %get3A_290 : vector<16xf32> to vector<1x16xf32>
        tpu.vector_store %arg9[%swap3A_291, %swap3A_292], %swap3A_295 {add = true, strides = array<i32>} : memref<80x128xf32, #tpu.memory_space<vmem>>, vector<1x16xf32>,
      }
      %scan3A_105 = arith.constant 80 : i32
      %mul3A_106 = arith.constant 80 : i32
      %mul3A_107 = arith.muli %add3A_83, %mul3A_106 : i32
      %add3A_108 = arith.addi %multiple_of3A, %mul3A_107 : i32
      %multiple_of3A_109 = tpu.assume_multiple %add3A_108, 80 : i32
      %dma_start3A_110 = arith.constant 0 : i32
      %dma_start3A_111 = tpu.memref_slice %arg6[%multiple_of3A_109, %dma_start3A_110] : memref<320000x128xf32, #tpu.memory_space<hbm>> -> memref<80x128xf32, #tpu.memory_space<hbm>>
      %dma_start3A_112 = arith.constant 0 : i32
      %dma_start3A_113 = tpu.memref_slice %arg6[%multiple_of3A_109, %dma_start3A_112] : memref<320000x128xf32, #tpu.memory_space<hbm>> -> memref<80x128xf32, #tpu.memory_space<hbm>>
      tpu.enqueue_dma source(%arg9 : memref<80x128xf32, #tpu.memory_space<vmem>>) target(%dma_start3A_113 : memref<80x128xf32, #tpu.memory_space<hbm>>) target_semaphore(%arg21 : memref<!tpu.dma_semaphore, #tpu.memory_space<semaphore_mem>>)
      %mul3A_114 = arith.constant 4 : i32
      %mul3A_115 = arith.muli %mul3A_114, %scan3A_79 : i32
      %add3A_116 = arith.constant 1 : i32
      %add3A_117 = arith.addi %mul3A_115, %add3A_116 : i32
      %add3A_118 = arith.constant 2 : i32
      %add3A_119 = arith.addi %add3A_117, %add3A_118 : i32
      %lt3A_120 = arith.constant 125 : i32
      %lt3A_121 = arith.cmpi slt, %add3A_119, %lt3A_120 : i32
      %convert_element_type3A_122 = arith.extui %lt3A_121 : i1 to i32
      %cond3A_123 = arith.constant 0 : i32
      %cond3A_124 = arith.cmpi ne, %convert_element_type3A_122, %cond3A_123 : i32
      scf.if %cond3A_124 {
        %ge3A = arith.constant 2 : i32
        %ge3A_225 = arith.cmpi sge, %add3A_117, %ge3A : i32
        %convert_element_type3A_226 = arith.extui %ge3A_225 : i1 to i32
        %cond3A_227 = arith.constant 0 : i32
        %cond3A_228 = arith.cmpi ne, %convert_element_type3A_226, %cond3A_227 : i32
        scf.if %cond3A_228 {
          %dma_wait3A_245 = arith.constant 0 : i32
          %dma_wait3A_246 = arith.constant 0 : i32
          %dma_wait3A_247 = tpu.memref_slice %arg6[%dma_wait3A_245, %dma_wait3A_246] : memref<320000x128xf32, #tpu.memory_space<hbm>> -> memref<80x128xf32, #tpu.memory_space<hbm>>
          %dma_wait3A_248 = arith.constant 0 : i32
          %dma_wait3A_249 = arith.constant 0 : i32
          %dma_wait3A_250 = tpu.memref_slice %arg6[%dma_wait3A_248, %dma_wait3A_249] : memref<320000x128xf32, #tpu.memory_space<hbm>> -> memref<80x128xf32, #tpu.memory_space<hbm>>
          tpu.wait_dma2 semaphore(%arg24 : memref<!tpu.dma_semaphore, #tpu.memory_space<semaphore_mem>>) src(%arg15 : memref<80x128xf32, #tpu.memory_space<vmem>>) dst(%dma_wait3A_250 : memref<80x128xf32, #tpu.memory_space<hbm>>)
        } else {
        }
        %add3A_229 = arith.constant 2 : i32
        %add3A_230 = arith.addi %add3A_117, %add3A_229 : i32
        %mul3A_231 = arith.constant 80 : i32
        %mul3A_232 = arith.muli %add3A_230, %mul3A_231 : i32
        %multiple_of3A_233 = tpu.assume_multiple %mul3A_232, 80 : i32
        %dma_start3A_234 = tpu.memref_slice %arg7[%multiple_of3A_233] : memref<10000xi32, #tpu.memory_space<vmem>> -> memref<80xi32, #tpu.memory_space<vmem>>
        %dma_start3A_235 = arith.constant 0 : i32
        %dma_start3A_236 = arith.constant 0 : i32
        %dma_start3A_237 = tpu.memref_slice %arg2[%dma_start3A_235, %dma_start3A_236] : memref<10000x128xf32, #tpu.memory_space<hbm>> -> memref<10000x128xf32, #tpu.memory_space<hbm>>
        tpu.enqueue_indirect_dma source(%dma_start3A_237 : memref<10000x128xf32, #tpu.memory_space<hbm>>) target(%arg15 : memref<80x128xf32, #tpu.memory_space<vmem>>) offsets(%dma_start3A_234 : memref<80xi32, #tpu.memory_space<vmem>>) semaphore(%arg20 : memref<!tpu.dma_semaphore, #tpu.memory_space<semaphore_mem>>)
        %mul3A_238 = arith.constant 80 : i32
        %mul3A_239 = arith.muli %add3A_230, %mul3A_238 : i32
        %multiple_of3A_240 = tpu.assume_multiple %mul3A_239, 80 : i32
        %dma_start3A_241 = tpu.memref_slice %arg8[%multiple_of3A_240] : memref<10000xi32, #tpu.memory_space<vmem>> -> memref<80xi32, #tpu.memory_space<vmem>>
        %dma_start3A_242 = arith.constant 0 : i32
        %dma_start3A_243 = arith.constant 0 : i32
        %dma_start3A_244 = tpu.memref_slice %arg3[%dma_start3A_242, %dma_start3A_243] : memref<10000x128xf32, #tpu.memory_space<hbm>> -> memref<10000x128xf32, #tpu.memory_space<hbm>>
        tpu.enqueue_indirect_dma source(%dma_start3A_244 : memref<10000x128xf32, #tpu.memory_space<hbm>>) target(%arg16 : memref<80x128xf32, #tpu.memory_space<vmem>>) offsets(%dma_start3A_241 : memref<80xi32, #tpu.memory_space<vmem>>) semaphore(%arg20 : memref<!tpu.dma_semaphore, #tpu.memory_space<semaphore_mem>>)
      } else {
      }
      %dma_wait3A_125 = arith.constant 0 : i32
      %dma_wait3A_126 = arith.constant 0 : i32
      %dma_wait3A_127 = tpu.memref_slice %arg2[%dma_wait3A_125, %dma_wait3A_126] : memref<10000x128xf32, #tpu.memory_space<hbm>> -> memref<80x128xf32, #tpu.memory_space<hbm>>
      %dma_wait3A_128 = arith.constant 0 : i32
      %dma_wait3A_129 = arith.constant 0 : i32
      %dma_wait3A_130 = tpu.memref_slice %arg2[%dma_wait3A_128, %dma_wait3A_129] : memref<10000x128xf32, #tpu.memory_space<hbm>> -> memref<80x128xf32, #tpu.memory_space<hbm>>
      tpu.wait_dma2 semaphore(%arg18 : memref<!tpu.dma_semaphore, #tpu.memory_space<semaphore_mem>>) src(%dma_wait3A_130 : memref<80x128xf32, #tpu.memory_space<hbm>>) dst(%arg11 : memref<80x128xf32, #tpu.memory_space<vmem>>)
      %dma_wait3A_131 = arith.constant 0 : i32
      %dma_wait3A_132 = arith.constant 0 : i32
      %dma_wait3A_133 = tpu.memref_slice %arg3[%dma_wait3A_131, %dma_wait3A_132] : memref<10000x128xf32, #tpu.memory_space<hbm>> -> memref<80x128xf32, #tpu.memory_space<hbm>>
      %dma_wait3A_134 = arith.constant 0 : i32
      %dma_wait3A_135 = arith.constant 0 : i32
      %dma_wait3A_136 = tpu.memref_slice %arg3[%dma_wait3A_134, %dma_wait3A_135] : memref<10000x128xf32, #tpu.memory_space<hbm>> -> memref<80x128xf32, #tpu.memory_space<hbm>>
      tpu.wait_dma2 semaphore(%arg18 : memref<!tpu.dma_semaphore, #tpu.memory_space<semaphore_mem>>) src(%dma_wait3A_136 : memref<80x128xf32, #tpu.memory_space<hbm>>) dst(%arg12 : memref<80x128xf32, #tpu.memory_space<vmem>>)
      %scan3A_137 = arith.constant 0 : i32
      %scan3A_138 = arith.constant 0 : i32
      %scan3A_139 = arith.constant 80 : i32
      %scan3A_140 = arith.addi %scan3A_138, %scan3A_139 : i32
      %scan3A_141 = arith.constant 1 : i32
      scf.for %scan3A_225 = %scan3A_138 to %scan3A_140 step %scan3A_141  : i32 {
        %get3A = arith.index_cast %scan3A_225 : i32 to index
        %get3A_226 = arith.constant 0 : index
        %get3A_227 = tpu.vector_load %arg12[%get3A, %get3A_226] {strides = array<i32>} : memref<80x128xf32, #tpu.memory_space<vmem>>, vector<1x16xf32>,
        %get3A_228 = vector.shape_cast %get3A_227 : vector<1x16xf32> to vector<16xf32>
        %swap3A = arith.index_cast %scan3A_225 : i32 to index
        %swap3A_229 = arith.constant 0 : index
        %swap3A_230 = tpu.vector_load %arg11[%swap3A, %swap3A_229] {strides = array<i32>} : memref<80x128xf32, #tpu.memory_space<vmem>>, vector<1x16xf32>,
        %swap3A_231 = vector.shape_cast %swap3A_230 : vector<1x16xf32> to vector<16xf32>
        %swap3A_232 = vector.shape_cast %get3A_228 : vector<16xf32> to vector<1x16xf32>
        tpu.vector_store %arg11[%swap3A, %swap3A_229], %swap3A_232 {add = true, strides = array<i32>} : memref<80x128xf32, #tpu.memory_space<vmem>>, vector<1x16xf32>,
        %get3A_233 = arith.index_cast %scan3A_225 : i32 to index
        %get3A_234 = arith.constant 16 : index
        %get3A_235 = tpu.vector_load %arg12[%get3A_233, %get3A_234] {strides = array<i32>} : memref<80x128xf32, #tpu.memory_space<vmem>>, vector<1x16xf32>,
        %get3A_236 = vector.shape_cast %get3A_235 : vector<1x16xf32> to vector<16xf32>
        %swap3A_237 = arith.index_cast %scan3A_225 : i32 to index
        %swap3A_238 = arith.constant 16 : index
        %swap3A_239 = tpu.vector_load %arg11[%swap3A_237, %swap3A_238] {strides = array<i32>} : memref<80x128xf32, #tpu.memory_space<vmem>>, vector<1x16xf32>,
        %swap3A_240 = vector.shape_cast %swap3A_239 : vector<1x16xf32> to vector<16xf32>
        %swap3A_241 = vector.shape_cast %get3A_236 : vector<16xf32> to vector<1x16xf32>
        tpu.vector_store %arg11[%swap3A_237, %swap3A_238], %swap3A_241 {add = true, strides = array<i32>} : memref<80x128xf32, #tpu.memory_space<vmem>>, vector<1x16xf32>,
        %get3A_242 = arith.index_cast %scan3A_225 : i32 to index
        %get3A_243 = arith.constant 32 : index
        %get3A_244 = tpu.vector_load %arg12[%get3A_242, %get3A_243] {strides = array<i32>} : memref<80x128xf32, #tpu.memory_space<vmem>>, vector<1x16xf32>,
        %get3A_245 = vector.shape_cast %get3A_244 : vector<1x16xf32> to vector<16xf32>
        %swap3A_246 = arith.index_cast %scan3A_225 : i32 to index
        %swap3A_247 = arith.constant 32 : index
        %swap3A_248 = tpu.vector_load %arg11[%swap3A_246, %swap3A_247] {strides = array<i32>} : memref<80x128xf32, #tpu.memory_space<vmem>>, vector<1x16xf32>,
        %swap3A_249 = vector.shape_cast %swap3A_248 : vector<1x16xf32> to vector<16xf32>
        %swap3A_250 = vector.shape_cast %get3A_245 : vector<16xf32> to vector<1x16xf32>
        tpu.vector_store %arg11[%swap3A_246, %swap3A_247], %swap3A_250 {add = true, strides = array<i32>} : memref<80x128xf32, #tpu.memory_space<vmem>>, vector<1x16xf32>,
        %get3A_251 = arith.index_cast %scan3A_225 : i32 to index
        %get3A_252 = arith.constant 48 : index
        %get3A_253 = tpu.vector_load %arg12[%get3A_251, %get3A_252] {strides = array<i32>} : memref<80x128xf32, #tpu.memory_space<vmem>>, vector<1x16xf32>,
        %get3A_254 = vector.shape_cast %get3A_253 : vector<1x16xf32> to vector<16xf32>
        %swap3A_255 = arith.index_cast %scan3A_225 : i32 to index
        %swap3A_256 = arith.constant 48 : index
        %swap3A_257 = tpu.vector_load %arg11[%swap3A_255, %swap3A_256] {strides = array<i32>} : memref<80x128xf32, #tpu.memory_space<vmem>>, vector<1x16xf32>,
        %swap3A_258 = vector.shape_cast %swap3A_257 : vector<1x16xf32> to vector<16xf32>
        %swap3A_259 = vector.shape_cast %get3A_254 : vector<16xf32> to vector<1x16xf32>
        tpu.vector_store %arg11[%swap3A_255, %swap3A_256], %swap3A_259 {add = true, strides = array<i32>} : memref<80x128xf32, #tpu.memory_space<vmem>>, vector<1x16xf32>,
        %get3A_260 = arith.index_cast %scan3A_225 : i32 to index
        %get3A_261 = arith.constant 64 : index
        %get3A_262 = tpu.vector_load %arg12[%get3A_260, %get3A_261] {strides = array<i32>} : memref<80x128xf32, #tpu.memory_space<vmem>>, vector<1x16xf32>,
        %get3A_263 = vector.shape_cast %get3A_262 : vector<1x16xf32> to vector<16xf32>
        %swap3A_264 = arith.index_cast %scan3A_225 : i32 to index
        %swap3A_265 = arith.constant 64 : index
        %swap3A_266 = tpu.vector_load %arg11[%swap3A_264, %swap3A_265] {strides = array<i32>} : memref<80x128xf32, #tpu.memory_space<vmem>>, vector<1x16xf32>,
        %swap3A_267 = vector.shape_cast %swap3A_266 : vector<1x16xf32> to vector<16xf32>
        %swap3A_268 = vector.shape_cast %get3A_263 : vector<16xf32> to vector<1x16xf32>
        tpu.vector_store %arg11[%swap3A_264, %swap3A_265], %swap3A_268 {add = true, strides = array<i32>} : memref<80x128xf32, #tpu.memory_space<vmem>>, vector<1x16xf32>,
        %get3A_269 = arith.index_cast %scan3A_225 : i32 to index
        %get3A_270 = arith.constant 80 : index
        %get3A_271 = tpu.vector_load %arg12[%get3A_269, %get3A_270] {strides = array<i32>} : memref<80x128xf32, #tpu.memory_space<vmem>>, vector<1x16xf32>,
        %get3A_272 = vector.shape_cast %get3A_271 : vector<1x16xf32> to vector<16xf32>
        %swap3A_273 = arith.index_cast %scan3A_225 : i32 to index
        %swap3A_274 = arith.constant 80 : index
        %swap3A_275 = tpu.vector_load %arg11[%swap3A_273, %swap3A_274] {strides = array<i32>} : memref<80x128xf32, #tpu.memory_space<vmem>>, vector<1x16xf32>,
        %swap3A_276 = vector.shape_cast %swap3A_275 : vector<1x16xf32> to vector<16xf32>
        %swap3A_277 = vector.shape_cast %get3A_272 : vector<16xf32> to vector<1x16xf32>
        tpu.vector_store %arg11[%swap3A_273, %swap3A_274], %swap3A_277 {add = true, strides = array<i32>} : memref<80x128xf32, #tpu.memory_space<vmem>>, vector<1x16xf32>,
        %get3A_278 = arith.index_cast %scan3A_225 : i32 to index
        %get3A_279 = arith.constant 96 : index
        %get3A_280 = tpu.vector_load %arg12[%get3A_278, %get3A_279] {strides = array<i32>} : memref<80x128xf32, #tpu.memory_space<vmem>>, vector<1x16xf32>,
        %get3A_281 = vector.shape_cast %get3A_280 : vector<1x16xf32> to vector<16xf32>
        %swap3A_282 = arith.index_cast %scan3A_225 : i32 to index
        %swap3A_283 = arith.constant 96 : index
        %swap3A_284 = tpu.vector_load %arg11[%swap3A_282, %swap3A_283] {strides = array<i32>} : memref<80x128xf32, #tpu.memory_space<vmem>>, vector<1x16xf32>,
        %swap3A_285 = vector.shape_cast %swap3A_284 : vector<1x16xf32> to vector<16xf32>
        %swap3A_286 = vector.shape_cast %get3A_281 : vector<16xf32> to vector<1x16xf32>
        tpu.vector_store %arg11[%swap3A_282, %swap3A_283], %swap3A_286 {add = true, strides = array<i32>} : memref<80x128xf32, #tpu.memory_space<vmem>>, vector<1x16xf32>,
        %get3A_287 = arith.index_cast %scan3A_225 : i32 to index
        %get3A_288 = arith.constant 112 : index
        %get3A_289 = tpu.vector_load %arg12[%get3A_287, %get3A_288] {strides = array<i32>} : memref<80x128xf32, #tpu.memory_space<vmem>>, vector<1x16xf32>,
        %get3A_290 = vector.shape_cast %get3A_289 : vector<1x16xf32> to vector<16xf32>
        %swap3A_291 = arith.index_cast %scan3A_225 : i32 to index
        %swap3A_292 = arith.constant 112 : index
        %swap3A_293 = tpu.vector_load %arg11[%swap3A_291, %swap3A_292] {strides = array<i32>} : memref<80x128xf32, #tpu.memory_space<vmem>>, vector<1x16xf32>,
        %swap3A_294 = vector.shape_cast %swap3A_293 : vector<1x16xf32> to vector<16xf32>
        %swap3A_295 = vector.shape_cast %get3A_290 : vector<16xf32> to vector<1x16xf32>
        tpu.vector_store %arg11[%swap3A_291, %swap3A_292], %swap3A_295 {add = true, strides = array<i32>} : memref<80x128xf32, #tpu.memory_space<vmem>>, vector<1x16xf32>,
      }
      %scan3A_142 = arith.constant 80 : i32
      %mul3A_143 = arith.constant 80 : i32
      %mul3A_144 = arith.muli %add3A_117, %mul3A_143 : i32
      %add3A_145 = arith.addi %multiple_of3A, %mul3A_144 : i32
      %multiple_of3A_146 = tpu.assume_multiple %add3A_145, 80 : i32
      %dma_start3A_147 = arith.constant 0 : i32
      %dma_start3A_148 = tpu.memref_slice %arg6[%multiple_of3A_146, %dma_start3A_147] : memref<320000x128xf32, #tpu.memory_space<hbm>> -> memref<80x128xf32, #tpu.memory_space<hbm>>
      %dma_start3A_149 = arith.constant 0 : i32
      %dma_start3A_150 = tpu.memref_slice %arg6[%multiple_of3A_146, %dma_start3A_149] : memref<320000x128xf32, #tpu.memory_space<hbm>> -> memref<80x128xf32, #tpu.memory_space<hbm>>
      tpu.enqueue_dma source(%arg11 : memref<80x128xf32, #tpu.memory_space<vmem>>) target(%dma_start3A_150 : memref<80x128xf32, #tpu.memory_space<hbm>>) target_semaphore(%arg22 : memref<!tpu.dma_semaphore, #tpu.memory_space<semaphore_mem>>)
      %mul3A_151 = arith.constant 4 : i32
      %mul3A_152 = arith.muli %mul3A_151, %scan3A_79 : i32
      %add3A_153 = arith.constant 2 : i32
      %add3A_154 = arith.addi %mul3A_152, %add3A_153 : i32
      %add3A_155 = arith.constant 2 : i32
      %add3A_156 = arith.addi %add3A_154, %add3A_155 : i32
      %lt3A_157 = arith.constant 125 : i32
      %lt3A_158 = arith.cmpi slt, %add3A_156, %lt3A_157 : i32
      %convert_element_type3A_159 = arith.extui %lt3A_158 : i1 to i32
      %cond3A_160 = arith.constant 0 : i32
      %cond3A_161 = arith.cmpi ne, %convert_element_type3A_159, %cond3A_160 : i32
      scf.if %cond3A_161 {
        %ge3A = arith.constant 2 : i32
        %ge3A_225 = arith.cmpi sge, %add3A_154, %ge3A : i32
        %convert_element_type3A_226 = arith.extui %ge3A_225 : i1 to i32
        %cond3A_227 = arith.constant 0 : i32
        %cond3A_228 = arith.cmpi ne, %convert_element_type3A_226, %cond3A_227 : i32
        scf.if %cond3A_228 {
          %dma_wait3A_245 = arith.constant 0 : i32
          %dma_wait3A_246 = arith.constant 0 : i32
          %dma_wait3A_247 = tpu.memref_slice %arg6[%dma_wait3A_245, %dma_wait3A_246] : memref<320000x128xf32, #tpu.memory_space<hbm>> -> memref<80x128xf32, #tpu.memory_space<hbm>>
          %dma_wait3A_248 = arith.constant 0 : i32
          %dma_wait3A_249 = arith.constant 0 : i32
          %dma_wait3A_250 = tpu.memref_slice %arg6[%dma_wait3A_248, %dma_wait3A_249] : memref<320000x128xf32, #tpu.memory_space<hbm>> -> memref<80x128xf32, #tpu.memory_space<hbm>>
          tpu.wait_dma2 semaphore(%arg21 : memref<!tpu.dma_semaphore, #tpu.memory_space<semaphore_mem>>) src(%arg9 : memref<80x128xf32, #tpu.memory_space<vmem>>) dst(%dma_wait3A_250 : memref<80x128xf32, #tpu.memory_space<hbm>>)
        } else {
        }
        %add3A_229 = arith.constant 2 : i32
        %add3A_230 = arith.addi %add3A_154, %add3A_229 : i32
        %mul3A_231 = arith.constant 80 : i32
        %mul3A_232 = arith.muli %add3A_230, %mul3A_231 : i32
        %multiple_of3A_233 = tpu.assume_multiple %mul3A_232, 80 : i32
        %dma_start3A_234 = tpu.memref_slice %arg7[%multiple_of3A_233] : memref<10000xi32, #tpu.memory_space<vmem>> -> memref<80xi32, #tpu.memory_space<vmem>>
        %dma_start3A_235 = arith.constant 0 : i32
        %dma_start3A_236 = arith.constant 0 : i32
        %dma_start3A_237 = tpu.memref_slice %arg2[%dma_start3A_235, %dma_start3A_236] : memref<10000x128xf32, #tpu.memory_space<hbm>> -> memref<10000x128xf32, #tpu.memory_space<hbm>>
        tpu.enqueue_indirect_dma source(%dma_start3A_237 : memref<10000x128xf32, #tpu.memory_space<hbm>>) target(%arg9 : memref<80x128xf32, #tpu.memory_space<vmem>>) offsets(%dma_start3A_234 : memref<80xi32, #tpu.memory_space<vmem>>) semaphore(%arg17 : memref<!tpu.dma_semaphore, #tpu.memory_space<semaphore_mem>>)
        %mul3A_238 = arith.constant 80 : i32
        %mul3A_239 = arith.muli %add3A_230, %mul3A_238 : i32
        %multiple_of3A_240 = tpu.assume_multiple %mul3A_239, 80 : i32
        %dma_start3A_241 = tpu.memref_slice %arg8[%multiple_of3A_240] : memref<10000xi32, #tpu.memory_space<vmem>> -> memref<80xi32, #tpu.memory_space<vmem>>
        %dma_start3A_242 = arith.constant 0 : i32
        %dma_start3A_243 = arith.constant 0 : i32
        %dma_start3A_244 = tpu.memref_slice %arg3[%dma_start3A_242, %dma_start3A_243] : memref<10000x128xf32, #tpu.memory_space<hbm>> -> memref<10000x128xf32, #tpu.memory_space<hbm>>
        tpu.enqueue_indirect_dma source(%dma_start3A_244 : memref<10000x128xf32, #tpu.memory_space<hbm>>) target(%arg10 : memref<80x128xf32, #tpu.memory_space<vmem>>) offsets(%dma_start3A_241 : memref<80xi32, #tpu.memory_space<vmem>>) semaphore(%arg17 : memref<!tpu.dma_semaphore, #tpu.memory_space<semaphore_mem>>)
      } else {
      }
      %dma_wait3A_162 = arith.constant 0 : i32
      %dma_wait3A_163 = arith.constant 0 : i32
      %dma_wait3A_164 = tpu.memref_slice %arg2[%dma_wait3A_162, %dma_wait3A_163] : memref<10000x128xf32, #tpu.memory_space<hbm>> -> memref<80x128xf32, #tpu.memory_space<hbm>>
      %dma_wait3A_165 = arith.constant 0 : i32
      %dma_wait3A_166 = arith.constant 0 : i32
      %dma_wait3A_167 = tpu.memref_slice %arg2[%dma_wait3A_165, %dma_wait3A_166] : memref<10000x128xf32, #tpu.memory_space<hbm>> -> memref<80x128xf32, #tpu.memory_space<hbm>>
      tpu.wait_dma2 semaphore(%arg19 : memref<!tpu.dma_semaphore, #tpu.memory_space<semaphore_mem>>) src(%dma_wait3A_167 : memref<80x128xf32, #tpu.memory_space<hbm>>) dst(%arg13 : memref<80x128xf32, #tpu.memory_space<vmem>>)
      %dma_wait3A_168 = arith.constant 0 : i32
      %dma_wait3A_169 = arith.constant 0 : i32
      %dma_wait3A_170 = tpu.memref_slice %arg3[%dma_wait3A_168, %dma_wait3A_169] : memref<10000x128xf32, #tpu.memory_space<hbm>> -> memref<80x128xf32, #tpu.memory_space<hbm>>
      %dma_wait3A_171 = arith.constant 0 : i32
      %dma_wait3A_172 = arith.constant 0 : i32
      %dma_wait3A_173 = tpu.memref_slice %arg3[%dma_wait3A_171, %dma_wait3A_172] : memref<10000x128xf32, #tpu.memory_space<hbm>> -> memref<80x128xf32, #tpu.memory_space<hbm>>
      tpu.wait_dma2 semaphore(%arg19 : memref<!tpu.dma_semaphore, #tpu.memory_space<semaphore_mem>>) src(%dma_wait3A_173 : memref<80x128xf32, #tpu.memory_space<hbm>>) dst(%arg14 : memref<80x128xf32, #tpu.memory_space<vmem>>)
      %scan3A_174 = arith.constant 0 : i32
      %scan3A_175 = arith.constant 0 : i32
      %scan3A_176 = arith.constant 80 : i32
      %scan3A_177 = arith.addi %scan3A_175, %scan3A_176 : i32
      %scan3A_178 = arith.constant 1 : i32
      scf.for %scan3A_225 = %scan3A_175 to %scan3A_177 step %scan3A_178  : i32 {
        %get3A = arith.index_cast %scan3A_225 : i32 to index
        %get3A_226 = arith.constant 0 : index
        %get3A_227 = tpu.vector_load %arg14[%get3A, %get3A_226] {strides = array<i32>} : memref<80x128xf32, #tpu.memory_space<vmem>>, vector<1x16xf32>,
        %get3A_228 = vector.shape_cast %get3A_227 : vector<1x16xf32> to vector<16xf32>
        %swap3A = arith.index_cast %scan3A_225 : i32 to index
        %swap3A_229 = arith.constant 0 : index
        %swap3A_230 = tpu.vector_load %arg13[%swap3A, %swap3A_229] {strides = array<i32>} : memref<80x128xf32, #tpu.memory_space<vmem>>, vector<1x16xf32>,
        %swap3A_231 = vector.shape_cast %swap3A_230 : vector<1x16xf32> to vector<16xf32>
        %swap3A_232 = vector.shape_cast %get3A_228 : vector<16xf32> to vector<1x16xf32>
        tpu.vector_store %arg13[%swap3A, %swap3A_229], %swap3A_232 {add = true, strides = array<i32>} : memref<80x128xf32, #tpu.memory_space<vmem>>, vector<1x16xf32>,
        %get3A_233 = arith.index_cast %scan3A_225 : i32 to index
        %get3A_234 = arith.constant 16 : index
        %get3A_235 = tpu.vector_load %arg14[%get3A_233, %get3A_234] {strides = array<i32>} : memref<80x128xf32, #tpu.memory_space<vmem>>, vector<1x16xf32>,
        %get3A_236 = vector.shape_cast %get3A_235 : vector<1x16xf32> to vector<16xf32>
        %swap3A_237 = arith.index_cast %scan3A_225 : i32 to index
        %swap3A_238 = arith.constant 16 : index
        %swap3A_239 = tpu.vector_load %arg13[%swap3A_237, %swap3A_238] {strides = array<i32>} : memref<80x128xf32, #tpu.memory_space<vmem>>, vector<1x16xf32>,
        %swap3A_240 = vector.shape_cast %swap3A_239 : vector<1x16xf32> to vector<16xf32>
        %swap3A_241 = vector.shape_cast %get3A_236 : vector<16xf32> to vector<1x16xf32>
        tpu.vector_store %arg13[%swap3A_237, %swap3A_238], %swap3A_241 {add = true, strides = array<i32>} : memref<80x128xf32, #tpu.memory_space<vmem>>, vector<1x16xf32>,
        %get3A_242 = arith.index_cast %scan3A_225 : i32 to index
        %get3A_243 = arith.constant 32 : index
        %get3A_244 = tpu.vector_load %arg14[%get3A_242, %get3A_243] {strides = array<i32>} : memref<80x128xf32, #tpu.memory_space<vmem>>, vector<1x16xf32>,
        %get3A_245 = vector.shape_cast %get3A_244 : vector<1x16xf32> to vector<16xf32>
        %swap3A_246 = arith.index_cast %scan3A_225 : i32 to index
        %swap3A_247 = arith.constant 32 : index
        %swap3A_248 = tpu.vector_load %arg13[%swap3A_246, %swap3A_247] {strides = array<i32>} : memref<80x128xf32, #tpu.memory_space<vmem>>, vector<1x16xf32>,
        %swap3A_249 = vector.shape_cast %swap3A_248 : vector<1x16xf32> to vector<16xf32>
        %swap3A_250 = vector.shape_cast %get3A_245 : vector<16xf32> to vector<1x16xf32>
        tpu.vector_store %arg13[%swap3A_246, %swap3A_247], %swap3A_250 {add = true, strides = array<i32>} : memref<80x128xf32, #tpu.memory_space<vmem>>, vector<1x16xf32>,
        %get3A_251 = arith.index_cast %scan3A_225 : i32 to index
        %get3A_252 = arith.constant 48 : index
        %get3A_253 = tpu.vector_load %arg14[%get3A_251, %get3A_252] {strides = array<i32>} : memref<80x128xf32, #tpu.memory_space<vmem>>, vector<1x16xf32>,
        %get3A_254 = vector.shape_cast %get3A_253 : vector<1x16xf32> to vector<16xf32>
        %swap3A_255 = arith.index_cast %scan3A_225 : i32 to index
        %swap3A_256 = arith.constant 48 : index
        %swap3A_257 = tpu.vector_load %arg13[%swap3A_255, %swap3A_256] {strides = array<i32>} : memref<80x128xf32, #tpu.memory_space<vmem>>, vector<1x16xf32>,
        %swap3A_258 = vector.shape_cast %swap3A_257 : vector<1x16xf32> to vector<16xf32>
        %swap3A_259 = vector.shape_cast %get3A_254 : vector<16xf32> to vector<1x16xf32>
        tpu.vector_store %arg13[%swap3A_255, %swap3A_256], %swap3A_259 {add = true, strides = array<i32>} : memref<80x128xf32, #tpu.memory_space<vmem>>, vector<1x16xf32>,
        %get3A_260 = arith.index_cast %scan3A_225 : i32 to index
        %get3A_261 = arith.constant 64 : index
        %get3A_262 = tpu.vector_load %arg14[%get3A_260, %get3A_261] {strides = array<i32>} : memref<80x128xf32, #tpu.memory_space<vmem>>, vector<1x16xf32>,
        %get3A_263 = vector.shape_cast %get3A_262 : vector<1x16xf32> to vector<16xf32>
        %swap3A_264 = arith.index_cast %scan3A_225 : i32 to index
        %swap3A_265 = arith.constant 64 : index
        %swap3A_266 = tpu.vector_load %arg13[%swap3A_264, %swap3A_265] {strides = array<i32>} : memref<80x128xf32, #tpu.memory_space<vmem>>, vector<1x16xf32>,
        %swap3A_267 = vector.shape_cast %swap3A_266 : vector<1x16xf32> to vector<16xf32>
        %swap3A_268 = vector.shape_cast %get3A_263 : vector<16xf32> to vector<1x16xf32>
        tpu.vector_store %arg13[%swap3A_264, %swap3A_265], %swap3A_268 {add = true, strides = array<i32>} : memref<80x128xf32, #tpu.memory_space<vmem>>, vector<1x16xf32>,
        %get3A_269 = arith.index_cast %scan3A_225 : i32 to index
        %get3A_270 = arith.constant 80 : index
        %get3A_271 = tpu.vector_load %arg14[%get3A_269, %get3A_270] {strides = array<i32>} : memref<80x128xf32, #tpu.memory_space<vmem>>, vector<1x16xf32>,
        %get3A_272 = vector.shape_cast %get3A_271 : vector<1x16xf32> to vector<16xf32>
        %swap3A_273 = arith.index_cast %scan3A_225 : i32 to index
        %swap3A_274 = arith.constant 80 : index
        %swap3A_275 = tpu.vector_load %arg13[%swap3A_273, %swap3A_274] {strides = array<i32>} : memref<80x128xf32, #tpu.memory_space<vmem>>, vector<1x16xf32>,
        %swap3A_276 = vector.shape_cast %swap3A_275 : vector<1x16xf32> to vector<16xf32>
        %swap3A_277 = vector.shape_cast %get3A_272 : vector<16xf32> to vector<1x16xf32>
        tpu.vector_store %arg13[%swap3A_273, %swap3A_274], %swap3A_277 {add = true, strides = array<i32>} : memref<80x128xf32, #tpu.memory_space<vmem>>, vector<1x16xf32>,
        %get3A_278 = arith.index_cast %scan3A_225 : i32 to index
        %get3A_279 = arith.constant 96 : index
        %get3A_280 = tpu.vector_load %arg14[%get3A_278, %get3A_279] {strides = array<i32>} : memref<80x128xf32, #tpu.memory_space<vmem>>, vector<1x16xf32>,
        %get3A_281 = vector.shape_cast %get3A_280 : vector<1x16xf32> to vector<16xf32>
        %swap3A_282 = arith.index_cast %scan3A_225 : i32 to index
        %swap3A_283 = arith.constant 96 : index
        %swap3A_284 = tpu.vector_load %arg13[%swap3A_282, %swap3A_283] {strides = array<i32>} : memref<80x128xf32, #tpu.memory_space<vmem>>, vector<1x16xf32>,
        %swap3A_285 = vector.shape_cast %swap3A_284 : vector<1x16xf32> to vector<16xf32>
        %swap3A_286 = vector.shape_cast %get3A_281 : vector<16xf32> to vector<1x16xf32>
        tpu.vector_store %arg13[%swap3A_282, %swap3A_283], %swap3A_286 {add = true, strides = array<i32>} : memref<80x128xf32, #tpu.memory_space<vmem>>, vector<1x16xf32>,
        %get3A_287 = arith.index_cast %scan3A_225 : i32 to index
        %get3A_288 = arith.constant 112 : index
        %get3A_289 = tpu.vector_load %arg14[%get3A_287, %get3A_288] {strides = array<i32>} : memref<80x128xf32, #tpu.memory_space<vmem>>, vector<1x16xf32>,
        %get3A_290 = vector.shape_cast %get3A_289 : vector<1x16xf32> to vector<16xf32>
        %swap3A_291 = arith.index_cast %scan3A_225 : i32 to index
        %swap3A_292 = arith.constant 112 : index
        %swap3A_293 = tpu.vector_load %arg13[%swap3A_291, %swap3A_292] {strides = array<i32>} : memref<80x128xf32, #tpu.memory_space<vmem>>, vector<1x16xf32>,
        %swap3A_294 = vector.shape_cast %swap3A_293 : vector<1x16xf32> to vector<16xf32>
        %swap3A_295 = vector.shape_cast %get3A_290 : vector<16xf32> to vector<1x16xf32>
        tpu.vector_store %arg13[%swap3A_291, %swap3A_292], %swap3A_295 {add = true, strides = array<i32>} : memref<80x128xf32, #tpu.memory_space<vmem>>, vector<1x16xf32>,
      }
      %scan3A_179 = arith.constant 80 : i32
      %mul3A_180 = arith.constant 80 : i32
      %mul3A_181 = arith.muli %add3A_154, %mul3A_180 : i32
      %add3A_182 = arith.addi %multiple_of3A, %mul3A_181 : i32
      %multiple_of3A_183 = tpu.assume_multiple %add3A_182, 80 : i32
      %dma_start3A_184 = arith.constant 0 : i32
      %dma_start3A_185 = tpu.memref_slice %arg6[%multiple_of3A_183, %dma_start3A_184] : memref<320000x128xf32, #tpu.memory_space<hbm>> -> memref<80x128xf32, #tpu.memory_space<hbm>>
      %dma_start3A_186 = arith.constant 0 : i32
      %dma_start3A_187 = tpu.memref_slice %arg6[%multiple_of3A_183, %dma_start3A_186] : memref<320000x128xf32, #tpu.memory_space<hbm>> -> memref<80x128xf32, #tpu.memory_space<hbm>>
      tpu.enqueue_dma source(%arg13 : memref<80x128xf32, #tpu.memory_space<vmem>>) target(%dma_start3A_187 : memref<80x128xf32, #tpu.memory_space<hbm>>) target_semaphore(%arg23 : memref<!tpu.dma_semaphore, #tpu.memory_space<semaphore_mem>>)
      %mul3A_188 = arith.constant 4 : i32
      %mul3A_189 = arith.muli %mul3A_188, %scan3A_79 : i32
      %add3A_190 = arith.constant 3 : i32
      %add3A_191 = arith.addi %mul3A_189, %add3A_190 : i32
      %add3A_192 = arith.constant 2 : i32
      %add3A_193 = arith.addi %add3A_191, %add3A_192 : i32
      %lt3A_194 = arith.constant 125 : i32
      %lt3A_195 = arith.cmpi slt, %add3A_193, %lt3A_194 : i32
      %convert_element_type3A_196 = arith.extui %lt3A_195 : i1 to i32
      %cond3A_197 = arith.constant 0 : i32
      %cond3A_198 = arith.cmpi ne, %convert_element_type3A_196, %cond3A_197 : i32
      scf.if %cond3A_198 {
        %ge3A = arith.constant 2 : i32
        %ge3A_225 = arith.cmpi sge, %add3A_191, %ge3A : i32
        %convert_element_type3A_226 = arith.extui %ge3A_225 : i1 to i32
        %cond3A_227 = arith.constant 0 : i32
        %cond3A_228 = arith.cmpi ne, %convert_element_type3A_226, %cond3A_227 : i32
        scf.if %cond3A_228 {
          %dma_wait3A_245 = arith.constant 0 : i32
          %dma_wait3A_246 = arith.constant 0 : i32
          %dma_wait3A_247 = tpu.memref_slice %arg6[%dma_wait3A_245, %dma_wait3A_246] : memref<320000x128xf32, #tpu.memory_space<hbm>> -> memref<80x128xf32, #tpu.memory_space<hbm>>
          %dma_wait3A_248 = arith.constant 0 : i32
          %dma_wait3A_249 = arith.constant 0 : i32
          %dma_wait3A_250 = tpu.memref_slice %arg6[%dma_wait3A_248, %dma_wait3A_249] : memref<320000x128xf32, #tpu.memory_space<hbm>> -> memref<80x128xf32, #tpu.memory_space<hbm>>
          tpu.wait_dma2 semaphore(%arg22 : memref<!tpu.dma_semaphore, #tpu.memory_space<semaphore_mem>>) src(%arg11 : memref<80x128xf32, #tpu.memory_space<vmem>>) dst(%dma_wait3A_250 : memref<80x128xf32, #tpu.memory_space<hbm>>)
        } else {
        }
        %add3A_229 = arith.constant 2 : i32
        %add3A_230 = arith.addi %add3A_191, %add3A_229 : i32
        %mul3A_231 = arith.constant 80 : i32
        %mul3A_232 = arith.muli %add3A_230, %mul3A_231 : i32
        %multiple_of3A_233 = tpu.assume_multiple %mul3A_232, 80 : i32
        %dma_start3A_234 = tpu.memref_slice %arg7[%multiple_of3A_233] : memref<10000xi32, #tpu.memory_space<vmem>> -> memref<80xi32, #tpu.memory_space<vmem>>
        %dma_start3A_235 = arith.constant 0 : i32
        %dma_start3A_236 = arith.constant 0 : i32
        %dma_start3A_237 = tpu.memref_slice %arg2[%dma_start3A_235, %dma_start3A_236] : memref<10000x128xf32, #tpu.memory_space<hbm>> -> memref<10000x128xf32, #tpu.memory_space<hbm>>
        tpu.enqueue_indirect_dma source(%dma_start3A_237 : memref<10000x128xf32, #tpu.memory_space<hbm>>) target(%arg11 : memref<80x128xf32, #tpu.memory_space<vmem>>) offsets(%dma_start3A_234 : memref<80xi32, #tpu.memory_space<vmem>>) semaphore(%arg18 : memref<!tpu.dma_semaphore, #tpu.memory_space<semaphore_mem>>)
        %mul3A_238 = arith.constant 80 : i32
        %mul3A_239 = arith.muli %add3A_230, %mul3A_238 : i32
        %multiple_of3A_240 = tpu.assume_multiple %mul3A_239, 80 : i32
        %dma_start3A_241 = tpu.memref_slice %arg8[%multiple_of3A_240] : memref<10000xi32, #tpu.memory_space<vmem>> -> memref<80xi32, #tpu.memory_space<vmem>>
        %dma_start3A_242 = arith.constant 0 : i32
        %dma_start3A_243 = arith.constant 0 : i32
        %dma_start3A_244 = tpu.memref_slice %arg3[%dma_start3A_242, %dma_start3A_243] : memref<10000x128xf32, #tpu.memory_space<hbm>> -> memref<10000x128xf32, #tpu.memory_space<hbm>>
        tpu.enqueue_indirect_dma source(%dma_start3A_244 : memref<10000x128xf32, #tpu.memory_space<hbm>>) target(%arg12 : memref<80x128xf32, #tpu.memory_space<vmem>>) offsets(%dma_start3A_241 : memref<80xi32, #tpu.memory_space<vmem>>) semaphore(%arg18 : memref<!tpu.dma_semaphore, #tpu.memory_space<semaphore_mem>>)
      } else {
      }
      %dma_wait3A_199 = arith.constant 0 : i32
      %dma_wait3A_200 = arith.constant 0 : i32
      %dma_wait3A_201 = tpu.memref_slice %arg2[%dma_wait3A_199, %dma_wait3A_200] : memref<10000x128xf32, #tpu.memory_space<hbm>> -> memref<80x128xf32, #tpu.memory_space<hbm>>
      %dma_wait3A_202 = arith.constant 0 : i32
      %dma_wait3A_203 = arith.constant 0 : i32
      %dma_wait3A_204 = tpu.memref_slice %arg2[%dma_wait3A_202, %dma_wait3A_203] : memref<10000x128xf32, #tpu.memory_space<hbm>> -> memref<80x128xf32, #tpu.memory_space<hbm>>
      tpu.wait_dma2 semaphore(%arg20 : memref<!tpu.dma_semaphore, #tpu.memory_space<semaphore_mem>>) src(%dma_wait3A_204 : memref<80x128xf32, #tpu.memory_space<hbm>>) dst(%arg15 : memref<80x128xf32, #tpu.memory_space<vmem>>)
      %dma_wait3A_205 = arith.constant 0 : i32
      %dma_wait3A_206 = arith.constant 0 : i32
      %dma_wait3A_207 = tpu.memref_slice %arg3[%dma_wait3A_205, %dma_wait3A_206] : memref<10000x128xf32, #tpu.memory_space<hbm>> -> memref<80x128xf32, #tpu.memory_space<hbm>>
      %dma_wait3A_208 = arith.constant 0 : i32
      %dma_wait3A_209 = arith.constant 0 : i32
      %dma_wait3A_210 = tpu.memref_slice %arg3[%dma_wait3A_208, %dma_wait3A_209] : memref<10000x128xf32, #tpu.memory_space<hbm>> -> memref<80x128xf32, #tpu.memory_space<hbm>>
      tpu.wait_dma2 semaphore(%arg20 : memref<!tpu.dma_semaphore, #tpu.memory_space<semaphore_mem>>) src(%dma_wait3A_210 : memref<80x128xf32, #tpu.memory_space<hbm>>) dst(%arg16 : memref<80x128xf32, #tpu.memory_space<vmem>>)
      %scan3A_211 = arith.constant 0 : i32
      %scan3A_212 = arith.constant 0 : i32
      %scan3A_213 = arith.constant 80 : i32
      %scan3A_214 = arith.addi %scan3A_212, %scan3A_213 : i32
      %scan3A_215 = arith.constant 1 : i32
      scf.for %scan3A_225 = %scan3A_212 to %scan3A_214 step %scan3A_215  : i32 {
        %get3A = arith.index_cast %scan3A_225 : i32 to index
        %get3A_226 = arith.constant 0 : index
        %get3A_227 = tpu.vector_load %arg16[%get3A, %get3A_226] {strides = array<i32>} : memref<80x128xf32, #tpu.memory_space<vmem>>, vector<1x16xf32>,
        %get3A_228 = vector.shape_cast %get3A_227 : vector<1x16xf32> to vector<16xf32>
        %swap3A = arith.index_cast %scan3A_225 : i32 to index
        %swap3A_229 = arith.constant 0 : index
        %swap3A_230 = tpu.vector_load %arg15[%swap3A, %swap3A_229] {strides = array<i32>} : memref<80x128xf32, #tpu.memory_space<vmem>>, vector<1x16xf32>,
        %swap3A_231 = vector.shape_cast %swap3A_230 : vector<1x16xf32> to vector<16xf32>
        %swap3A_232 = vector.shape_cast %get3A_228 : vector<16xf32> to vector<1x16xf32>
        tpu.vector_store %arg15[%swap3A, %swap3A_229], %swap3A_232 {add = true, strides = array<i32>} : memref<80x128xf32, #tpu.memory_space<vmem>>, vector<1x16xf32>,
        %get3A_233 = arith.index_cast %scan3A_225 : i32 to index
        %get3A_234 = arith.constant 16 : index
        %get3A_235 = tpu.vector_load %arg16[%get3A_233, %get3A_234] {strides = array<i32>} : memref<80x128xf32, #tpu.memory_space<vmem>>, vector<1x16xf32>,
        %get3A_236 = vector.shape_cast %get3A_235 : vector<1x16xf32> to vector<16xf32>
        %swap3A_237 = arith.index_cast %scan3A_225 : i32 to index
        %swap3A_238 = arith.constant 16 : index
        %swap3A_239 = tpu.vector_load %arg15[%swap3A_237, %swap3A_238] {strides = array<i32>} : memref<80x128xf32, #tpu.memory_space<vmem>>, vector<1x16xf32>,
        %swap3A_240 = vector.shape_cast %swap3A_239 : vector<1x16xf32> to vector<16xf32>
        %swap3A_241 = vector.shape_cast %get3A_236 : vector<16xf32> to vector<1x16xf32>
        tpu.vector_store %arg15[%swap3A_237, %swap3A_238], %swap3A_241 {add = true, strides = array<i32>} : memref<80x128xf32, #tpu.memory_space<vmem>>, vector<1x16xf32>,
        %get3A_242 = arith.index_cast %scan3A_225 : i32 to index
        %get3A_243 = arith.constant 32 : index
        %get3A_244 = tpu.vector_load %arg16[%get3A_242, %get3A_243] {strides = array<i32>} : memref<80x128xf32, #tpu.memory_space<vmem>>, vector<1x16xf32>,
        %get3A_245 = vector.shape_cast %get3A_244 : vector<1x16xf32> to vector<16xf32>
        %swap3A_246 = arith.index_cast %scan3A_225 : i32 to index
        %swap3A_247 = arith.constant 32 : index
        %swap3A_248 = tpu.vector_load %arg15[%swap3A_246, %swap3A_247] {strides = array<i32>} : memref<80x128xf32, #tpu.memory_space<vmem>>, vector<1x16xf32>,
        %swap3A_249 = vector.shape_cast %swap3A_248 : vector<1x16xf32> to vector<16xf32>
        %swap3A_250 = vector.shape_cast %get3A_245 : vector<16xf32> to vector<1x16xf32>
        tpu.vector_store %arg15[%swap3A_246, %swap3A_247], %swap3A_250 {add = true, strides = array<i32>} : memref<80x128xf32, #tpu.memory_space<vmem>>, vector<1x16xf32>,
        %get3A_251 = arith.index_cast %scan3A_225 : i32 to index
        %get3A_252 = arith.constant 48 : index
        %get3A_253 = tpu.vector_load %arg16[%get3A_251, %get3A_252] {strides = array<i32>} : memref<80x128xf32, #tpu.memory_space<vmem>>, vector<1x16xf32>,
        %get3A_254 = vector.shape_cast %get3A_253 : vector<1x16xf32> to vector<16xf32>
        %swap3A_255 = arith.index_cast %scan3A_225 : i32 to index
        %swap3A_256 = arith.constant 48 : index
        %swap3A_257 = tpu.vector_load %arg15[%swap3A_255, %swap3A_256] {strides = array<i32>} : memref<80x128xf32, #tpu.memory_space<vmem>>, vector<1x16xf32>,
        %swap3A_258 = vector.shape_cast %swap3A_257 : vector<1x16xf32> to vector<16xf32>
        %swap3A_259 = vector.shape_cast %get3A_254 : vector<16xf32> to vector<1x16xf32>
        tpu.vector_store %arg15[%swap3A_255, %swap3A_256], %swap3A_259 {add = true, strides = array<i32>} : memref<80x128xf32, #tpu.memory_space<vmem>>, vector<1x16xf32>,
        %get3A_260 = arith.index_cast %scan3A_225 : i32 to index
        %get3A_261 = arith.constant 64 : index
        %get3A_262 = tpu.vector_load %arg16[%get3A_260, %get3A_261] {strides = array<i32>} : memref<80x128xf32, #tpu.memory_space<vmem>>, vector<1x16xf32>,
        %get3A_263 = vector.shape_cast %get3A_262 : vector<1x16xf32> to vector<16xf32>
        %swap3A_264 = arith.index_cast %scan3A_225 : i32 to index
        %swap3A_265 = arith.constant 64 : index
        %swap3A_266 = tpu.vector_load %arg15[%swap3A_264, %swap3A_265] {strides = array<i32>} : memref<80x128xf32, #tpu.memory_space<vmem>>, vector<1x16xf32>,
        %swap3A_267 = vector.shape_cast %swap3A_266 : vector<1x16xf32> to vector<16xf32>
        %swap3A_268 = vector.shape_cast %get3A_263 : vector<16xf32> to vector<1x16xf32>
        tpu.vector_store %arg15[%swap3A_264, %swap3A_265], %swap3A_268 {add = true, strides = array<i32>} : memref<80x128xf32, #tpu.memory_space<vmem>>, vector<1x16xf32>,
        %get3A_269 = arith.index_cast %scan3A_225 : i32 to index
        %get3A_270 = arith.constant 80 : index
        %get3A_271 = tpu.vector_load %arg16[%get3A_269, %get3A_270] {strides = array<i32>} : memref<80x128xf32, #tpu.memory_space<vmem>>, vector<1x16xf32>,
        %get3A_272 = vector.shape_cast %get3A_271 : vector<1x16xf32> to vector<16xf32>
        %swap3A_273 = arith.index_cast %scan3A_225 : i32 to index
        %swap3A_274 = arith.constant 80 : index
        %swap3A_275 = tpu.vector_load %arg15[%swap3A_273, %swap3A_274] {strides = array<i32>} : memref<80x128xf32, #tpu.memory_space<vmem>>, vector<1x16xf32>,
        %swap3A_276 = vector.shape_cast %swap3A_275 : vector<1x16xf32> to vector<16xf32>
        %swap3A_277 = vector.shape_cast %get3A_272 : vector<16xf32> to vector<1x16xf32>
        tpu.vector_store %arg15[%swap3A_273, %swap3A_274], %swap3A_277 {add = true, strides = array<i32>} : memref<80x128xf32, #tpu.memory_space<vmem>>, vector<1x16xf32>,
        %get3A_278 = arith.index_cast %scan3A_225 : i32 to index
        %get3A_279 = arith.constant 96 : index
        %get3A_280 = tpu.vector_load %arg16[%get3A_278, %get3A_279] {strides = array<i32>} : memref<80x128xf32, #tpu.memory_space<vmem>>, vector<1x16xf32>,
        %get3A_281 = vector.shape_cast %get3A_280 : vector<1x16xf32> to vector<16xf32>
        %swap3A_282 = arith.index_cast %scan3A_225 : i32 to index
        %swap3A_283 = arith.constant 96 : index
        %swap3A_284 = tpu.vector_load %arg15[%swap3A_282, %swap3A_283] {strides = array<i32>} : memref<80x128xf32, #tpu.memory_space<vmem>>, vector<1x16xf32>,
        %swap3A_285 = vector.shape_cast %swap3A_284 : vector<1x16xf32> to vector<16xf32>
        %swap3A_286 = vector.shape_cast %get3A_281 : vector<16xf32> to vector<1x16xf32>
        tpu.vector_store %arg15[%swap3A_282, %swap3A_283], %swap3A_286 {add = true, strides = array<i32>} : memref<80x128xf32, #tpu.memory_space<vmem>>, vector<1x16xf32>,
        %get3A_287 = arith.index_cast %scan3A_225 : i32 to index
        %get3A_288 = arith.constant 112 : index
        %get3A_289 = tpu.vector_load %arg16[%get3A_287, %get3A_288] {strides = array<i32>} : memref<80x128xf32, #tpu.memory_space<vmem>>, vector<1x16xf32>,
        %get3A_290 = vector.shape_cast %get3A_289 : vector<1x16xf32> to vector<16xf32>
        %swap3A_291 = arith.index_cast %scan3A_225 : i32 to index
        %swap3A_292 = arith.constant 112 : index
        %swap3A_293 = tpu.vector_load %arg15[%swap3A_291, %swap3A_292] {strides = array<i32>} : memref<80x128xf32, #tpu.memory_space<vmem>>, vector<1x16xf32>,
        %swap3A_294 = vector.shape_cast %swap3A_293 : vector<1x16xf32> to vector<16xf32>
        %swap3A_295 = vector.shape_cast %get3A_290 : vector<16xf32> to vector<1x16xf32>
        tpu.vector_store %arg15[%swap3A_291, %swap3A_292], %swap3A_295 {add = true, strides = array<i32>} : memref<80x128xf32, #tpu.memory_space<vmem>>, vector<1x16xf32>,
      }
      %scan3A_216 = arith.constant 80 : i32
      %mul3A_217 = arith.constant 80 : i32
      %mul3A_218 = arith.muli %add3A_191, %mul3A_217 : i32
      %add3A_219 = arith.addi %multiple_of3A, %mul3A_218 : i32
      %multiple_of3A_220 = tpu.assume_multiple %add3A_219, 80 : i32
      %dma_start3A_221 = arith.constant 0 : i32
      %dma_start3A_222 = tpu.memref_slice %arg6[%multiple_of3A_220, %dma_start3A_221] : memref<320000x128xf32, #tpu.memory_space<hbm>> -> memref<80x128xf32, #tpu.memory_space<hbm>>
      %dma_start3A_223 = arith.constant 0 : i32
      %dma_start3A_224 = tpu.memref_slice %arg6[%multiple_of3A_220, %dma_start3A_223] : memref<320000x128xf32, #tpu.memory_space<hbm>> -> memref<80x128xf32, #tpu.memory_space<hbm>>
      tpu.enqueue_dma source(%arg15 : memref<80x128xf32, #tpu.memory_space<vmem>>) target(%dma_start3A_224 : memref<80x128xf32, #tpu.memory_space<hbm>>) target_semaphore(%arg24 : memref<!tpu.dma_semaphore, #tpu.memory_space<semaphore_mem>>)
    }
    %scan3A_30 = arith.constant 31 : i32
    %dma_wait3A = arith.constant 0 : i32
    %dma_wait3A_31 = arith.constant 0 : i32
    %dma_wait3A_32 = tpu.memref_slice %arg2[%dma_wait3A, %dma_wait3A_31] : memref<10000x128xf32, #tpu.memory_space<hbm>> -> memref<80x128xf32, #tpu.memory_space<hbm>>
    %dma_wait3A_33 = arith.constant 0 : i32
    %dma_wait3A_34 = arith.constant 0 : i32
    %dma_wait3A_35 = tpu.memref_slice %arg2[%dma_wait3A_33, %dma_wait3A_34] : memref<10000x128xf32, #tpu.memory_space<hbm>> -> memref<80x128xf32, #tpu.memory_space<hbm>>
    tpu.wait_dma2 semaphore(%arg17 : memref<!tpu.dma_semaphore, #tpu.memory_space<semaphore_mem>>) src(%dma_wait3A_35 : memref<80x128xf32, #tpu.memory_space<hbm>>) dst(%arg9 : memref<80x128xf32, #tpu.memory_space<vmem>>)
    %dma_wait3A_36 = arith.constant 0 : i32
    %dma_wait3A_37 = arith.constant 0 : i32
    %dma_wait3A_38 = tpu.memref_slice %arg3[%dma_wait3A_36, %dma_wait3A_37] : memref<10000x128xf32, #tpu.memory_space<hbm>> -> memref<80x128xf32, #tpu.memory_space<hbm>>
    %dma_wait3A_39 = arith.constant 0 : i32
    %dma_wait3A_40 = arith.constant 0 : i32
    %dma_wait3A_41 = tpu.memref_slice %arg3[%dma_wait3A_39, %dma_wait3A_40] : memref<10000x128xf32, #tpu.memory_space<hbm>> -> memref<80x128xf32, #tpu.memory_space<hbm>>
    tpu.wait_dma2 semaphore(%arg17 : memref<!tpu.dma_semaphore, #tpu.memory_space<semaphore_mem>>) src(%dma_wait3A_41 : memref<80x128xf32, #tpu.memory_space<hbm>>) dst(%arg10 : memref<80x128xf32, #tpu.memory_space<vmem>>)
    %scan3A_42 = arith.constant 0 : i32
    %scan3A_43 = arith.constant 0 : i32
    %scan3A_44 = arith.constant 80 : i32
    %scan3A_45 = arith.addi %scan3A_43, %scan3A_44 : i32
    %scan3A_46 = arith.constant 1 : i32
    scf.for %scan3A_79 = %scan3A_43 to %scan3A_45 step %scan3A_46  : i32 {
      %get3A = arith.index_cast %scan3A_79 : i32 to index
      %get3A_80 = arith.constant 0 : index
      %get3A_81 = tpu.vector_load %arg10[%get3A, %get3A_80] {strides = array<i32>} : memref<80x128xf32, #tpu.memory_space<vmem>>, vector<1x16xf32>,
      %get3A_82 = vector.shape_cast %get3A_81 : vector<1x16xf32> to vector<16xf32>
      %swap3A = arith.index_cast %scan3A_79 : i32 to index
      %swap3A_83 = arith.constant 0 : index
      %swap3A_84 = tpu.vector_load %arg9[%swap3A, %swap3A_83] {strides = array<i32>} : memref<80x128xf32, #tpu.memory_space<vmem>>, vector<1x16xf32>,
      %swap3A_85 = vector.shape_cast %swap3A_84 : vector<1x16xf32> to vector<16xf32>
      %swap3A_86 = vector.shape_cast %get3A_82 : vector<16xf32> to vector<1x16xf32>
      tpu.vector_store %arg9[%swap3A, %swap3A_83], %swap3A_86 {add = true, strides = array<i32>} : memref<80x128xf32, #tpu.memory_space<vmem>>, vector<1x16xf32>,
      %get3A_87 = arith.index_cast %scan3A_79 : i32 to index
      %get3A_88 = arith.constant 16 : index
      %get3A_89 = tpu.vector_load %arg10[%get3A_87, %get3A_88] {strides = array<i32>} : memref<80x128xf32, #tpu.memory_space<vmem>>, vector<1x16xf32>,
      %get3A_90 = vector.shape_cast %get3A_89 : vector<1x16xf32> to vector<16xf32>
      %swap3A_91 = arith.index_cast %scan3A_79 : i32 to index
      %swap3A_92 = arith.constant 16 : index
      %swap3A_93 = tpu.vector_load %arg9[%swap3A_91, %swap3A_92] {strides = array<i32>} : memref<80x128xf32, #tpu.memory_space<vmem>>, vector<1x16xf32>,
      %swap3A_94 = vector.shape_cast %swap3A_93 : vector<1x16xf32> to vector<16xf32>
      %swap3A_95 = vector.shape_cast %get3A_90 : vector<16xf32> to vector<1x16xf32>
      tpu.vector_store %arg9[%swap3A_91, %swap3A_92], %swap3A_95 {add = true, strides = array<i32>} : memref<80x128xf32, #tpu.memory_space<vmem>>, vector<1x16xf32>,
      %get3A_96 = arith.index_cast %scan3A_79 : i32 to index
      %get3A_97 = arith.constant 32 : index
      %get3A_98 = tpu.vector_load %arg10[%get3A_96, %get3A_97] {strides = array<i32>} : memref<80x128xf32, #tpu.memory_space<vmem>>, vector<1x16xf32>,
      %get3A_99 = vector.shape_cast %get3A_98 : vector<1x16xf32> to vector<16xf32>
      %swap3A_100 = arith.index_cast %scan3A_79 : i32 to index
      %swap3A_101 = arith.constant 32 : index
      %swap3A_102 = tpu.vector_load %arg9[%swap3A_100, %swap3A_101] {strides = array<i32>} : memref<80x128xf32, #tpu.memory_space<vmem>>, vector<1x16xf32>,
      %swap3A_103 = vector.shape_cast %swap3A_102 : vector<1x16xf32> to vector<16xf32>
      %swap3A_104 = vector.shape_cast %get3A_99 : vector<16xf32> to vector<1x16xf32>
      tpu.vector_store %arg9[%swap3A_100, %swap3A_101], %swap3A_104 {add = true, strides = array<i32>} : memref<80x128xf32, #tpu.memory_space<vmem>>, vector<1x16xf32>,
      %get3A_105 = arith.index_cast %scan3A_79 : i32 to index
      %get3A_106 = arith.constant 48 : index
      %get3A_107 = tpu.vector_load %arg10[%get3A_105, %get3A_106] {strides = array<i32>} : memref<80x128xf32, #tpu.memory_space<vmem>>, vector<1x16xf32>,
      %get3A_108 = vector.shape_cast %get3A_107 : vector<1x16xf32> to vector<16xf32>
      %swap3A_109 = arith.index_cast %scan3A_79 : i32 to index
      %swap3A_110 = arith.constant 48 : index
      %swap3A_111 = tpu.vector_load %arg9[%swap3A_109, %swap3A_110] {strides = array<i32>} : memref<80x128xf32, #tpu.memory_space<vmem>>, vector<1x16xf32>,
      %swap3A_112 = vector.shape_cast %swap3A_111 : vector<1x16xf32> to vector<16xf32>
      %swap3A_113 = vector.shape_cast %get3A_108 : vector<16xf32> to vector<1x16xf32>
      tpu.vector_store %arg9[%swap3A_109, %swap3A_110], %swap3A_113 {add = true, strides = array<i32>} : memref<80x128xf32, #tpu.memory_space<vmem>>, vector<1x16xf32>,
      %get3A_114 = arith.index_cast %scan3A_79 : i32 to index
      %get3A_115 = arith.constant 64 : index
      %get3A_116 = tpu.vector_load %arg10[%get3A_114, %get3A_115] {strides = array<i32>} : memref<80x128xf32, #tpu.memory_space<vmem>>, vector<1x16xf32>,
      %get3A_117 = vector.shape_cast %get3A_116 : vector<1x16xf32> to vector<16xf32>
      %swap3A_118 = arith.index_cast %scan3A_79 : i32 to index
      %swap3A_119 = arith.constant 64 : index
      %swap3A_120 = tpu.vector_load %arg9[%swap3A_118, %swap3A_119] {strides = array<i32>} : memref<80x128xf32, #tpu.memory_space<vmem>>, vector<1x16xf32>,
      %swap3A_121 = vector.shape_cast %swap3A_120 : vector<1x16xf32> to vector<16xf32>
      %swap3A_122 = vector.shape_cast %get3A_117 : vector<16xf32> to vector<1x16xf32>
      tpu.vector_store %arg9[%swap3A_118, %swap3A_119], %swap3A_122 {add = true, strides = array<i32>} : memref<80x128xf32, #tpu.memory_space<vmem>>, vector<1x16xf32>,
      %get3A_123 = arith.index_cast %scan3A_79 : i32 to index
      %get3A_124 = arith.constant 80 : index
      %get3A_125 = tpu.vector_load %arg10[%get3A_123, %get3A_124] {strides = array<i32>} : memref<80x128xf32, #tpu.memory_space<vmem>>, vector<1x16xf32>,
      %get3A_126 = vector.shape_cast %get3A_125 : vector<1x16xf32> to vector<16xf32>
      %swap3A_127 = arith.index_cast %scan3A_79 : i32 to index
      %swap3A_128 = arith.constant 80 : index
      %swap3A_129 = tpu.vector_load %arg9[%swap3A_127, %swap3A_128] {strides = array<i32>} : memref<80x128xf32, #tpu.memory_space<vmem>>, vector<1x16xf32>,
      %swap3A_130 = vector.shape_cast %swap3A_129 : vector<1x16xf32> to vector<16xf32>
      %swap3A_131 = vector.shape_cast %get3A_126 : vector<16xf32> to vector<1x16xf32>
      tpu.vector_store %arg9[%swap3A_127, %swap3A_128], %swap3A_131 {add = true, strides = array<i32>} : memref<80x128xf32, #tpu.memory_space<vmem>>, vector<1x16xf32>,
      %get3A_132 = arith.index_cast %scan3A_79 : i32 to index
      %get3A_133 = arith.constant 96 : index
      %get3A_134 = tpu.vector_load %arg10[%get3A_132, %get3A_133] {strides = array<i32>} : memref<80x128xf32, #tpu.memory_space<vmem>>, vector<1x16xf32>,
      %get3A_135 = vector.shape_cast %get3A_134 : vector<1x16xf32> to vector<16xf32>
      %swap3A_136 = arith.index_cast %scan3A_79 : i32 to index
      %swap3A_137 = arith.constant 96 : index
      %swap3A_138 = tpu.vector_load %arg9[%swap3A_136, %swap3A_137] {strides = array<i32>} : memref<80x128xf32, #tpu.memory_space<vmem>>, vector<1x16xf32>,
      %swap3A_139 = vector.shape_cast %swap3A_138 : vector<1x16xf32> to vector<16xf32>
      %swap3A_140 = vector.shape_cast %get3A_135 : vector<16xf32> to vector<1x16xf32>
      tpu.vector_store %arg9[%swap3A_136, %swap3A_137], %swap3A_140 {add = true, strides = array<i32>} : memref<80x128xf32, #tpu.memory_space<vmem>>, vector<1x16xf32>,
      %get3A_141 = arith.index_cast %scan3A_79 : i32 to index
      %get3A_142 = arith.constant 112 : index
      %get3A_143 = tpu.vector_load %arg10[%get3A_141, %get3A_142] {strides = array<i32>} : memref<80x128xf32, #tpu.memory_space<vmem>>, vector<1x16xf32>,
      %get3A_144 = vector.shape_cast %get3A_143 : vector<1x16xf32> to vector<16xf32>
      %swap3A_145 = arith.index_cast %scan3A_79 : i32 to index
      %swap3A_146 = arith.constant 112 : index
      %swap3A_147 = tpu.vector_load %arg9[%swap3A_145, %swap3A_146] {strides = array<i32>} : memref<80x128xf32, #tpu.memory_space<vmem>>, vector<1x16xf32>,
      %swap3A_148 = vector.shape_cast %swap3A_147 : vector<1x16xf32> to vector<16xf32>
      %swap3A_149 = vector.shape_cast %get3A_144 : vector<16xf32> to vector<1x16xf32>
      tpu.vector_store %arg9[%swap3A_145, %swap3A_146], %swap3A_149 {add = true, strides = array<i32>} : memref<80x128xf32, #tpu.memory_space<vmem>>, vector<1x16xf32>,
    }
    %scan3A_47 = arith.constant 80 : i32
    %add3A_48 = arith.constant 9920 : i32
    %add3A_49 = arith.addi %multiple_of3A, %add3A_48 : i32
    %multiple_of3A_50 = tpu.assume_multiple %add3A_49, 80 : i32
    %dma_start3A_51 = arith.constant 0 : i32
    %dma_start3A_52 = tpu.memref_slice %arg6[%multiple_of3A_50, %dma_start3A_51] : memref<320000x128xf32, #tpu.memory_space<hbm>> -> memref<80x128xf32, #tpu.memory_space<hbm>>
    %dma_start3A_53 = arith.constant 0 : i32
    %dma_start3A_54 = tpu.memref_slice %arg6[%multiple_of3A_50, %dma_start3A_53] : memref<320000x128xf32, #tpu.memory_space<hbm>> -> memref<80x128xf32, #tpu.memory_space<hbm>>
    tpu.enqueue_dma source(%arg9 : memref<80x128xf32, #tpu.memory_space<vmem>>) target(%dma_start3A_54 : memref<80x128xf32, #tpu.memory_space<hbm>>) target_semaphore(%arg21 : memref<!tpu.dma_semaphore, #tpu.memory_space<semaphore_mem>>)
    %dma_wait3A_55 = arith.constant 0 : i32
    %dma_wait3A_56 = arith.constant 0 : i32
    %dma_wait3A_57 = tpu.memref_slice %arg6[%dma_wait3A_55, %dma_wait3A_56] : memref<320000x128xf32, #tpu.memory_space<hbm>> -> memref<80x128xf32, #tpu.memory_space<hbm>>
    %dma_wait3A_58 = arith.constant 0 : i32
    %dma_wait3A_59 = arith.constant 0 : i32
    %dma_wait3A_60 = tpu.memref_slice %arg6[%dma_wait3A_58, %dma_wait3A_59] : memref<320000x128xf32, #tpu.memory_space<hbm>> -> memref<80x128xf32, #tpu.memory_space<hbm>>
    tpu.wait_dma2 semaphore(%arg21 : memref<!tpu.dma_semaphore, #tpu.memory_space<semaphore_mem>>) src(%arg9 : memref<80x128xf32, #tpu.memory_space<vmem>>) dst(%dma_wait3A_60 : memref<80x128xf32, #tpu.memory_space<hbm>>)
    %dma_wait3A_61 = arith.constant 0 : i32
    %dma_wait3A_62 = arith.constant 0 : i32
    %dma_wait3A_63 = tpu.memref_slice %arg6[%dma_wait3A_61, %dma_wait3A_62] : memref<320000x128xf32, #tpu.memory_space<hbm>> -> memref<80x128xf32, #tpu.memory_space<hbm>>
    %dma_wait3A_64 = arith.constant 0 : i32
    %dma_wait3A_65 = arith.constant 0 : i32
    %dma_wait3A_66 = tpu.memref_slice %arg6[%dma_wait3A_64, %dma_wait3A_65] : memref<320000x128xf32, #tpu.memory_space<hbm>> -> memref<80x128xf32, #tpu.memory_space<hbm>>
    tpu.wait_dma2 semaphore(%arg22 : memref<!tpu.dma_semaphore, #tpu.memory_space<semaphore_mem>>) src(%arg11 : memref<80x128xf32, #tpu.memory_space<vmem>>) dst(%dma_wait3A_66 : memref<80x128xf32, #tpu.memory_space<hbm>>)
    %dma_wait3A_67 = arith.constant 0 : i32
    %dma_wait3A_68 = arith.constant 0 : i32
    %dma_wait3A_69 = tpu.memref_slice %arg6[%dma_wait3A_67, %dma_wait3A_68] : memref<320000x128xf32, #tpu.memory_space<hbm>> -> memref<80x128xf32, #tpu.memory_space<hbm>>
    %dma_wait3A_70 = arith.constant 0 : i32
    %dma_wait3A_71 = arith.constant 0 : i32
    %dma_wait3A_72 = tpu.memref_slice %arg6[%dma_wait3A_70, %dma_wait3A_71] : memref<320000x128xf32, #tpu.memory_space<hbm>> -> memref<80x128xf32, #tpu.memory_space<hbm>>
    tpu.wait_dma2 semaphore(%arg23 : memref<!tpu.dma_semaphore, #tpu.memory_space<semaphore_mem>>) src(%arg13 : memref<80x128xf32, #tpu.memory_space<vmem>>) dst(%dma_wait3A_72 : memref<80x128xf32, #tpu.memory_space<hbm>>)
    %dma_wait3A_73 = arith.constant 0 : i32
    %dma_wait3A_74 = arith.constant 0 : i32
    %dma_wait3A_75 = tpu.memref_slice %arg6[%dma_wait3A_73, %dma_wait3A_74] : memref<320000x128xf32, #tpu.memory_space<hbm>> -> memref<80x128xf32, #tpu.memory_space<hbm>>
    %dma_wait3A_76 = arith.constant 0 : i32
    %dma_wait3A_77 = arith.constant 0 : i32
    %dma_wait3A_78 = tpu.memref_slice %arg6[%dma_wait3A_76, %dma_wait3A_77] : memref<320000x128xf32, #tpu.memory_space<hbm>> -> memref<80x128xf32, #tpu.memory_space<hbm>>
    tpu.wait_dma2 semaphore(%arg24 : memref<!tpu.dma_semaphore, #tpu.memory_space<semaphore_mem>>) src(%arg15 : memref<80x128xf32, #tpu.memory_space<vmem>>) dst(%dma_wait3A_78 : memref<80x128xf32, #tpu.memory_space<hbm>>)
    return
  }
}

module attributes {stable_mosaic.version = 14 : i64} {
  func.func @_cell_body(%arg0: i32, %arg1: memref<2000x128xf32, #tpu.memory_space<vmem>>, %arg2: memref<2000x64xf32, #tpu.memory_space<vmem>>, %arg3: memref<2000x128xf32, #tpu.memory_space<vmem>>, %arg4: memref<2000x128xf32, #tpu.memory_space<vmem>>, %arg5: memref<128x128xf32, #tpu.memory_space<vmem>>, %arg6: memref<64x128xf32, #tpu.memory_space<vmem>>, %arg7: memref<1x128xf32, #tpu.memory_space<vmem>>, %arg8: memref<128x128xf32, #tpu.memory_space<vmem>>, %arg9: memref<1x128xf32, #tpu.memory_space<vmem>>, %arg10: memref<128x128xf32, #tpu.memory_space<vmem>>, %arg11: memref<1x128xf32, #tpu.memory_space<vmem>>, %arg12: memref<1x128xf32, #tpu.memory_space<vmem>>, %arg13: memref<1x128xf32, #tpu.memory_space<vmem>>, %arg14: memref<128x128xf32, #tpu.memory_space<vmem>>, %arg15: memref<128x128xf32, #tpu.memory_space<vmem>>, %arg16: memref<2000x128xf32, #tpu.memory_space<vmem>>, %arg17: memref<2000x128xf32, #tpu.memory_space<vmem>>, %arg18: memref<2000x128xf32, #tpu.memory_space<vmem>>) attributes {dimension_semantics = [#tpu.dimension_semantics<arbitrary>], iteration_bounds = array<i64: 5>, scalar_prefetch = 0 : i64, scratch_operands = 0 : i64, tpu.core_type = #tpu.core_type<tc>, window_params = [{transform_indices = @transform_0, window_bounds = array<i64: 2000, 128>}, {transform_indices = @transform_1, window_bounds = array<i64: 2000, 64>}, {transform_indices = @transform_2, window_bounds = array<i64: 2000, 128>}, {transform_indices = @transform_3, window_bounds = array<i64: 2000, 128>}, {pipeline_mode = #tpu.pipeline_mode<synchronous>, transform_indices = @transform_4, window_bounds = array<i64: 128, 128>}, {pipeline_mode = #tpu.pipeline_mode<synchronous>, transform_indices = @transform_5, window_bounds = array<i64: 64, 128>}, {pipeline_mode = #tpu.pipeline_mode<synchronous>, transform_indices = @transform_6, window_bounds = array<i64: 1, 128>}, {pipeline_mode = #tpu.pipeline_mode<synchronous>, transform_indices = @transform_7, window_bounds = array<i64: 128, 128>}, {pipeline_mode = #tpu.pipeline_mode<synchronous>, transform_indices = @transform_8, window_bounds = array<i64: 1, 128>}, {pipeline_mode = #tpu.pipeline_mode<synchronous>, transform_indices = @transform_9, window_bounds = array<i64: 128, 128>}, {pipeline_mode = #tpu.pipeline_mode<synchronous>, transform_indices = @transform_10, window_bounds = array<i64: 1, 128>}, {pipeline_mode = #tpu.pipeline_mode<synchronous>, transform_indices = @transform_11, window_bounds = array<i64: 1, 128>}, {pipeline_mode = #tpu.pipeline_mode<synchronous>, transform_indices = @transform_12, window_bounds = array<i64: 1, 128>}, {pipeline_mode = #tpu.pipeline_mode<synchronous>, transform_indices = @transform_13, window_bounds = array<i64: 128, 128>}, {pipeline_mode = #tpu.pipeline_mode<synchronous>, transform_indices = @transform_14, window_bounds = array<i64: 128, 128>}, {transform_indices = @transform_15, window_bounds = array<i64: 2000, 128>}, {transform_indices = @transform_16, window_bounds = array<i64: 2000, 128>}, {transform_indices = @transform_17, window_bounds = array<i64: 2000, 128>}]} {
    %get3A = arith.constant 0 : index
    %get3A_0 = arith.constant 0 : index
    %get3A_1 = vector.load %arg3[%get3A, %get3A_0] : memref<2000x128xf32, #tpu.memory_space<vmem>>, vector<2000x128xf32>
    %get3A_2 = arith.constant 0 : index
    %get3A_3 = arith.constant 0 : index
    %get3A_4 = vector.load %arg4[%get3A_2, %get3A_3] : memref<2000x128xf32, #tpu.memory_space<vmem>>, vector<2000x128xf32>
    %add3A = arith.addf %get3A_1, %get3A_4 : vector<2000x128xf32>
    %get3A_5 = arith.constant 0 : index
    %get3A_6 = arith.constant 0 : index
    %get3A_7 = vector.load %arg2[%get3A_5, %get3A_6] : memref<2000x64xf32, #tpu.memory_space<vmem>>, vector<2000x64xf32>
    %get3A_8 = arith.constant 0 : index
    %get3A_9 = arith.constant 0 : index
    %get3A_10 = vector.load %arg6[%get3A_8, %get3A_9] : memref<64x128xf32, #tpu.memory_space<vmem>>, vector<64x128xf32>
    %dot_general3A = arith.constant dense<0.000000e+00> : vector<2000x128xf32>
    %dot_general3A_11 = tpu.matmul %get3A_7, %get3A_10, %dot_general3A {dimension_numbers = #tpu.dot_dimension_numbers<[1], [0], [0], [1], [0, 0, 1, 1], [], []>, transpose_lhs_hint = false} : vector<2000x64xf32>, vector<64x128xf32>, vector<2000x128xf32> -> vector<2000x128xf32>
    %get3A_12 = arith.constant 0 : index
    %get3A_13 = arith.constant 0 : index
    %get3A_14 = vector.load %arg7[%get3A_12, %get3A_13] : memref<1x128xf32, #tpu.memory_space<vmem>>, vector<1x128xf32>
    %add3A_15 = vector.broadcast %get3A_14 : vector<1x128xf32> to vector<2000x128xf32>
    %add3A_16 = arith.addf %dot_general3A_11, %add3A_15 : vector<2000x128xf32>
    %get3A_17 = arith.constant 0 : index
    %get3A_18 = arith.constant 0 : index
    %get3A_19 = vector.load %arg1[%get3A_17, %get3A_18] : memref<2000x128xf32, #tpu.memory_space<vmem>>, vector<2000x128xf32>
    %add3A_20 = arith.addf %get3A_19, %add3A : vector<2000x128xf32>
    %get3A_21 = arith.constant 0 : index
    %get3A_22 = arith.constant 0 : index
    %get3A_23 = vector.load %arg5[%get3A_21, %get3A_22] : memref<128x128xf32, #tpu.memory_space<vmem>>, vector<128x128xf32>
    %dot_general3A_24 = arith.constant dense<0.000000e+00> : vector<2000x128xf32>
    %dot_general3A_25 = tpu.matmul %add3A_20, %get3A_23, %dot_general3A_24 {dimension_numbers = #tpu.dot_dimension_numbers<[1], [0], [0], [1], [0, 0, 1, 1], [], []>, transpose_lhs_hint = false} : vector<2000x128xf32>, vector<128x128xf32>, vector<2000x128xf32> -> vector<2000x128xf32>
    %add3A_26 = arith.addf %dot_general3A_25, %add3A_16 : vector<2000x128xf32>
    %logistic3A = arith.negf %add3A_26 : vector<2000x128xf32>
    %logistic3A_27 = math.exp %logistic3A : vector<2000x128xf32>
    %logistic3A_28 = arith.constant 1.000000e+00 : f32
    %logistic3A_29 = vector.broadcast %logistic3A_28 : f32 to vector<2000x128xf32>
    %logistic3A_30 = arith.addf %logistic3A_29, %logistic3A_27 : vector<2000x128xf32>
    %logistic3A_31 = arith.divf %logistic3A_29, %logistic3A_30 : vector<2000x128xf32>
    %mul3A = arith.mulf %add3A_26, %logistic3A_31 : vector<2000x128xf32>
    %get3A_32 = arith.constant 0 : index
    %get3A_33 = arith.constant 0 : index
    %get3A_34 = vector.load %arg8[%get3A_32, %get3A_33] : memref<128x128xf32, #tpu.memory_space<vmem>>, vector<128x128xf32>
    %dot_general3A_35 = arith.constant dense<0.000000e+00> : vector<2000x128xf32>
    %dot_general3A_36 = tpu.matmul %mul3A, %get3A_34, %dot_general3A_35 {dimension_numbers = #tpu.dot_dimension_numbers<[1], [0], [0], [1], [0, 0, 1, 1], [], []>, transpose_lhs_hint = false} : vector<2000x128xf32>, vector<128x128xf32>, vector<2000x128xf32> -> vector<2000x128xf32>
    %get3A_37 = arith.constant 0 : index
    %get3A_38 = arith.constant 0 : index
    %get3A_39 = vector.load %arg9[%get3A_37, %get3A_38] : memref<1x128xf32, #tpu.memory_space<vmem>>, vector<1x128xf32>
    %add3A_40 = vector.broadcast %get3A_39 : vector<1x128xf32> to vector<2000x128xf32>
    %add3A_41 = arith.addf %dot_general3A_36, %add3A_40 : vector<2000x128xf32>
    %logistic3A_42 = arith.negf %add3A_41 : vector<2000x128xf32>
    %logistic3A_43 = math.exp %logistic3A_42 : vector<2000x128xf32>
    %logistic3A_44 = arith.constant 1.000000e+00 : f32
    %logistic3A_45 = vector.broadcast %logistic3A_44 : f32 to vector<2000x128xf32>
    %logistic3A_46 = arith.addf %logistic3A_45, %logistic3A_43 : vector<2000x128xf32>
    %logistic3A_47 = arith.divf %logistic3A_45, %logistic3A_46 : vector<2000x128xf32>
    %mul3A_48 = arith.mulf %add3A_41, %logistic3A_47 : vector<2000x128xf32>
    %get3A_49 = arith.constant 0 : index
    %get3A_50 = arith.constant 0 : index
    %get3A_51 = vector.load %arg10[%get3A_49, %get3A_50] : memref<128x128xf32, #tpu.memory_space<vmem>>, vector<128x128xf32>
    %dot_general3A_52 = arith.constant dense<0.000000e+00> : vector<2000x128xf32>
    %dot_general3A_53 = tpu.matmul %mul3A_48, %get3A_51, %dot_general3A_52 {dimension_numbers = #tpu.dot_dimension_numbers<[1], [0], [0], [1], [0, 0, 1, 1], [], []>, transpose_lhs_hint = false} : vector<2000x128xf32>, vector<128x128xf32>, vector<2000x128xf32> -> vector<2000x128xf32>
    %get3A_54 = arith.constant 0 : index
    %get3A_55 = arith.constant 0 : index
    %get3A_56 = vector.load %arg11[%get3A_54, %get3A_55] : memref<1x128xf32, #tpu.memory_space<vmem>>, vector<1x128xf32>
    %add3A_57 = vector.broadcast %get3A_56 : vector<1x128xf32> to vector<2000x128xf32>
    %add3A_58 = arith.addf %dot_general3A_53, %add3A_57 : vector<2000x128xf32>
    %get3A_59 = arith.constant 0 : index
    %get3A_60 = arith.constant 0 : index
    %get3A_61 = vector.load %arg12[%get3A_59, %get3A_60] : memref<1x128xf32, #tpu.memory_space<vmem>>, vector<1x128xf32>
    %get3A_62 = arith.constant 0 : index
    %get3A_63 = arith.constant 0 : index
    %get3A_64 = vector.load %arg13[%get3A_62, %get3A_63] : memref<1x128xf32, #tpu.memory_space<vmem>>, vector<1x128xf32>
    %reduce_sum3A = arith.constant dense<0.000000e+00> : vector<2000xf32>
    %reduce_sum3A_65 = vector.multi_reduction <add>, %add3A_58, %reduce_sum3A [1] : vector<2000x128xf32> to vector<2000xf32>
    %broadcast_in_dim3A = vector.shape_cast %reduce_sum3A_65 : vector<2000xf32> to vector<2000x1xf32>
    %div3A = arith.constant 1.280000e+02 : f32
    %div3A_66 = vector.broadcast %div3A : f32 to vector<2000x1xf32>
    %div3A_67 = arith.divf %broadcast_in_dim3A, %div3A_66 : vector<2000x1xf32>
    %sub3A = vector.broadcast %div3A_67 : vector<2000x1xf32> to vector<2000x128xf32>
    %sub3A_68 = arith.subf %add3A_58, %sub3A : vector<2000x128xf32>
    %integer_pow3A = arith.mulf %sub3A_68, %sub3A_68 : vector<2000x128xf32>
    %reduce_sum3A_69 = arith.constant dense<0.000000e+00> : vector<2000xf32>
    %reduce_sum3A_70 = vector.multi_reduction <add>, %integer_pow3A, %reduce_sum3A_69 [1] : vector<2000x128xf32> to vector<2000xf32>
    %broadcast_in_dim3A_71 = vector.shape_cast %reduce_sum3A_70 : vector<2000xf32> to vector<2000x1xf32>
    %div3A_72 = arith.constant 1.280000e+02 : f32
    %div3A_73 = vector.broadcast %div3A_72 : f32 to vector<2000x1xf32>
    %div3A_74 = arith.divf %broadcast_in_dim3A_71, %div3A_73 : vector<2000x1xf32>
    %sub3A_75 = vector.broadcast %div3A_67 : vector<2000x1xf32> to vector<2000x128xf32>
    %sub3A_76 = arith.subf %add3A_58, %sub3A_75 : vector<2000x128xf32>
    %add3A_77 = arith.constant 9.99999974E-6 : f32
    %add3A_78 = vector.broadcast %add3A_77 : f32 to vector<2000x1xf32>
    %add3A_79 = arith.addf %div3A_74, %add3A_78 : vector<2000x1xf32>
    %rsqrt3A = math.rsqrt %add3A_79 : vector<2000x1xf32>
    %mul3A_80 = vector.broadcast %rsqrt3A : vector<2000x1xf32> to vector<2000x128xf32>
    %mul3A_81 = arith.mulf %sub3A_76, %mul3A_80 : vector<2000x128xf32>
    %mul3A_82 = vector.broadcast %get3A_61 : vector<1x128xf32> to vector<2000x128xf32>
    %mul3A_83 = arith.mulf %mul3A_81, %mul3A_82 : vector<2000x128xf32>
    %add3A_84 = vector.broadcast %get3A_64 : vector<1x128xf32> to vector<2000x128xf32>
    %add3A_85 = arith.addf %mul3A_83, %add3A_84 : vector<2000x128xf32>
    %add3A_86 = arith.addf %add3A_85, %add3A : vector<2000x128xf32>
    %get3A_87 = arith.constant 0 : index
    %get3A_88 = arith.constant 0 : index
    %get3A_89 = vector.load %arg5[%get3A_87, %get3A_88] : memref<128x128xf32, #tpu.memory_space<vmem>>, vector<128x128xf32>
    %dot_general3A_90 = arith.constant dense<0.000000e+00> : vector<2000x128xf32>
    %dot_general3A_91 = tpu.matmul %add3A_86, %get3A_89, %dot_general3A_90 {dimension_numbers = #tpu.dot_dimension_numbers<[1], [0], [0], [1], [0, 0, 1, 1], [], []>, transpose_lhs_hint = false} : vector<2000x128xf32>, vector<128x128xf32>, vector<2000x128xf32> -> vector<2000x128xf32>
    %add3A_92 = arith.addf %dot_general3A_91, %add3A_16 : vector<2000x128xf32>
    %logistic3A_93 = arith.negf %add3A_92 : vector<2000x128xf32>
    %logistic3A_94 = math.exp %logistic3A_93 : vector<2000x128xf32>
    %logistic3A_95 = arith.constant 1.000000e+00 : f32
    %logistic3A_96 = vector.broadcast %logistic3A_95 : f32 to vector<2000x128xf32>
    %logistic3A_97 = arith.addf %logistic3A_96, %logistic3A_94 : vector<2000x128xf32>
    %logistic3A_98 = arith.divf %logistic3A_96, %logistic3A_97 : vector<2000x128xf32>
    %mul3A_99 = arith.mulf %add3A_92, %logistic3A_98 : vector<2000x128xf32>
    %get3A_100 = arith.constant 0 : index
    %get3A_101 = arith.constant 0 : index
    %get3A_102 = vector.load %arg8[%get3A_100, %get3A_101] : memref<128x128xf32, #tpu.memory_space<vmem>>, vector<128x128xf32>
    %dot_general3A_103 = arith.constant dense<0.000000e+00> : vector<2000x128xf32>
    %dot_general3A_104 = tpu.matmul %mul3A_99, %get3A_102, %dot_general3A_103 {dimension_numbers = #tpu.dot_dimension_numbers<[1], [0], [0], [1], [0, 0, 1, 1], [], []>, transpose_lhs_hint = false} : vector<2000x128xf32>, vector<128x128xf32>, vector<2000x128xf32> -> vector<2000x128xf32>
    %get3A_105 = arith.constant 0 : index
    %get3A_106 = arith.constant 0 : index
    %get3A_107 = vector.load %arg9[%get3A_105, %get3A_106] : memref<1x128xf32, #tpu.memory_space<vmem>>, vector<1x128xf32>
    %add3A_108 = vector.broadcast %get3A_107 : vector<1x128xf32> to vector<2000x128xf32>
    %add3A_109 = arith.addf %dot_general3A_104, %add3A_108 : vector<2000x128xf32>
    %logistic3A_110 = arith.negf %add3A_109 : vector<2000x128xf32>
    %logistic3A_111 = math.exp %logistic3A_110 : vector<2000x128xf32>
    %logistic3A_112 = arith.constant 1.000000e+00 : f32
    %logistic3A_113 = vector.broadcast %logistic3A_112 : f32 to vector<2000x128xf32>
    %logistic3A_114 = arith.addf %logistic3A_113, %logistic3A_111 : vector<2000x128xf32>
    %logistic3A_115 = arith.divf %logistic3A_113, %logistic3A_114 : vector<2000x128xf32>
    %mul3A_116 = arith.mulf %add3A_109, %logistic3A_115 : vector<2000x128xf32>
    %get3A_117 = arith.constant 0 : index
    %get3A_118 = arith.constant 0 : index
    %get3A_119 = vector.load %arg10[%get3A_117, %get3A_118] : memref<128x128xf32, #tpu.memory_space<vmem>>, vector<128x128xf32>
    %dot_general3A_120 = arith.constant dense<0.000000e+00> : vector<2000x128xf32>
    %dot_general3A_121 = tpu.matmul %mul3A_116, %get3A_119, %dot_general3A_120 {dimension_numbers = #tpu.dot_dimension_numbers<[1], [0], [0], [1], [0, 0, 1, 1], [], []>, transpose_lhs_hint = false} : vector<2000x128xf32>, vector<128x128xf32>, vector<2000x128xf32> -> vector<2000x128xf32>
    %get3A_122 = arith.constant 0 : index
    %get3A_123 = arith.constant 0 : index
    %get3A_124 = vector.load %arg11[%get3A_122, %get3A_123] : memref<1x128xf32, #tpu.memory_space<vmem>>, vector<1x128xf32>
    %add3A_125 = vector.broadcast %get3A_124 : vector<1x128xf32> to vector<2000x128xf32>
    %add3A_126 = arith.addf %dot_general3A_121, %add3A_125 : vector<2000x128xf32>
    %get3A_127 = arith.constant 0 : index
    %get3A_128 = arith.constant 0 : index
    %get3A_129 = vector.load %arg12[%get3A_127, %get3A_128] : memref<1x128xf32, #tpu.memory_space<vmem>>, vector<1x128xf32>
    %get3A_130 = arith.constant 0 : index
    %get3A_131 = arith.constant 0 : index
    %get3A_132 = vector.load %arg13[%get3A_130, %get3A_131] : memref<1x128xf32, #tpu.memory_space<vmem>>, vector<1x128xf32>
    %reduce_sum3A_133 = arith.constant dense<0.000000e+00> : vector<2000xf32>
    %reduce_sum3A_134 = vector.multi_reduction <add>, %add3A_126, %reduce_sum3A_133 [1] : vector<2000x128xf32> to vector<2000xf32>
    %broadcast_in_dim3A_135 = vector.shape_cast %reduce_sum3A_134 : vector<2000xf32> to vector<2000x1xf32>
    %div3A_136 = arith.constant 1.280000e+02 : f32
    %div3A_137 = vector.broadcast %div3A_136 : f32 to vector<2000x1xf32>
    %div3A_138 = arith.divf %broadcast_in_dim3A_135, %div3A_137 : vector<2000x1xf32>
    %sub3A_139 = vector.broadcast %div3A_138 : vector<2000x1xf32> to vector<2000x128xf32>
    %sub3A_140 = arith.subf %add3A_126, %sub3A_139 : vector<2000x128xf32>
    %integer_pow3A_141 = arith.mulf %sub3A_140, %sub3A_140 : vector<2000x128xf32>
    %reduce_sum3A_142 = arith.constant dense<0.000000e+00> : vector<2000xf32>
    %reduce_sum3A_143 = vector.multi_reduction <add>, %integer_pow3A_141, %reduce_sum3A_142 [1] : vector<2000x128xf32> to vector<2000xf32>
    %broadcast_in_dim3A_144 = vector.shape_cast %reduce_sum3A_143 : vector<2000xf32> to vector<2000x1xf32>
    %div3A_145 = arith.constant 1.280000e+02 : f32
    %div3A_146 = vector.broadcast %div3A_145 : f32 to vector<2000x1xf32>
    %div3A_147 = arith.divf %broadcast_in_dim3A_144, %div3A_146 : vector<2000x1xf32>
    %sub3A_148 = vector.broadcast %div3A_138 : vector<2000x1xf32> to vector<2000x128xf32>
    %sub3A_149 = arith.subf %add3A_126, %sub3A_148 : vector<2000x128xf32>
    %add3A_150 = arith.constant 9.99999974E-6 : f32
    %add3A_151 = vector.broadcast %add3A_150 : f32 to vector<2000x1xf32>
    %add3A_152 = arith.addf %div3A_147, %add3A_151 : vector<2000x1xf32>
    %rsqrt3A_153 = math.rsqrt %add3A_152 : vector<2000x1xf32>
    %mul3A_154 = vector.broadcast %rsqrt3A_153 : vector<2000x1xf32> to vector<2000x128xf32>
    %mul3A_155 = arith.mulf %sub3A_149, %mul3A_154 : vector<2000x128xf32>
    %mul3A_156 = vector.broadcast %get3A_129 : vector<1x128xf32> to vector<2000x128xf32>
    %mul3A_157 = arith.mulf %mul3A_155, %mul3A_156 : vector<2000x128xf32>
    %add3A_158 = vector.broadcast %get3A_132 : vector<1x128xf32> to vector<2000x128xf32>
    %add3A_159 = arith.addf %mul3A_157, %add3A_158 : vector<2000x128xf32>
    %add3A_160 = arith.addf %get3A_19, %add3A_159 : vector<2000x128xf32>
    %swap3A = arith.constant 0 : index
    %swap3A_161 = arith.constant 0 : index
    %swap3A_162 = vector.load %arg16[%swap3A, %swap3A_161] : memref<2000x128xf32, #tpu.memory_space<vmem>>, vector<2000x128xf32>
    tpu.vector_store %arg16[%swap3A, %swap3A_161], %add3A_160 {strides = array<i32>} : memref<2000x128xf32, #tpu.memory_space<vmem>>, vector<2000x128xf32>,
    %get3A_163 = arith.constant 0 : index
    %get3A_164 = arith.constant 0 : index
    %get3A_165 = vector.load %arg14[%get3A_163, %get3A_164] : memref<128x128xf32, #tpu.memory_space<vmem>>, vector<128x128xf32>
    %dot_general3A_166 = arith.constant dense<0.000000e+00> : vector<2000x128xf32>
    %dot_general3A_167 = tpu.matmul %add3A_159, %get3A_165, %dot_general3A_166 {dimension_numbers = #tpu.dot_dimension_numbers<[1], [0], [0], [1], [0, 0, 1, 1], [], []>, transpose_lhs_hint = false} : vector<2000x128xf32>, vector<128x128xf32>, vector<2000x128xf32> -> vector<2000x128xf32>
    %swap3A_168 = arith.constant 0 : index
    %swap3A_169 = arith.constant 0 : index
    %swap3A_170 = vector.load %arg17[%swap3A_168, %swap3A_169] : memref<2000x128xf32, #tpu.memory_space<vmem>>, vector<2000x128xf32>
    tpu.vector_store %arg17[%swap3A_168, %swap3A_169], %dot_general3A_167 {strides = array<i32>} : memref<2000x128xf32, #tpu.memory_space<vmem>>, vector<2000x128xf32>,
    %get3A_171 = arith.constant 0 : index
    %get3A_172 = arith.constant 0 : index
    %get3A_173 = vector.load %arg15[%get3A_171, %get3A_172] : memref<128x128xf32, #tpu.memory_space<vmem>>, vector<128x128xf32>
    %dot_general3A_174 = arith.constant dense<0.000000e+00> : vector<2000x128xf32>
    %dot_general3A_175 = tpu.matmul %add3A_159, %get3A_173, %dot_general3A_174 {dimension_numbers = #tpu.dot_dimension_numbers<[1], [0], [0], [1], [0, 0, 1, 1], [], []>, transpose_lhs_hint = false} : vector<2000x128xf32>, vector<128x128xf32>, vector<2000x128xf32> -> vector<2000x128xf32>
    %swap3A_176 = arith.constant 0 : index
    %swap3A_177 = arith.constant 0 : index
    %swap3A_178 = vector.load %arg18[%swap3A_176, %swap3A_177] : memref<2000x128xf32, #tpu.memory_space<vmem>>, vector<2000x128xf32>
    tpu.vector_store %arg18[%swap3A_176, %swap3A_177], %dot_general3A_175 {strides = array<i32>} : memref<2000x128xf32, #tpu.memory_space<vmem>>, vector<2000x128xf32>,
    return
  }
  func.func @transform_0(%arg0: i32) -> (i32, i32) {
    %c0_i32 = arith.constant 0 : i32
    %c0_i32_0 = arith.constant 0 : i32
    return %arg0, %c0_i32 : i32, i32
  }
  func.func @transform_1(%arg0: i32) -> (i32, i32) {
    %c0_i32 = arith.constant 0 : i32
    %c0_i32_0 = arith.constant 0 : i32
    return %arg0, %c0_i32 : i32, i32
  }
  func.func @transform_2(%arg0: i32) -> (i32, i32) {
    %c0_i32 = arith.constant 0 : i32
    %c0_i32_0 = arith.constant 0 : i32
    return %arg0, %c0_i32 : i32, i32
  }
  func.func @transform_3(%arg0: i32) -> (i32, i32) {
    %add3A = arith.constant 5 : i32
    %add3A_0 = arith.addi %arg0, %add3A : i32
    %c0_i32 = arith.constant 0 : i32
    %c0_i32_1 = arith.constant 0 : i32
    return %add3A_0, %c0_i32 : i32, i32
  }
  func.func @transform_4(%arg0: i32) -> (i32, i32) {
    %c0_i32 = arith.constant 0 : i32
    %c0_i32_0 = arith.constant 0 : i32
    %c0_i32_1 = arith.constant 0 : i32
    return %c0_i32, %c0_i32_0 : i32, i32
  }
  func.func @transform_5(%arg0: i32) -> (i32, i32) {
    %c0_i32 = arith.constant 0 : i32
    %c0_i32_0 = arith.constant 0 : i32
    %c0_i32_1 = arith.constant 0 : i32
    return %c0_i32, %c0_i32_0 : i32, i32
  }
  func.func @transform_6(%arg0: i32) -> (i32, i32) {
    %c0_i32 = arith.constant 0 : i32
    %c0_i32_0 = arith.constant 0 : i32
    %c0_i32_1 = arith.constant 0 : i32
    return %c0_i32, %c0_i32_0 : i32, i32
  }
  func.func @transform_7(%arg0: i32) -> (i32, i32) {
    %c0_i32 = arith.constant 0 : i32
    %c0_i32_0 = arith.constant 0 : i32
    %c0_i32_1 = arith.constant 0 : i32
    return %c0_i32, %c0_i32_0 : i32, i32
  }
  func.func @transform_8(%arg0: i32) -> (i32, i32) {
    %c0_i32 = arith.constant 0 : i32
    %c0_i32_0 = arith.constant 0 : i32
    %c0_i32_1 = arith.constant 0 : i32
    return %c0_i32, %c0_i32_0 : i32, i32
  }
  func.func @transform_9(%arg0: i32) -> (i32, i32) {
    %c0_i32 = arith.constant 0 : i32
    %c0_i32_0 = arith.constant 0 : i32
    %c0_i32_1 = arith.constant 0 : i32
    return %c0_i32, %c0_i32_0 : i32, i32
  }
  func.func @transform_10(%arg0: i32) -> (i32, i32) {
    %c0_i32 = arith.constant 0 : i32
    %c0_i32_0 = arith.constant 0 : i32
    %c0_i32_1 = arith.constant 0 : i32
    return %c0_i32, %c0_i32_0 : i32, i32
  }
  func.func @transform_11(%arg0: i32) -> (i32, i32) {
    %c0_i32 = arith.constant 0 : i32
    %c0_i32_0 = arith.constant 0 : i32
    %c0_i32_1 = arith.constant 0 : i32
    return %c0_i32, %c0_i32_0 : i32, i32
  }
  func.func @transform_12(%arg0: i32) -> (i32, i32) {
    %c0_i32 = arith.constant 0 : i32
    %c0_i32_0 = arith.constant 0 : i32
    %c0_i32_1 = arith.constant 0 : i32
    return %c0_i32, %c0_i32_0 : i32, i32
  }
  func.func @transform_13(%arg0: i32) -> (i32, i32) {
    %c0_i32 = arith.constant 0 : i32
    %c0_i32_0 = arith.constant 0 : i32
    %c0_i32_1 = arith.constant 0 : i32
    return %c0_i32, %c0_i32_0 : i32, i32
  }
  func.func @transform_14(%arg0: i32) -> (i32, i32) {
    %c0_i32 = arith.constant 0 : i32
    %c0_i32_0 = arith.constant 0 : i32
    %c0_i32_1 = arith.constant 0 : i32
    return %c0_i32, %c0_i32_0 : i32, i32
  }
  func.func @transform_15(%arg0: i32) -> (i32, i32) {
    %c0_i32 = arith.constant 0 : i32
    %c0_i32_0 = arith.constant 0 : i32
    return %arg0, %c0_i32 : i32, i32
  }
  func.func @transform_16(%arg0: i32) -> (i32, i32) {
    %c0_i32 = arith.constant 0 : i32
    %c0_i32_0 = arith.constant 0 : i32
    return %arg0, %c0_i32 : i32, i32
  }
  func.func @transform_17(%arg0: i32) -> (i32, i32) {
    %c0_i32 = arith.constant 0 : i32
    %c0_i32_0 = arith.constant 0 : i32
    return %arg0, %c0_i32 : i32, i32
  }
}

module attributes {stable_mosaic.version = 14 : i64} {
  func.func @_edge_body(%arg0: i32, %arg1: memref<8000x128xf32, #tpu.memory_space<vmem>>, %arg2: memref<8000x128xf32, #tpu.memory_space<vmem>>, %arg3: memref<128x128xf32, #tpu.memory_space<vmem>>, %arg4: memref<1x128xf32, #tpu.memory_space<vmem>>, %arg5: memref<128x128xf32, #tpu.memory_space<vmem>>, %arg6: memref<1x128xf32, #tpu.memory_space<vmem>>, %arg7: memref<128x128xf32, #tpu.memory_space<vmem>>, %arg8: memref<1x128xf32, #tpu.memory_space<vmem>>, %arg9: memref<1x128xf32, #tpu.memory_space<vmem>>, %arg10: memref<1x128xf32, #tpu.memory_space<vmem>>, %arg11: memref<8000x128xf32, #tpu.memory_space<vmem>>) attributes {dimension_semantics = [#tpu.dimension_semantics<arbitrary>], iteration_bounds = array<i64: 40>, scalar_prefetch = 0 : i64, scratch_operands = 0 : i64, tpu.core_type = #tpu.core_type<tc>, window_params = [{transform_indices = @transform_0, window_bounds = array<i64: 8000, 128>}, {transform_indices = @transform_1, window_bounds = array<i64: 8000, 128>}, {pipeline_mode = #tpu.pipeline_mode<synchronous>, transform_indices = @transform_2, window_bounds = array<i64: 128, 128>}, {pipeline_mode = #tpu.pipeline_mode<synchronous>, transform_indices = @transform_3, window_bounds = array<i64: 1, 128>}, {pipeline_mode = #tpu.pipeline_mode<synchronous>, transform_indices = @transform_4, window_bounds = array<i64: 128, 128>}, {pipeline_mode = #tpu.pipeline_mode<synchronous>, transform_indices = @transform_5, window_bounds = array<i64: 1, 128>}, {pipeline_mode = #tpu.pipeline_mode<synchronous>, transform_indices = @transform_6, window_bounds = array<i64: 128, 128>}, {pipeline_mode = #tpu.pipeline_mode<synchronous>, transform_indices = @transform_7, window_bounds = array<i64: 1, 128>}, {pipeline_mode = #tpu.pipeline_mode<synchronous>, transform_indices = @transform_8, window_bounds = array<i64: 1, 128>}, {pipeline_mode = #tpu.pipeline_mode<synchronous>, transform_indices = @transform_9, window_bounds = array<i64: 1, 128>}, {transform_indices = @transform_10, window_bounds = array<i64: 8000, 128>}]} {
    %get3A = arith.constant 0 : index
    %get3A_0 = arith.constant 0 : index
    %get3A_1 = vector.load %arg2[%get3A, %get3A_0] : memref<8000x128xf32, #tpu.memory_space<vmem>>, vector<8000x128xf32>
    %get3A_2 = arith.constant 0 : index
    %get3A_3 = arith.constant 0 : index
    %get3A_4 = vector.load %arg1[%get3A_2, %get3A_3] : memref<8000x128xf32, #tpu.memory_space<vmem>>, vector<8000x128xf32>
    %get3A_5 = arith.constant 0 : index
    %get3A_6 = arith.constant 0 : index
    %get3A_7 = vector.load %arg3[%get3A_5, %get3A_6] : memref<128x128xf32, #tpu.memory_space<vmem>>, vector<128x128xf32>
    %dot_general3A = arith.constant dense<0.000000e+00> : vector<8000x128xf32>
    %dot_general3A_8 = tpu.matmul %get3A_1, %get3A_7, %dot_general3A {dimension_numbers = #tpu.dot_dimension_numbers<[1], [0], [0], [1], [0, 0, 1, 1], [], []>, transpose_lhs_hint = false} : vector<8000x128xf32>, vector<128x128xf32>, vector<8000x128xf32> -> vector<8000x128xf32>
    %add3A = arith.addf %get3A_4, %dot_general3A_8 : vector<8000x128xf32>
    %get3A_9 = arith.constant 0 : index
    %get3A_10 = arith.constant 0 : index
    %get3A_11 = vector.load %arg4[%get3A_9, %get3A_10] : memref<1x128xf32, #tpu.memory_space<vmem>>, vector<1x128xf32>
    %add3A_12 = vector.broadcast %get3A_11 : vector<1x128xf32> to vector<8000x128xf32>
    %add3A_13 = arith.addf %add3A, %add3A_12 : vector<8000x128xf32>
    %logistic3A = arith.negf %add3A_13 : vector<8000x128xf32>
    %logistic3A_14 = math.exp %logistic3A : vector<8000x128xf32>
    %logistic3A_15 = arith.constant 1.000000e+00 : f32
    %logistic3A_16 = vector.broadcast %logistic3A_15 : f32 to vector<8000x128xf32>
    %logistic3A_17 = arith.addf %logistic3A_16, %logistic3A_14 : vector<8000x128xf32>
    %logistic3A_18 = arith.divf %logistic3A_16, %logistic3A_17 : vector<8000x128xf32>
    %mul3A = arith.mulf %add3A_13, %logistic3A_18 : vector<8000x128xf32>
    %get3A_19 = arith.constant 0 : index
    %get3A_20 = arith.constant 0 : index
    %get3A_21 = vector.load %arg5[%get3A_19, %get3A_20] : memref<128x128xf32, #tpu.memory_space<vmem>>, vector<128x128xf32>
    %dot_general3A_22 = arith.constant dense<0.000000e+00> : vector<8000x128xf32>
    %dot_general3A_23 = tpu.matmul %mul3A, %get3A_21, %dot_general3A_22 {dimension_numbers = #tpu.dot_dimension_numbers<[1], [0], [0], [1], [0, 0, 1, 1], [], []>, transpose_lhs_hint = false} : vector<8000x128xf32>, vector<128x128xf32>, vector<8000x128xf32> -> vector<8000x128xf32>
    %get3A_24 = arith.constant 0 : index
    %get3A_25 = arith.constant 0 : index
    %get3A_26 = vector.load %arg6[%get3A_24, %get3A_25] : memref<1x128xf32, #tpu.memory_space<vmem>>, vector<1x128xf32>
    %add3A_27 = vector.broadcast %get3A_26 : vector<1x128xf32> to vector<8000x128xf32>
    %add3A_28 = arith.addf %dot_general3A_23, %add3A_27 : vector<8000x128xf32>
    %logistic3A_29 = arith.negf %add3A_28 : vector<8000x128xf32>
    %logistic3A_30 = math.exp %logistic3A_29 : vector<8000x128xf32>
    %logistic3A_31 = arith.constant 1.000000e+00 : f32
    %logistic3A_32 = vector.broadcast %logistic3A_31 : f32 to vector<8000x128xf32>
    %logistic3A_33 = arith.addf %logistic3A_32, %logistic3A_30 : vector<8000x128xf32>
    %logistic3A_34 = arith.divf %logistic3A_32, %logistic3A_33 : vector<8000x128xf32>
    %mul3A_35 = arith.mulf %add3A_28, %logistic3A_34 : vector<8000x128xf32>
    %get3A_36 = arith.constant 0 : index
    %get3A_37 = arith.constant 0 : index
    %get3A_38 = vector.load %arg7[%get3A_36, %get3A_37] : memref<128x128xf32, #tpu.memory_space<vmem>>, vector<128x128xf32>
    %dot_general3A_39 = arith.constant dense<0.000000e+00> : vector<8000x128xf32>
    %dot_general3A_40 = tpu.matmul %mul3A_35, %get3A_38, %dot_general3A_39 {dimension_numbers = #tpu.dot_dimension_numbers<[1], [0], [0], [1], [0, 0, 1, 1], [], []>, transpose_lhs_hint = false} : vector<8000x128xf32>, vector<128x128xf32>, vector<8000x128xf32> -> vector<8000x128xf32>
    %get3A_41 = arith.constant 0 : index
    %get3A_42 = arith.constant 0 : index
    %get3A_43 = vector.load %arg8[%get3A_41, %get3A_42] : memref<1x128xf32, #tpu.memory_space<vmem>>, vector<1x128xf32>
    %add3A_44 = vector.broadcast %get3A_43 : vector<1x128xf32> to vector<8000x128xf32>
    %add3A_45 = arith.addf %dot_general3A_40, %add3A_44 : vector<8000x128xf32>
    %get3A_46 = arith.constant 0 : index
    %get3A_47 = arith.constant 0 : index
    %get3A_48 = vector.load %arg9[%get3A_46, %get3A_47] : memref<1x128xf32, #tpu.memory_space<vmem>>, vector<1x128xf32>
    %get3A_49 = arith.constant 0 : index
    %get3A_50 = arith.constant 0 : index
    %get3A_51 = vector.load %arg10[%get3A_49, %get3A_50] : memref<1x128xf32, #tpu.memory_space<vmem>>, vector<1x128xf32>
    %reduce_sum3A = arith.constant dense<0.000000e+00> : vector<8000xf32>
    %reduce_sum3A_52 = vector.multi_reduction <add>, %add3A_45, %reduce_sum3A [1] : vector<8000x128xf32> to vector<8000xf32>
    %broadcast_in_dim3A = vector.shape_cast %reduce_sum3A_52 : vector<8000xf32> to vector<8000x1xf32>
    %div3A = arith.constant 1.280000e+02 : f32
    %div3A_53 = vector.broadcast %div3A : f32 to vector<8000x1xf32>
    %div3A_54 = arith.divf %broadcast_in_dim3A, %div3A_53 : vector<8000x1xf32>
    %sub3A = vector.broadcast %div3A_54 : vector<8000x1xf32> to vector<8000x128xf32>
    %sub3A_55 = arith.subf %add3A_45, %sub3A : vector<8000x128xf32>
    %integer_pow3A = arith.mulf %sub3A_55, %sub3A_55 : vector<8000x128xf32>
    %reduce_sum3A_56 = arith.constant dense<0.000000e+00> : vector<8000xf32>
    %reduce_sum3A_57 = vector.multi_reduction <add>, %integer_pow3A, %reduce_sum3A_56 [1] : vector<8000x128xf32> to vector<8000xf32>
    %broadcast_in_dim3A_58 = vector.shape_cast %reduce_sum3A_57 : vector<8000xf32> to vector<8000x1xf32>
    %div3A_59 = arith.constant 1.280000e+02 : f32
    %div3A_60 = vector.broadcast %div3A_59 : f32 to vector<8000x1xf32>
    %div3A_61 = arith.divf %broadcast_in_dim3A_58, %div3A_60 : vector<8000x1xf32>
    %sub3A_62 = vector.broadcast %div3A_54 : vector<8000x1xf32> to vector<8000x128xf32>
    %sub3A_63 = arith.subf %add3A_45, %sub3A_62 : vector<8000x128xf32>
    %add3A_64 = arith.constant 9.99999974E-6 : f32
    %add3A_65 = vector.broadcast %add3A_64 : f32 to vector<8000x1xf32>
    %add3A_66 = arith.addf %div3A_61, %add3A_65 : vector<8000x1xf32>
    %rsqrt3A = math.rsqrt %add3A_66 : vector<8000x1xf32>
    %mul3A_67 = vector.broadcast %rsqrt3A : vector<8000x1xf32> to vector<8000x128xf32>
    %mul3A_68 = arith.mulf %sub3A_63, %mul3A_67 : vector<8000x128xf32>
    %mul3A_69 = vector.broadcast %get3A_48 : vector<1x128xf32> to vector<8000x128xf32>
    %mul3A_70 = arith.mulf %mul3A_68, %mul3A_69 : vector<8000x128xf32>
    %add3A_71 = vector.broadcast %get3A_51 : vector<1x128xf32> to vector<8000x128xf32>
    %add3A_72 = arith.addf %mul3A_70, %add3A_71 : vector<8000x128xf32>
    %add3A_73 = arith.addf %get3A_1, %add3A_72 : vector<8000x128xf32>
    %swap3A = arith.constant 0 : index
    %swap3A_74 = arith.constant 0 : index
    %swap3A_75 = vector.load %arg11[%swap3A, %swap3A_74] : memref<8000x128xf32, #tpu.memory_space<vmem>>, vector<8000x128xf32>
    tpu.vector_store %arg11[%swap3A, %swap3A_74], %add3A_73 {strides = array<i32>} : memref<8000x128xf32, #tpu.memory_space<vmem>>, vector<8000x128xf32>,
    return
  }
  func.func @transform_0(%arg0: i32) -> (i32, i32) {
    %c0_i32 = arith.constant 0 : i32
    %c0_i32_0 = arith.constant 0 : i32
    return %arg0, %c0_i32 : i32, i32
  }
  func.func @transform_1(%arg0: i32) -> (i32, i32) {
    %c0_i32 = arith.constant 0 : i32
    %c0_i32_0 = arith.constant 0 : i32
    return %arg0, %c0_i32 : i32, i32
  }
  func.func @transform_2(%arg0: i32) -> (i32, i32) {
    %c0_i32 = arith.constant 0 : i32
    %c0_i32_0 = arith.constant 0 : i32
    %c0_i32_1 = arith.constant 0 : i32
    return %c0_i32, %c0_i32_0 : i32, i32
  }
  func.func @transform_3(%arg0: i32) -> (i32, i32) {
    %c0_i32 = arith.constant 0 : i32
    %c0_i32_0 = arith.constant 0 : i32
    %c0_i32_1 = arith.constant 0 : i32
    return %c0_i32, %c0_i32_0 : i32, i32
  }
  func.func @transform_4(%arg0: i32) -> (i32, i32) {
    %c0_i32 = arith.constant 0 : i32
    %c0_i32_0 = arith.constant 0 : i32
    %c0_i32_1 = arith.constant 0 : i32
    return %c0_i32, %c0_i32_0 : i32, i32
  }
  func.func @transform_5(%arg0: i32) -> (i32, i32) {
    %c0_i32 = arith.constant 0 : i32
    %c0_i32_0 = arith.constant 0 : i32
    %c0_i32_1 = arith.constant 0 : i32
    return %c0_i32, %c0_i32_0 : i32, i32
  }
  func.func @transform_6(%arg0: i32) -> (i32, i32) {
    %c0_i32 = arith.constant 0 : i32
    %c0_i32_0 = arith.constant 0 : i32
    %c0_i32_1 = arith.constant 0 : i32
    return %c0_i32, %c0_i32_0 : i32, i32
  }
  func.func @transform_7(%arg0: i32) -> (i32, i32) {
    %c0_i32 = arith.constant 0 : i32
    %c0_i32_0 = arith.constant 0 : i32
    %c0_i32_1 = arith.constant 0 : i32
    return %c0_i32, %c0_i32_0 : i32, i32
  }
  func.func @transform_8(%arg0: i32) -> (i32, i32) {
    %c0_i32 = arith.constant 0 : i32
    %c0_i32_0 = arith.constant 0 : i32
    %c0_i32_1 = arith.constant 0 : i32
    return %c0_i32, %c0_i32_0 : i32, i32
  }
  func.func @transform_9(%arg0: i32) -> (i32, i32) {
    %c0_i32 = arith.constant 0 : i32
    %c0_i32_0 = arith.constant 0 : i32
    %c0_i32_1 = arith.constant 0 : i32
    return %c0_i32, %c0_i32_0 : i32, i32
  }
  func.func @transform_10(%arg0: i32) -> (i32, i32) {
    %c0_i32 = arith.constant 0 : i32
    %c0_i32_0 = arith.constant 0 : i32
    return %arg0, %c0_i32 : i32, i32
  }
}

</mosaic_0001>

<sc_bundles>
// kernel: kernel.6.cloned.1.call-start
scs
__scs_entry_jumppad:
0x0: {  	(pc) =	sbr.rel $0x88, $3  }
0x1: {  	(tag) =	ssettag $0x0;
	lr =	simm.s32 $0x1  }
0x2: {  	[smem:$0x3F8D] =	sst lr;
	_ =	strace $0xD0000000  }
0x3: {  	_ = 	snop  }
0x4: {  	_ = 	snop  }
0x5: {  	_ = 	snop  }
0x6: {  	_ = 	snop  }
0x7: {  	_ = 	snop  }
__scs_overlays_trampoline_lowered:
0x8: {  	[smem:$0x3F9C] =	sst s0  }
0x9: {  	[smem:$0x3F9D] =	sst s1  }
0xa: {  	[smem:$0x3F9E] =	sst s2  }
0xb: {  	[smem:$0x3F9F] =	sst s3  }
0xc: {  	[smem:$0x3FA0] =	sst s4  }
0xd: {  	[smem:$0x3FA1] =	sst s5  }
0xe: {  	[smem:$0x3FA2] =	sst s6  }
0xf: {  	[smem:$0x3FA3] =	sst s7  }
0x10: {  	[smem:$0x3FA4] =	sst s8  }
0x11: {  	[smem:$0x3FA5] =	sst s9;
	s0 =	simm.s32 @!p0 $0x0  }
0x12: {  	s1 =	sld [smem:$0x3F8B];
	s0 =	simm.s32 @p0 $0x1  }
0x13: {  	[smem:$0x3FA6] =	sst s0;
	s0 =	simm.s32 @!p1 $0x0  }
0x14: {  	s2 =	sld [smem:$0x3F8A];
	s0 =	simm.s32 @p1 $0x1  }
0x15: {  	[smem:$0x3FA7] =	sst s0;
	s0 =	simm.s32 @!p2 $0x0  }
0x16: {  	s3 =	sld [smem:$0x3FDB];
	s0 =	simm.s32 @p2 $0x1  }
0x17: {  	s4 =	simm.s32 $0x1BF5;
	[smem:$0x3FA9] =	sst s0  }
0x18: {  	s0 =	sld [smem:$0x3F8C];
	_ =	swait.ge [sflag:s4], $0x0  }
0x19: {  	s7 =	sld [smem:$0x3F8D]  }
0x1a: {  	s8 =	sadd.s32 $0xFFFFE003, lr  }
0x1b: {  	s9 =	sadd.s32 $0xFFFFFEF7, lr;
	s5 =	simm.s32 $0xFFFFFFFF;
	p2 =	slt.u32 s8, $0xFFFFF086  }
0x1c: {  	p1 =	slt.u32 s9, $0xF7A;
	s5 =	simm.s32 @!p2 $0x0  }
0x1d: {  	s5 =	simm.s32 @p1 $0x1;
	p0 =	seq.s32 s7, s2  }
0x1e: {  	s7 =	smul.u32 @!p0 $0xF7A, s2;
	p2 =	seq.s32 @!p0 s5, $0x0  }
0x1f: {  	s9 =	smul.u32 $0xF7A, s1;
	s8 =	simm.s32 @!p0 $0x1BF5;
	p2 =	por !p2, p0  }
0x20: {  	[sflag:s8] =	ssyncset.s32 @!p0 $0xFFFFF086;
	s6 =	sadd.s32 @!p0 s3, s7;
	s7 =	simm.s32 @!p0 $0x108  }
0x21: {  	s3 =	sadd.s32 s3, s9;
	s6 =	sadd.s32 @!p0 $0x88, s6;
	s7 =	simm.s32 @p2 $0x1082  }
0x22: {  	[simem:s7], [sflag:s8] =	dma.local @!p0 [hbm:s6], $0xF7A  }
0x23: {  	s9 =	sor.u32 $0xD0000000, s2;
	s6 =	simm.s32 $0x108;
	_ =	swait.ge @!p0 [sflag:s8], $0x0  }
0x24: {  	s3 =	sadd.s32 $0x88, s3;
	s6 =	simm.s32 @!p1 $0x1082;
	[sflag:s4] =	ssyncset.s32 $0xFFFFF086  }
0x25: {  	[simem:s6], [sflag:s4] =	dma.local [hbm:s3], $0xF7A  }
0x26: {  	[smem:$0x3F8D] =	sst s1;
	(tag) =	ssettag s2;
	_ =	strace s9  }
0x27: {  	s1 =	sld [smem:$0x3F9D]  }
0x28: {  	s2 =	sld [smem:$0x3F9E]  }
0x29: {  	s4 =	sld [smem:$0x3FA0]  }
0x2a: {  	p0 =	seq.s32 s5, $0x0;
	s5 =	sld [smem:$0x3FA1]  }
0x2b: {  	s6 =	sld [smem:$0x3FA2]  }
0x2c: {  	s7 =	sld [smem:$0x3FA3]  }
0x2d: {  	s3 =	simm.s32 $0x108;
	s8 =	sld [smem:$0x3FA4]  }
0x2e: {  	s3 =	simm.s32 @!p0 $0x1082;
	s9 =	sld [smem:$0x3FA5]  }
0x2f: {  	lr =	sadd.s32 s0, s3;
	s0 =	sld [smem:$0x3F9C]  }
0x30: {  	s3 =	sld [smem:$0x3F9F]  }
0x31: {  	[smem:$0x3FA8] =	sst s10  }
0x32: {  	s10 =	sld [smem:$0x3FA6];
	_ =	sdelay $0x3  }
0x33: {  	p0 =	seq.s32 s10, $0x1;
	s10 =	sld [smem:$0x3FA8];
	_ =	sdelay $0x3  }
0x34: {  	[smem:$0x3FA8] =	sst s10  }
0x35: {  	s10 =	sld [smem:$0x3FA7];
	_ =	sdelay $0x3  }
0x36: {  	p1 =	seq.s32 s10, $0x1;
	s10 =	sld [smem:$0x3FA8];
	_ =	sdelay $0x3  }
0x37: {  	[smem:$0x3FA8] =	sst s10  }
0x38: {  	s10 =	sld [smem:$0x3FA9]  }
0x39: {  	_ = 	snop;
	(pc) =	sbr.ind lr, $3  }
0x3a: {  	_ = 	snop  }
0x3b: {  	_ = 	snop  }
0x3c: {  	p2 =	seq.s32 s10, $0x1;
	s10 =	sld [smem:$0x3FA8]  }
0x3d: {  	_ =	shalt  }
0x3e: {  	_ =	shalt  }
0x3f: {  	_ =	shalt  }
0x40: {  	_ =	shalt  }
0x41: {  	_ =	shalt  }
0x42: {  	_ =	shalt  }
0x43: {  	_ =	shalt  }
0x44: {  	_ =	shalt  }
0x45: {  	_ =	shalt  }
0x46: {  	_ =	shalt  }
0x47: {  	_ =	shalt  }
0x48: {  	_ =	shalt  }
0x49: {  	_ =	shalt  }
0x4a: {  	_ =	shalt  }
0x4b: {  	_ =	shalt  }
0x4c: {  	_ =	shalt  }
0x4d: {  	_ =	shalt  }
0x4e: {  	_ =	shalt  }
0x4f: {  	_ =	shalt  }
0x50: {  	_ =	shalt  }
0x51: {  	_ =	shalt  }
0x52: {  	_ =	shalt  }
0x53: {  	_ =	shalt  }
0x54: {  	_ =	shalt  }
0x55: {  	_ =	shalt  }
0x56: {  	_ =	shalt  }
0x57: {  	_ =	shalt  }
0x58: {  	_ =	shalt  }
0x59: {  	_ =	shalt  }
0x5a: {  	_ =	shalt  }
0x5b: {  	_ =	shalt  }
0x5c: {  	_ =	shalt  }
0x5d: {  	_ =	shalt  }
0x5e: {  	_ =	shalt  }
0x5f: {  	_ =	shalt  }
0x60: {  	_ =	shalt  }
0x61: {  	_ =	shalt  }
0x62: {  	_ =	shalt  }
0x63: {  	_ =	shalt  }
0x64: {  	_ =	shalt  }
0x65: {  	_ =	shalt  }
0x66: {  	_ =	shalt  }
0x67: {  	_ =	shalt  }
0x68: {  	_ =	shalt  }
0x69: {  	_ =	shalt  }
0x6a: {  	_ =	shalt  }
0x6b: {  	_ =	shalt  }
0x6c: {  	_ =	shalt  }
0x6d: {  	_ =	shalt  }
0x6e: {  	_ =	shalt  }
0x6f: {  	_ =	shalt  }
0x70: {  	_ =	shalt  }
0x71: {  	_ =	shalt  }
0x72: {  	_ =	shalt  }
0x73: {  	_ =	shalt  }
0x74: {  	_ =	shalt  }
0x75: {  	_ =	shalt  }
0x76: {  	_ =	shalt  }
0x77: {  	_ =	shalt  }
0x78: {  	_ =	shalt  }
0x79: {  	_ =	shalt  }
0x7a: {  	_ =	shalt  }
0x7b: {  	_ =	shalt  }
0x7c: {  	_ =	shalt  }
0x7d: {  	_ =	shalt  }
0x7e: {  	_ =	shalt  }
0x7f: {  	_ =	shalt  }
0x80: {  	_ =	shalt  }
0x81: {  	_ =	shalt  }
0x82: {  	_ =	shalt  }
0x83: {  	_ =	shalt  }
0x84: {  	_ =	shalt  }
0x85: {  	_ =	shalt  }
0x86: {  	_ =	shalt  }
0x87: {  	_ =	shalt  }
.Lfunc_end0:
.L_simem_size_0:
called_computation_lowered:
.L_overlay_start_0:
0x88: {  	s2 =	sld [smem:$0x3FD9]  }
0x89: {  	s3 =	sld [smem:$0x3FFE];
	_ =	sdelay $0x1  }
0x8a: {  	s1 =	srdreg.scid  }
0x8b: {  	s0 =	sand.u32 $0x1, s1  }
0x8c: {  	s14 =	sshll.u32 s0, $0xA;
	s2 =	sadd.s32 s3, s2  }
0x8d: {  	s2 =	sadd.s32 s2, s14  }
0x8e: {  	[smem:$0x3FB4] =	sst s2  }
0x8f: {  	_ = 	snop  }
0x90: {  	s2 =	sld [smem:$0x3FD0];
	_ =	sdelay $0x2  }
0x91: {  	s4 =	simm.s32 $0xA;
	s5 =	simm.s32 $0x10;
	s15 =	sld [smem:$0x3FC8]  }
0x92: {  	[smem:s5], [sflag:s4] =	dma.local [hbm:s2], $0x1  }
0x93: {  	_ =	swait.eq [sflag:s4], $0x1  }
0x94: {  	[sflag:s4] =	ssyncset.done $0x0  }
0x95: {  	s16 =	sld [smem:$0x10];
	[sflag:s4] =	ssyncadd.s32 $0xFFFFFFFF  }
0x96: {  	s17 =	sld [smem:$0x11];
	(tm) =	ssettm $0x1  }
0x97: {  	s18 =	sld [smem:$0x3FFB];
	_ =	sdelay $0x3  }
0x98: {  	_ =	strace s18  }
0x99: {  	s5 =	sld [smem:$0x3FFC];
	_ =	sdelay $0x3  }
0x9a: {  	_ =	strace s5  }
0x9b: {  	s5 =	sld [smem:$0x3FFD];
	_ =	sdelay $0x3  }
0x9c: {  	_ =	strace s5  }
0x9d: {  	_ =	strace $0x8FFFFFFF  }
0x9e: {  	s19 =	sld [smem:$0x3FDB];
	_ =	sdelay $0x1  }
0x9f: {  	s6 =	simm.s32 $_scs_section_size  }
0xa0: {  	s7 =	simm.s32 $_size__tile_overlayer_lowered;
	s8 =	simm.s32 $_tile_overlayer_lowered  }
0xa1: {  	s22 =	simm.s32 $0x1BFF;
	s21 =	sshll.u32 s8, $0x1;
	s5 =	sadd.s32 s6, s19  }
0xa2: {  	s9 =	simm.s32 $0x0;
	s20 =	sshll.u32 s7, $0x1;
	s7 =	sadd.s32 s21, s5  }
0xa3: {  	[timem:s9], [sflag:s22] =	dma.local [hbm:s7], s20  }
0xa4: {  	_ =	swait.ge [sflag:s22], s20  }
0xa5: {  	s6 =	ssub.s32 $0x0, s20;
	[sflag:s22] =	ssyncset.done $0x0  }
0xa6: {  	[sflag:s22] =	ssyncadd.s32 s6;
	_ =	sdelay $0x1  }
0xa7: {  	s23 =	simm.s32 $0x1B8B  }
0xa8: {  	_ =	swait.ge [sflag:s23], $0x1  }
0xa9: {  	[sflag:s23] =	ssyncset.done $0x0  }
0xaa: {  	s25 =	simm.s32 $0x1B8E;
	s24 =	sld [smem:$0x3FFE];
	[sflag:s23] =	ssyncadd.s32 $0xFFFFFFFF  }
0xab: {  	s26 =	simm.s32 $execute0_lowered;
	[smem:$0x3FD2] =	sst s25  }
0xac: {  	s7 =	sshll.u32 s26, $0x1;
	_ =	strace $0x80000046;
	[dreg:$0x1] =	wrdreg $0xFFFFFFFF  }
0xad: {  	s28 =	simm.s32 $_size_execute0_lowered;
	s5 =	sadd.s32 s5, s7;
	[dreg:$0x0] =	wrdreg $0x0  }
0xae: {  	s7 =	sshll.u32 s28, $0x1;
	[dreg:$0x2] =	wrdreg s5  }
0xaf: {  	[dreg:$0x3] =	wrdreg s7  }
0xb0: {  	[dreg:$0x4] =	wrdreg $0xC0  }
0xb1: {  	_ =	task [dreg:s9], $0x5FFFF  }
0xb2: {  	[dreg:$0x1] =	wrdreg $0xFFFFFFFF  }
0xb3: {  	[dreg:$0x0] =	wrdreg $0x60  }
0xb4: {  	[dreg:$0x2] =	wrdreg s15  }
0xb5: {  	[dreg:$0x3] =	wrdreg s24  }
0xb6: {  	[dreg:$0x4] =	wrdreg s16  }
0xb7: {  	[dreg:$0x5] =	wrdreg s17  }
0xb8: {  	[dreg:$0x6] =	wrdreg $0xA2000  }
0xb9: {  	[dreg:$0x7] =	wrdreg $0x9  }
0xba: {  	_ =	task.clear_ibuf [dreg:s9], $0x8FFFF;
	_ =	strace $0x90000046  }
0xbb: {  	s29 =	simm.s32 $0x9;
	_ =	strace $0x80000048  }
0xbc: {  	_ =	swait.ge [sflag:s29], $0x1  }
0xbd: {  	[sflag:s29] =	ssyncadd.s32 $0xFFFFFFFF  }
0xbe: {  	_ =	strace $0x90000048  }
0xbf: {  	_ =	sfence  }
0xc0: {  	s30 =	sld [smem:$0x0];
	_ =	sdelay $0x2  }
0xc1: {  	s31 =	sshll.u32 s1, $0xD;
	s1 =	sshrl.u32 s1, $0x2  }
0xc2: {  	s3 =	sand.u32 $0x4000, s31;
	s1 =	sadd.s32 s1, s30  }
0xc3: {  	s0 =	sor.u32 s3, s0;
	s1 =	sshll.u32 s1, $0x11  }
0xc4: {  	s0 =	sor.u32 s1, s0  }
0xc5: {  	s0 =	sadd.s32 $0x8F2B, s0  }
0xc6: {  	[sflag:s0] =	ssyncadd.remote.s32 $0x1  }
0xc7: {  	_ =	sfence.sel $0xFFFF  }
0xc8: {  	[dreg:$0x0] =	wrdreg $0xFFFFFFFF;
	(pc) =	sbr.abs _section_cstart, $3  }
0xc9: {  	[dreg:$0x1] =	wrdreg $0xFFFFFFFF  }
0xca: {  	_ =	task.clear_ibuf [dreg:s9], $0x2FFFF;
	_ =	strace $0x9FFFFFFF  }
0xcb: {  	(tm) =	ssettm $0x7FFFFFFF  }
tec
execute0_lowered:
.L_overlay_start_1:
0x0: {  	(tag) =	ssettag $0x1  }
0x1: {  	s0 =	rddreg [dreg:$0x0]  }
0x2: {  	s2 =	rddreg [dreg:$0x1]  }
0x3: {  	s5 =	rddreg [dreg:$0x2]  }
0x4: {  	s6 =	rddreg [dreg:$0x3]  }
0x5: {  	s1 =	rddreg [dreg:$0x4];
	s3 =	simm.s32 $0x0;
	s14 =	stileid.u32  }
0x6: {  	s4 =	srdreg.scid;
	s28 =	simm.s32 $0x50;
	s8 =	smul.u32 $0x4E000, s14  }
0x7: {  	s29 =	simm.s32 $0x180;
	s30 =	simm.s32 $0x7A00;
	s11 =	smul.u32 $0x2700, s14  }
0x8: {  	s31 =	simm.s32 $0x2;
	[smem:$0x7FF] =	sst s3;
	s19 =	smul.u32 $0x2710, s14  }
0x9: {  	s7 =	sand.u32 $0x1, s4;
	s26 =	sadd.s32 $0x124800, s1;
	s20 =	smul.u32 $0x27100, s14  }
0xa: {  	p0 =	seq.s32 s14, $0xF;
	_ =	strace $0x80000047;
	s4 =	sshll.u32 s7, $0x4  }
0xb: {  	s9 =	ssub.s32 $0x2, s7;
	[dreg:$0x8] =	wrdreg s26;
	s15 =	smul.u32 $0x138800, s7  }
0xc: {  	s16 =	smul.u32 $0x271000, s7;
	s10 =	sor.u32 s14, s4;
	s12 =	sshrl.u32 s9, $0x1  }
0xd: {  	s8 =	sshrl.u32 s8, $0x2;
	s4 =	sadd.s32 $0xCC00, s2;
	s23 =	sadd.s32 s5, s11  }
0xe: {  	s5 =	sadd.s32 $0x24900, s5;
	s13 =	smul.u32 $0x2710, s10;
	s22 =	ssub.s32 s9, s12  }
0xf: {  	s8 =	sadd.s32 s8, s1;
	[dreg:$0x7] =	wrdreg s23;
	s25 =	smul.u32 $0x27100, s10  }
0x10: {  	[dreg:$0x9] =	wrdreg s5;
	s12 =	smul.u32 $0x27100, s7;
	s18 =	sshrl.u32 s15, $0x3  }
0x11: {  	[dreg:$0x6] =	wrdreg s8;
	s2 =	smax.u32 s22, $0x1;
	s24 =	sshrl.u32 s13, $0x3  }
0x12: {  	s9 =	sadd.s32 s0, s25;
	s10 =	sadd.s32 $0x50, s13;
	s17 =	sadd.s32 s11, s12  }
0x13: {  	s21 =	sadd.s32 s19, s12;
	[dreg:$0x10] =	wrdreg s2;
	s8 =	sadd.s32 s4, s24  }
0x14: {  	[dreg:$0xb] =	wrdreg s9;
	s13 =	sshrl.u32 s10, $0x3;
	s5 =	sshll.u32 s10, $0x4  }
0x15: {  	s7 =	sadd.s32 s6, s17;
	s6 =	sadd.s32 s6, s18;
	[dreg:$0xa] =	wrdreg s8  }
0x16: {  	s22 =	sadd.s32 $0x140, s21;
	s23 =	sadd.s32 $0x190, s21;
	[dreg:$0xe] =	wrdreg s7  }
0x17: {  	s24 =	sadd.s32 $0xF0, s21;
	s9 =	sadd.s32 s4, s13;
	[dreg:$0x11] =	wrdreg s22  }
0x18: {  	s5 =	sadd.s32 s0, s5;
	s6 =	sadd.s32 $0x24900, s6;
	[dreg:$0xc] =	wrdreg s9  }
0x19: {  	s0 =	sadd.s32 s16, s0;
	s2 =	sshrl.u32 s24, $0x3;
	[dreg:$0xd] =	wrdreg s5  }
0x1a: {  	s22 =	simm.s32 $0x80;
	s24 =	simm.s32 $0x100;
	[dreg:$0xf] =	wrdreg s6  }
0x1b: {  	s16 =	sadd.s32 s20, s0;
	s5 =	sadd.s32 $0xA0, s21;
	s0 =	sshrl.u32 s23, $0x3  }
0x1c: {  	s25 =	sadd.s32 s2, s4;
	s21 =	simm.s32 $0x200;
	s23 =	simm.s32 $0x2A00  }
0x1d: {  	s2 =	simm.s32 $0x3;
	s9 =	simm.s32 $0x0;
	s5 =	sshrl.u32 s5, $0x3  }
0x1e: {  	s0 =	sadd.s32 s0, s4;
	[dreg:$0x13] =	wrdreg s25;
	s25 =	simm.s32 $0x5200  }
0x1f: {  	[dreg:$0x12] =	wrdreg s0;
	s26 =	sadd.s32 s5, s4;
	s0 =	simm.s32 $0x5  }
0x20: {  	s5 =	simm.s32 $0x4;
	[dreg:$0x14] =	wrdreg s26;
	s26 =	simm.s32 $0x1  }
.LBB2_1:
0x21: {  	s6 =	rddreg [dreg:$0x8]  }
0x22: {  	s7 =	rddreg [dreg:$0x9];
	s10 =	sshrl.u32 @p0 s6, $0x3;
	s6 =	simm.s32 @p0 $0x1FC9  }
0x23: {  	[spmem:s10], [sflag:s6] =	dma.local @p0 [hbm:s7], $0x2800  }
0x24: {  	s6 =	simm.s32 @p0 $0x9  }
0x25: {  	_ =	swait.ge @p0 [sflag:s6], $0x2800  }
0x26: {  	s7 =	stileid.u32;
	[sflag:s6] =	ssyncset.done @p0 $0x0  }
0x27: {  	s7 =	sshll.u32 @!p0 s7, $0x6;
	[sflag:s6] =	ssyncadd.s32 @p0 $0xFFFFD800;
	s6 =	rddreg [dreg:$0x6]  }
0x28: {  	s11 =	sor.u32 @!p0 $0x1C09, s7;
	s12 =	sshrl.u32 @!p0 s6, $0x3;
	s6 =	rddreg [dreg:$0x7]  }
0x29: {  	[spmem:s12], [sflag:s11] =	dma.local @!p0 [hbm:s6], $0x2700  }
0x2a: {  	s6 =	simm.s32 @!p0 $0x9  }
0x2b: {  	_ =	swait.ge @!p0 [sflag:s6], $0x2700  }
0x2c: {  	[sflag:s6] =	ssyncset.done @!p0 $0x0  }
0x2d: {  	[sflag:s6] =	ssyncadd.s32 @!p0 $0xFFFFD900  }
0x2e: {  	[bflag:$0x0] =	sbarrier.arrive $0xFFFF  }
0x2f: {  	s19 =	rddreg [dreg:$0xa]  }
0x30: {  	[tilespmem:s3], [sflag:$0x1] =	stream.linear.gather [hbm4b:s19+s3], $0x50, $0x38;
	[tilespmem:$0x1DA80] =	vst v63  }
0x31: {  	p1 =	por $0x1, $0x1;
	s20 =	rddreg [dreg:$0xb]  }
0x32: {  	[tilespmem:s21], [sflag:$0x1] =	stream.linear.gather [hbm4b:s20+s3], $0x2800, $0x38;
	[tilespmem:$0x1DA80] =	vst v63  }
0x33: {  	p1 =	por p1, p1;
	s7 =	rddreg [dreg:$0xc]  }
0x34: {  	[tilespmem:s22], [sflag:$0x2] =	stream.linear.gather [hbm4b:s7+s3], $0x50, $0x38;
	[tilespmem:$0x1DA80] =	vst v63  }
0x35: {  	s6 =	simm.s32 @!p1 $0x7;
	s8 =	rddreg [dreg:$0xd]  }
0x36: {  	[tilespmem:s23], [sflag:$0x2] =	stream.linear.gather [hbm4b:s8+s3], $0x2800, $0x38;
	[tilespmem:$0x1DA80] =	vst v63  }
0x37: {  	_ =	swait.ge @!p1 [sflag:s6], $0x2800  }
0x38: {  	[sflag:s6] =	ssyncset.done @!p1 $0x0  }
0x39: {  	s13 =	sadd.s32 $0x0, s16;
	s18 =	rddreg [dreg:$0x14];
	[sflag:s6] =	ssyncadd.s32 @!p1 $0xFFFFD800  }
0x3a: {  	[tilespmem:s24], [sflag:$0x3] =	stream.linear.gather [hbm4b:s18+s3], $0x50, $0x38;
	[tilespmem:$0x1DA80] =	vst v63  }
0x3b: {  	s17 =	sadd.s32 $0xA00, s13  }
0x3c: {  	[tilespmem:s25], [sflag:$0x3] =	stream.linear.gather [hbm4b:s17+s3], $0x2800, $0x38;
	[tilespmem:$0x1DA80] =	vst v63  }
0x3d: {  	_ =	swait.ge [sflag:s26], $0x50  }
0x3e: {  	[sflag:s26] =	ssyncset.done $0x0  }
0x3f: {  	[sflag:s26] =	ssyncadd.s32 $0xFFFFFFB0  }
0x40: {  	_ =	swait.ge [sflag:s26], $0x2800  }
0x41: {  	[sflag:s26] =	ssyncset.done $0x0  }
0x42: {  	s7 =	simm.s32 @!p1 $0x8;
	[sflag:s26] =	ssyncadd.s32 $0xFFFFD800  }
0x43: {  	[spmem:s1] =	stream.indirect.scatter.add.f32 [tilespmem:s21], [sflag:$0x5], $0x80, s3, s28, $0xb8;
	[tilespmem:$0x1DA80] =	vst v63  }
0x44: {  	_ =	swait.ge @!p1 [sflag:s7], $0x2800  }
0x45: {  	[sflag:s7] =	ssyncset.done @!p1 $0x0  }
0x46: {  	s15 =	rddreg [dreg:$0x13];
	[sflag:s7] =	ssyncadd.s32 @!p1 $0xFFFFD800  }
0x47: {  	[tilespmem:s29], [sflag:$0x4] =	stream.linear.gather [hbm4b:s15+s3], $0x50, $0x38;
	[tilespmem:$0x1DA80] =	vst v63  }
0x48: {  	s19 =	sadd.s32 $0xF00, s13  }
0x49: {  	[tilespmem:s30], [sflag:$0x4] =	stream.linear.gather [hbm4b:s19+s3], $0x2800, $0x38;
	[tilespmem:$0x1DA80] =	vst v63  }
0x4a: {  	_ =	swait.ge [sflag:s31], $0x50  }
0x4b: {  	[sflag:s31] =	ssyncset.done $0x0  }
0x4c: {  	[sflag:s31] =	ssyncadd.s32 $0xFFFFFFB0  }
0x4d: {  	_ =	swait.ge [sflag:s31], $0x2800  }
0x4e: {  	[sflag:s31] =	ssyncset.done $0x0  }
0x4f: {  	[sflag:s31] =	ssyncadd.s32 $0xFFFFD800  }
0x50: {  	[spmem:s1] =	stream.indirect.scatter.add.f32 [tilespmem:s23], [sflag:$0x6], $0x80, s22, s28, $0xb8;
	[tilespmem:$0x1DA80] =	vst v63  }
0x51: {  	_ =	swait.ge [sflag:s0], $0x2800  }
0x52: {  	s14 =	rddreg [dreg:$0x11]  }
0x53: {  	[sflag:s0] =	ssyncset.done $0x0;
	s20 =	sshrl.u32 s14, $0x3  }
0x54: {  	[sflag:s0] =	ssyncadd.s32 $0xFFFFD800;
	s7 =	sadd.s32 s4, s20  }
0x55: {  	[tilespmem:s3], [sflag:$0x1] =	stream.linear.gather [hbm4b:s7+s3], $0x50, $0x38;
	[tilespmem:$0x1DA80] =	vst v63  }
0x56: {  	s6 =	sadd.s32 $0x1400, s13  }
0x57: {  	[tilespmem:s21], [sflag:$0x1] =	stream.linear.gather [hbm4b:s6+s3], $0x2800, $0x38;
	[tilespmem:$0x1DA80] =	vst v63  }
0x58: {  	_ =	swait.ge [sflag:s2], $0x50  }
0x59: {  	[sflag:s2] =	ssyncset.done $0x0  }
0x5a: {  	[sflag:s2] =	ssyncadd.s32 $0xFFFFFFB0  }
0x5b: {  	_ =	swait.ge [sflag:s2], $0x2800  }
0x5c: {  	p1 =	por $0x0, $0x0;
	[sflag:s2] =	ssyncset.done $0x0  }
0x5d: {  	s6 =	simm.s32 @!p1 $0x6;
	[sflag:s2] =	ssyncadd.s32 $0xFFFFD800  }
0x5e: {  	[spmem:s1] =	stream.indirect.scatter.add.f32 [tilespmem:s25], [sflag:$0x7], $0x80, s24, s28, $0xb8;
	[tilespmem:$0x1DA80] =	vst v63  }
0x5f: {  	_ =	swait.ge @!p1 [sflag:s6], $0x2800  }
0x60: {  	s8 =	simm.s32 @!p1 $0x0;
	s13 =	simm.s32 @!p1 $0x80;
	[sflag:s6] =	ssyncset.done @!p1 $0x0  }
0x61: {  	s7 =	sadd.s32 @!p1 $0x0, s16;
	s17 =	rddreg [dreg:$0x12];
	[sflag:s6] =	ssyncadd.s32 @!p1 $0xFFFFD800  }
0x62: {  	[tilespmem:s13], [sflag:$0x2] =	stream.linear.gather @!p1 [hbm4b:s17+s8], $0x50, $0x38;
	[tilespmem:$0x1DA80] =	vst v63  }
0x63: {  	s6 =	sadd.s32 @!p1 $0x1900, s7;
	s7 =	simm.s32 @!p1 $0x2A00  }
0x64: {  	[tilespmem:s7], [sflag:$0x2] =	stream.linear.gather @!p1 [hbm4b:s6+s8], $0x2800, $0x38;
	[tilespmem:$0x1DA80] =	vst v63  }
0x65: {  	_ =	swait.ge [sflag:s5], $0x50  }
0x66: {  	p6 =	por $0x0, $0x0;
	s13 =	simm.s32 $0x1400;
	[sflag:s5] =	ssyncset.done $0x0  }
0x67: {  	s8 =	simm.s32 $0x2800;
	p1 =	por p6, p6;
	[sflag:s5] =	ssyncadd.s32 $0xFFFFFFB0  }
0x68: {  	s6 =	sadd.s32 $0x28, s15;
	s7 =	sadd.s32 $0x28, s18;
	_ =	swait.ge [sflag:s5], $0x2800  }
0x69: {  	s15 =	sadd.s32 $0x140, s14;
	s14 =	sadd.s32 $0x28, s17;
	[sflag:s5] =	ssyncset.done $0x0  }
.LBB2_2:
0x6a: {  	p3 =	seq.s32 s8, $0x0;
	s18 =	simm.s32 @!p1 $0x7;
	[sflag:s5] =	ssyncadd.s32 $0xFFFFD800  }
0x6b: {  	[spmem:s1] =	stream.indirect.scatter.add.f32 [tilespmem:s30], [sflag:$0x8], $0x80, s29, s28, $0xb8;
	[tilespmem:$0x1DA80] =	vst v63  }
0x6c: {  	s17 =	smov.u32 s8;
	s8 =	sadd.s32 $0x1400, s8;
	_ =	swait.ge @!p1 [sflag:s18], $0x2800  }
0x6d: {  	p2 =	sne.s32 s8, $0x26C00;
	[sflag:s18] =	ssyncset.done @!p1 $0x0  }
0x6e: {  	[sflag:s18] =	ssyncadd.s32 @!p1 $0xFFFFD800;
	s18 =	sadd.s32 s13, s16  }
0x6f: {  	[tilespmem:s24], [sflag:$0x3] =	stream.linear.gather [hbm4b:s7+s3], $0x50, $0x38;
	[tilespmem:$0x1DA80] =	vst v63  }
0x70: {  	s19 =	sadd.s32 $0xA00, s18  }
0x71: {  	[tilespmem:s25], [sflag:$0x3] =	stream.linear.gather [hbm4b:s19+s3], $0x2800, $0x38;
	[tilespmem:$0x1DA80] =	vst v63  }
0x72: {  	_ =	swait.ge [sflag:s26], $0x50  }
0x73: {  	[sflag:s26] =	ssyncset.done $0x0  }
0x74: {  	[sflag:s26] =	ssyncadd.s32 $0xFFFFFFB0  }
0x75: {  	_ =	swait.ge [sflag:s26], $0x2800  }
0x76: {  	[sflag:s26] =	ssyncset.done $0x0  }
0x77: {  	s19 =	simm.s32 @!p1 $0x8;
	[sflag:s26] =	ssyncadd.s32 $0xFFFFD800  }
0x78: {  	[spmem:s1] =	stream.indirect.scatter.add.f32 [tilespmem:s21], [sflag:$0x5], $0x80, s3, s28, $0xb8;
	[tilespmem:$0x1DA80] =	vst v63  }
0x79: {  	_ =	swait.ge @!p1 [sflag:s19], $0x2800  }
0x7a: {  	[sflag:s19] =	ssyncset.done @!p1 $0x0  }
0x7b: {  	[sflag:s19] =	ssyncadd.s32 @!p1 $0xFFFFD800;
	p1 =	por p3, p3  }
0x7c: {  	[tilespmem:s29], [sflag:$0x4] =	stream.linear.gather [hbm4b:s6+s3], $0x50, $0x38;
	[tilespmem:$0x1DA80] =	vst v63  }
0x7d: {  	s19 =	sadd.s32 $0xF00, s18  }
0x7e: {  	[tilespmem:s30], [sflag:$0x4] =	stream.linear.gather [hbm4b:s19+s3], $0x2800, $0x38;
	[tilespmem:$0x1DA80] =	vst v63  }
0x7f: {  	_ =	swait.ge [sflag:s31], $0x50  }
0x80: {  	[sflag:s31] =	ssyncset.done $0x0  }
0x81: {  	[sflag:s31] =	ssyncadd.s32 $0xFFFFFFB0  }
0x82: {  	_ =	swait.ge [sflag:s31], $0x2800  }
0x83: {  	[sflag:s31] =	ssyncset.done $0x0  }
0x84: {  	[sflag:s31] =	ssyncadd.s32 $0xFFFFD800  }
0x85: {  	[spmem:s1] =	stream.indirect.scatter.add.f32 [tilespmem:s23], [sflag:$0x6], $0x80, s22, s28, $0xb8;
	[tilespmem:$0x1DA80] =	vst v63  }
0x86: {  	_ =	swait.ge [sflag:s0], $0x2800  }
0x87: {  	s19 =	sshrl.u32 s15, $0x3;
	[sflag:s0] =	ssyncset.done $0x0  }
0x88: {  	s19 =	sadd.s32 s4, s19;
	[sflag:s0] =	ssyncadd.s32 $0xFFFFD800  }
0x89: {  	[tilespmem:s3], [sflag:$0x1] =	stream.linear.gather [hbm4b:s19+s3], $0x50, $0x38;
	[tilespmem:$0x1DA80] =	vst v63  }
0x8a: {  	s18 =	sadd.s32 $0x1400, s18  }
0x8b: {  	[tilespmem:s21], [sflag:$0x1] =	stream.linear.gather [hbm4b:s18+s3], $0x2800, $0x38;
	[tilespmem:$0x1DA80] =	vst v63  }
0x8c: {  	_ =	swait.ge [sflag:s2], $0x50  }
0x8d: {  	[sflag:s2] =	ssyncset.done $0x0  }
0x8e: {  	[sflag:s2] =	ssyncadd.s32 $0xFFFFFFB0  }
0x8f: {  	_ =	swait.ge [sflag:s2], $0x2800  }
0x90: {  	[sflag:s2] =	ssyncset.done $0x0  }
0x91: {  	p3 =	seq.s32 s13, $0x25800;
	[sflag:s2] =	ssyncadd.s32 $0xFFFFD800  }
0x92: {  	[spmem:s1] =	stream.indirect.scatter.add.f32 [tilespmem:s25], [sflag:$0x7], $0x80, s24, s28, $0xb8;
	[tilespmem:$0x1DA80] =	vst v63  }
0x93: {  	s19 =	sadd.s32 @!p3 s13, s16;
	s13 =	smov.u32 s17;
	s18 =	simm.s32 @!p3 $0x6  }
0x94: {  	s17 =	sadd.s32 @!p3 $0x1900, s19;
	_ =	swait.ge @!p3 [sflag:s18], $0x2800  }
0x95: {  	s20 =	simm.s32 @!p3 $0x80;
	s19 =	simm.s32 @!p3 $0x0;
	[sflag:s18] =	ssyncset.done @!p3 $0x0  }
0x96: {  	[sflag:s18] =	ssyncadd.s32 @!p3 $0xFFFFD800;
	s18 =	simm.s32 @!p3 $0x2A00  }
0x97: {  	[tilespmem:s20], [sflag:$0x2] =	stream.linear.gather @!p3 [hbm4b:s14+s19], $0x50, $0x38;
	[tilespmem:$0x1DA80] =	vst v63  }
0x98: {  	_ = 	snop  }
0x99: {  	[tilespmem:s18], [sflag:$0x2] =	stream.linear.gather @!p3 [hbm4b:s17+s19], $0x2800, $0x38;
	[tilespmem:$0x1DA80] =	vst v63  }
.Ltmp0:
0x9a: {  	_ =	swait.ge [sflag:s5], $0x50;
	(pc) =	sbr.rel @p2 .LBB2_2-.Ltmp0, $4  }
0x9b: {  	[sflag:s5] =	ssyncset.done $0x0  }
0x9c: {  	[sflag:s5] =	ssyncadd.s32 $0xFFFFFFB0  }
0x9d: {  	s7 =	sadd.s32 $0x28, s7;
	s6 =	sadd.s32 $0x28, s6;
	_ =	swait.ge [sflag:s5], $0x2800  }
0x9e: {  	s15 =	sadd.s32 $0x140, s15;
	s14 =	sadd.s32 $0x28, s14;
	[sflag:s5] =	ssyncset.done $0x0  }
0x9f: {  	s8 =	simm.s32 @!p1 $0x7;
	[sflag:s5] =	ssyncadd.s32 $0xFFFFD800  }
0xa0: {  	[spmem:s1] =	stream.indirect.scatter.add.f32 [tilespmem:s30], [sflag:$0x8], $0x80, s29, s28, $0xb8;
	[tilespmem:$0x1DA80] =	vst v63  }
0xa1: {  	_ =	swait.ge @!p1 [sflag:s8], $0x2800  }
0xa2: {  	[sflag:s8] =	ssyncset.done @!p1 $0x0  }
0xa3: {  	s18 =	sadd.s32 s13, s16;
	[sflag:s8] =	ssyncadd.s32 @!p1 $0xFFFFD800  }
0xa4: {  	[tilespmem:s24], [sflag:$0x3] =	stream.linear.gather [hbm4b:s7+s3], $0x50, $0x38;
	[tilespmem:$0x1DA80] =	vst v63  }
0xa5: {  	s19 =	sadd.s32 $0xA00, s18  }
0xa6: {  	[tilespmem:s25], [sflag:$0x3] =	stream.linear.gather [hbm4b:s19+s3], $0x2800, $0x38;
	[tilespmem:$0x1DA80] =	vst v63  }
0xa7: {  	_ =	swait.ge [sflag:s26], $0x50  }
0xa8: {  	[sflag:s26] =	ssyncset.done $0x0  }
0xa9: {  	[sflag:s26] =	ssyncadd.s32 $0xFFFFFFB0  }
0xaa: {  	_ =	swait.ge [sflag:s26], $0x2800  }
0xab: {  	[sflag:s26] =	ssyncset.done $0x0  }
0xac: {  	s7 =	simm.s32 @!p1 $0x8;
	[sflag:s26] =	ssyncadd.s32 $0xFFFFD800  }
0xad: {  	[spmem:s1] =	stream.indirect.scatter.add.f32 [tilespmem:s21], [sflag:$0x5], $0x80, s3, s28, $0xb8;
	[tilespmem:$0x1DA80] =	vst v63  }
0xae: {  	_ =	swait.ge @!p1 [sflag:s7], $0x2800  }
0xaf: {  	[sflag:s7] =	ssyncset.done @!p1 $0x0  }
0xb0: {  	[sflag:s7] =	ssyncadd.s32 @!p1 $0xFFFFD800  }
0xb1: {  	[tilespmem:s29], [sflag:$0x4] =	stream.linear.gather [hbm4b:s6+s3], $0x50, $0x38;
	[tilespmem:$0x1DA80] =	vst v63  }
0xb2: {  	s20 =	sadd.s32 $0xF00, s18  }
0xb3: {  	[tilespmem:s30], [sflag:$0x4] =	stream.linear.gather [hbm4b:s20+s3], $0x2800, $0x38;
	[tilespmem:$0x1DA80] =	vst v63  }
0xb4: {  	_ =	swait.ge [sflag:s31], $0x50  }
0xb5: {  	[sflag:s31] =	ssyncset.done $0x0  }
0xb6: {  	[sflag:s31] =	ssyncadd.s32 $0xFFFFFFB0  }
0xb7: {  	_ =	swait.ge [sflag:s31], $0x2800  }
0xb8: {  	[sflag:s31] =	ssyncset.done $0x0  }
0xb9: {  	[sflag:s31] =	ssyncadd.s32 $0xFFFFD800  }
0xba: {  	[spmem:s1] =	stream.indirect.scatter.add.f32 [tilespmem:s23], [sflag:$0x6], $0x80, s22, s28, $0xb8;
	[tilespmem:$0x1DA80] =	vst v63  }
0xbb: {  	_ =	swait.ge [sflag:s0], $0x2800  }
0xbc: {  	s7 =	sshrl.u32 s15, $0x3;
	[sflag:s0] =	ssyncset.done $0x0  }
0xbd: {  	s6 =	sadd.s32 s4, s7;
	[sflag:s0] =	ssyncadd.s32 $0xFFFFD800  }
0xbe: {  	[tilespmem:s3], [sflag:$0x1] =	stream.linear.gather [hbm4b:s6+s3], $0x50, $0x38;
	[tilespmem:$0x1DA80] =	vst v63  }
0xbf: {  	s15 =	sadd.s32 $0x1400, s18  }
0xc0: {  	[tilespmem:s21], [sflag:$0x1] =	stream.linear.gather [hbm4b:s15+s3], $0x2800, $0x38;
	[tilespmem:$0x1DA80] =	vst v63  }
0xc1: {  	_ =	swait.ge [sflag:s2], $0x50  }
0xc2: {  	[sflag:s2] =	ssyncset.done $0x0  }
0xc3: {  	[sflag:s2] =	ssyncadd.s32 $0xFFFFFFB0  }
0xc4: {  	_ =	swait.ge [sflag:s2], $0x2800  }
0xc5: {  	p1 =	seq.s32 s13, $0x25800;
	[sflag:s2] =	ssyncset.done $0x0  }
0xc6: {  	s6 =	simm.s32 @!p1 $0x6;
	[sflag:s2] =	ssyncadd.s32 $0xFFFFD800  }
0xc7: {  	[spmem:s1] =	stream.indirect.scatter.add.f32 [tilespmem:s25], [sflag:$0x7], $0x80, s24, s28, $0xb8;
	[tilespmem:$0x1DA80] =	vst v63  }
0xc8: {  	_ =	swait.ge @!p1 [sflag:s6], $0x2800  }
0xc9: {  	[sflag:s6] =	ssyncset.done @!p1 $0x0  }
0xca: {  	s7 =	simm.s32 @!p1 $0x0;
	[sflag:s6] =	ssyncadd.s32 @!p1 $0xFFFFD800;
	s6 =	simm.s32 @!p1 $0x80  }
0xcb: {  	[tilespmem:s6], [sflag:$0x2] =	stream.linear.gather @!p1 [hbm4b:s14+s7], $0x50, $0x38;
	[tilespmem:$0x1DA80] =	vst v63  }
0xcc: {  	s6 =	sadd.s32 @!p1 s13, s16  }
0xcd: {  	s8 =	simm.s32 @!p1 $0x2A00;
	s6 =	sadd.s32 @!p1 $0x1900, s6  }
0xce: {  	[tilespmem:s8], [sflag:$0x2] =	stream.linear.gather @!p1 [hbm4b:s6+s7], $0x2800, $0x38;
	[tilespmem:$0x1DA80] =	vst v63  }
0xcf: {  	_ =	swait.ge [sflag:s5], $0x50  }
0xd0: {  	[sflag:s5] =	ssyncset.done $0x0  }
0xd1: {  	[sflag:s5] =	ssyncadd.s32 $0xFFFFFFB0  }
0xd2: {  	_ =	swait.ge [sflag:s5], $0x2800  }
0xd3: {  	[sflag:s5] =	ssyncset.done $0x0  }
0xd4: {  	[sflag:s5] =	ssyncadd.s32 $0xFFFFD800  }
0xd5: {  	[spmem:s1] =	stream.indirect.scatter.add.f32 [tilespmem:s30], [sflag:$0x8], $0x80, s29, s28, $0xb8;
	[tilespmem:$0x1DA80] =	vst v63  }
0xd6: {  	_ =	swait.ge [sflag:s26], $0x50  }
0xd7: {  	[sflag:s26] =	ssyncset.done $0x0  }
0xd8: {  	[sflag:s26] =	ssyncadd.s32 $0xFFFFFFB0  }
0xd9: {  	_ =	swait.ge [sflag:s26], $0x2800  }
0xda: {  	[sflag:s26] =	ssyncset.done $0x0  }
0xdb: {  	[sflag:s26] =	ssyncadd.s32 $0xFFFFD800  }
0xdc: {  	[spmem:s1] =	stream.indirect.scatter.add.f32 [tilespmem:s21], [sflag:$0x5], $0x80, s3, s28, $0xb8;
	[tilespmem:$0x1DA80] =	vst v63  }
0xdd: {  	_ =	swait.ge [sflag:s0], $0x2800  }
0xde: {  	[sflag:s0] =	ssyncset.done $0x0  }
0xdf: {  	s17 =	simm.s32 $0x6;
	[sflag:s0] =	ssyncadd.s32 $0xFFFFD800  }
0xe0: {  	_ =	swait.ge [sflag:s17], $0x2800  }
0xe1: {  	[sflag:s17] =	ssyncset.done $0x0  }
0xe2: {  	s18 =	simm.s32 $0x7;
	[sflag:s17] =	ssyncadd.s32 $0xFFFFD800  }
0xe3: {  	_ =	swait.ge [sflag:s18], $0x2800  }
0xe4: {  	[sflag:s18] =	ssyncset.done $0x0  }
0xe5: {  	s19 =	simm.s32 $0x8;
	[sflag:s18] =	ssyncadd.s32 $0xFFFFD800  }
0xe6: {  	_ =	swait.ge [sflag:s19], $0x2800  }
0xe7: {  	[sflag:s19] =	ssyncset.done $0x0  }
0xe8: {  	[sflag:s19] =	ssyncadd.s32 $0xFFFFD800  }
0xe9: {  	[bflag:$0x0] =	sbarrier.arrive $0xFFFF  }
0xea: {  	s6 =	simm.s32 @p0 $0x1FC9;
	s7 =	rddreg [dreg:$0xf]  }
0xeb: {  	[hbm:s7], [sflag:s6] =	dma.local @p0 [spmem:s10], $0x2800  }
0xec: {  	s6 =	simm.s32 @p0 $0x9  }
0xed: {  	_ =	swait.ge @p0 [sflag:s6], $0x2800  }
0xee: {  	[sflag:s6] =	ssyncset.done @p0 $0x0  }
0xef: {  	[sflag:s6] =	ssyncadd.s32 @p0 $0xFFFFD800;
	s6 =	rddreg [dreg:$0xe]  }
0xf0: {  	[hbm:s6], [sflag:s11] =	dma.local @!p0 [spmem:s12], $0x2700  }
0xf1: {  	s6 =	simm.s32 @!p0 $0x9  }
0xf2: {  	_ =	swait.ge @!p0 [sflag:s6], $0x2700  }
0xf3: {  	s9 =	sadd.s32 $0x1, s9;
	s20 =	rddreg [dreg:$0x10]  }
0xf4: {  	p1 =	sne.s32 s9, s20  }
.Ltmp1:
0xf5: {  	_ = 	snop;
	(pc) =	sbr.rel @p1 .LBB2_1-.Ltmp1, $3  }
0xf6: {  	_ =	sdelay $0x1  }
0xf7: {  	[sflag:s6] =	ssyncset.done @!p0 $0x0  }
0xf8: {  	[sflag:s6] =	ssyncadd.s32 @!p0 $0xFFFFD900  }
0xf9: {  	_ =	sfence.sel $0x180000  }
0xfa: {  	[bflag:$0x0] =	sbarrier.arrive $0xFFFF  }
0xfb: {  	_ =	strace $0x90000047  }
0xfc: {  	s0 =	stileid.u32;
	[bflag:$0x2] =	sbarrier.arrive $0xFFFF  }
0xfd: {  	p0 =	sne.s32 s0, $0x0;
	s0 =	rddreg [dreg:$0x5]  }
0xfe: {  	s0 =	sadd.s32 @!p0 $0x100000, s0  }
0xff: {  	[sflag:s0] =	ssyncadd.tile.s32 @!p0 $0x1;
	_ =	shalt  }
.Lfunc_end2:
_tile_overlayer_lowered:
.L_overlay_start_2:
0x100: {  	(tag) =	ssettag $0x2  }
0x101: {  	s0 =	rddreg [dreg:$0x0];
	s2 =	stileid.u32  }
0x102: {  	s1 =	rddreg [dreg:$0x1];
	p0 =	sne.s32 s2, $0x0  }
0x103: {  	s3 =	rddreg [dreg:$0x2];
	[bflag:$0x3] =	sbarrier.arrive $0xFFFF;
	s2 =	simm.s32 @!p0 $0x1C09  }
0x104: {  	[timem:s3], [sflag:s2] =	dma.local @!p0 [hbm:s0], s1  }
0x105: {  	s0 =	simm.s32 @!p0 $0x9  }
0x106: {  	_ =	swait.ge @!p0 [sflag:s0], s1  }
0x107: {  	s1 =	ssub.s32 @!p0 $0x0, s1;
	[sflag:s0] =	ssyncset.done @!p0 $0x0  }
0x108: {  	[sflag:s0] =	ssyncadd.s32 @!p0 s1  }
0x109: {  	[bflag:$0x3] =	sbarrier.arrive $0xFFFF  }
0x10a: {  	_ =	shalt  }

// kernel: kernel.9.cloned.1.call-start
scs
__scs_entry_jumppad:
0x0: {  	(pc) =	sbr.rel $0x88, $3  }
0x1: {  	(tag) =	ssettag $0x0;
	lr =	simm.s32 $0x1  }
0x2: {  	[smem:$0x3F8D] =	sst lr;
	_ =	strace $0xD0000000  }
0x3: {  	_ = 	snop  }
0x4: {  	_ = 	snop  }
0x5: {  	_ = 	snop  }
0x6: {  	_ = 	snop  }
0x7: {  	_ = 	snop  }
__scs_overlays_trampoline_lowered:
0x8: {  	[smem:$0x3F9C] =	sst s0  }
0x9: {  	[smem:$0x3F9D] =	sst s1  }
0xa: {  	[smem:$0x3F9E] =	sst s2  }
0xb: {  	[smem:$0x3F9F] =	sst s3  }
0xc: {  	[smem:$0x3FA0] =	sst s4  }
0xd: {  	[smem:$0x3FA1] =	sst s5  }
0xe: {  	[smem:$0x3FA2] =	sst s6  }
0xf: {  	[smem:$0x3FA3] =	sst s7  }
0x10: {  	[smem:$0x3FA4] =	sst s8  }
0x11: {  	[smem:$0x3FA5] =	sst s9;
	s0 =	simm.s32 @!p0 $0x0  }
0x12: {  	s1 =	sld [smem:$0x3F8B];
	s0 =	simm.s32 @p0 $0x1  }
0x13: {  	[smem:$0x3FA6] =	sst s0;
	s0 =	simm.s32 @!p1 $0x0  }
0x14: {  	s2 =	sld [smem:$0x3F8A];
	s0 =	simm.s32 @p1 $0x1  }
0x15: {  	[smem:$0x3FA7] =	sst s0;
	s0 =	simm.s32 @!p2 $0x0  }
0x16: {  	s3 =	sld [smem:$0x3FDB];
	s0 =	simm.s32 @p2 $0x1  }
0x17: {  	s4 =	simm.s32 $0x1BF5;
	[smem:$0x3FA9] =	sst s0  }
0x18: {  	s0 =	sld [smem:$0x3F8C];
	_ =	swait.ge [sflag:s4], $0x0  }
0x19: {  	s7 =	sld [smem:$0x3F8D]  }
0x1a: {  	s8 =	sadd.s32 $0xFFFFE003, lr  }
0x1b: {  	s9 =	sadd.s32 $0xFFFFFEF7, lr;
	s5 =	simm.s32 $0xFFFFFFFF;
	p2 =	slt.u32 s8, $0xFFFFF086  }
0x1c: {  	p1 =	slt.u32 s9, $0xF7A;
	s5 =	simm.s32 @!p2 $0x0  }
0x1d: {  	s5 =	simm.s32 @p1 $0x1;
	p0 =	seq.s32 s7, s2  }
0x1e: {  	s7 =	smul.u32 @!p0 $0xF7A, s2;
	p2 =	seq.s32 @!p0 s5, $0x0  }
0x1f: {  	s9 =	smul.u32 $0xF7A, s1;
	s8 =	simm.s32 @!p0 $0x1BF5;
	p2 =	por !p2, p0  }
0x20: {  	[sflag:s8] =	ssyncset.s32 @!p0 $0xFFFFF086;
	s6 =	sadd.s32 @!p0 s3, s7;
	s7 =	simm.s32 @!p0 $0x108  }
0x21: {  	s3 =	sadd.s32 s3, s9;
	s6 =	sadd.s32 @!p0 $0x88, s6;
	s7 =	simm.s32 @p2 $0x1082  }
0x22: {  	[simem:s7], [sflag:s8] =	dma.local @!p0 [hbm:s6], $0xF7A  }
0x23: {  	s9 =	sor.u32 $0xD0000000, s2;
	s6 =	simm.s32 $0x108;
	_ =	swait.ge @!p0 [sflag:s8], $0x0  }
0x24: {  	s3 =	sadd.s32 $0x88, s3;
	s6 =	simm.s32 @!p1 $0x1082;
	[sflag:s4] =	ssyncset.s32 $0xFFFFF086  }
0x25: {  	[simem:s6], [sflag:s4] =	dma.local [hbm:s3], $0xF7A  }
0x26: {  	[smem:$0x3F8D] =	sst s1;
	(tag) =	ssettag s2;
	_ =	strace s9  }
0x27: {  	s1 =	sld [smem:$0x3F9D]  }
0x28: {  	s2 =	sld [smem:$0x3F9E]  }
0x29: {  	s4 =	sld [smem:$0x3FA0]  }
0x2a: {  	p0 =	seq.s32 s5, $0x0;
	s5 =	sld [smem:$0x3FA1]  }
0x2b: {  	s6 =	sld [smem:$0x3FA2]  }
0x2c: {  	s7 =	sld [smem:$0x3FA3]  }
0x2d: {  	s3 =	simm.s32 $0x108;
	s8 =	sld [smem:$0x3FA4]  }
0x2e: {  	s3 =	simm.s32 @!p0 $0x1082;
	s9 =	sld [smem:$0x3FA5]  }
0x2f: {  	lr =	sadd.s32 s0, s3;
	s0 =	sld [smem:$0x3F9C]  }
0x30: {  	s3 =	sld [smem:$0x3F9F]  }
0x31: {  	[smem:$0x3FA8] =	sst s10  }
0x32: {  	s10 =	sld [smem:$0x3FA6];
	_ =	sdelay $0x3  }
0x33: {  	p0 =	seq.s32 s10, $0x1;
	s10 =	sld [smem:$0x3FA8];
	_ =	sdelay $0x3  }
0x34: {  	[smem:$0x3FA8] =	sst s10  }
0x35: {  	s10 =	sld [smem:$0x3FA7];
	_ =	sdelay $0x3  }
0x36: {  	p1 =	seq.s32 s10, $0x1;
	s10 =	sld [smem:$0x3FA8];
	_ =	sdelay $0x3  }
0x37: {  	[smem:$0x3FA8] =	sst s10  }
0x38: {  	s10 =	sld [smem:$0x3FA9]  }
0x39: {  	_ = 	snop;
	(pc) =	sbr.ind lr, $3  }
0x3a: {  	_ = 	snop  }
0x3b: {  	_ = 	snop  }
0x3c: {  	p2 =	seq.s32 s10, $0x1;
	s10 =	sld [smem:$0x3FA8]  }
0x3d: {  	_ =	shalt  }
0x3e: {  	_ =	shalt  }
0x3f: {  	_ =	shalt  }
0x40: {  	_ =	shalt  }
0x41: {  	_ =	shalt  }
0x42: {  	_ =	shalt  }
0x43: {  	_ =	shalt  }
0x44: {  	_ =	shalt  }
0x45: {  	_ =	shalt  }
0x46: {  	_ =	shalt  }
0x47: {  	_ =	shalt  }
0x48: {  	_ =	shalt  }
0x49: {  	_ =	shalt  }
0x4a: {  	_ =	shalt  }
0x4b: {  	_ =	shalt  }
0x4c: {  	_ =	shalt  }
0x4d: {  	_ =	shalt  }
0x4e: {  	_ =	shalt  }
0x4f: {  	_ =	shalt  }
0x50: {  	_ =	shalt  }
0x51: {  	_ =	shalt  }
0x52: {  	_ =	shalt  }
0x53: {  	_ =	shalt  }
0x54: {  	_ =	shalt  }
0x55: {  	_ =	shalt  }
0x56: {  	_ =	shalt  }
0x57: {  	_ =	shalt  }
0x58: {  	_ =	shalt  }
0x59: {  	_ =	shalt  }
0x5a: {  	_ =	shalt  }
0x5b: {  	_ =	shalt  }
0x5c: {  	_ =	shalt  }
0x5d: {  	_ =	shalt  }
0x5e: {  	_ =	shalt  }
0x5f: {  	_ =	shalt  }
0x60: {  	_ =	shalt  }
0x61: {  	_ =	shalt  }
0x62: {  	_ =	shalt  }
0x63: {  	_ =	shalt  }
0x64: {  	_ =	shalt  }
0x65: {  	_ =	shalt  }
0x66: {  	_ =	shalt  }
0x67: {  	_ =	shalt  }
0x68: {  	_ =	shalt  }
0x69: {  	_ =	shalt  }
0x6a: {  	_ =	shalt  }
0x6b: {  	_ =	shalt  }
0x6c: {  	_ =	shalt  }
0x6d: {  	_ =	shalt  }
0x6e: {  	_ =	shalt  }
0x6f: {  	_ =	shalt  }
0x70: {  	_ =	shalt  }
0x71: {  	_ =	shalt  }
0x72: {  	_ =	shalt  }
0x73: {  	_ =	shalt  }
0x74: {  	_ =	shalt  }
0x75: {  	_ =	shalt  }
0x76: {  	_ =	shalt  }
0x77: {  	_ =	shalt  }
0x78: {  	_ =	shalt  }
0x79: {  	_ =	shalt  }
0x7a: {  	_ =	shalt  }
0x7b: {  	_ =	shalt  }
0x7c: {  	_ =	shalt  }
0x7d: {  	_ =	shalt  }
0x7e: {  	_ =	shalt  }
0x7f: {  	_ =	shalt  }
0x80: {  	_ =	shalt  }
0x81: {  	_ =	shalt  }
0x82: {  	_ =	shalt  }
0x83: {  	_ =	shalt  }
0x84: {  	_ =	shalt  }
0x85: {  	_ =	shalt  }
0x86: {  	_ =	shalt  }
0x87: {  	_ =	shalt  }
.Lfunc_end0:
.L_simem_size_0:
called_computation.1_lowered:
.L_overlay_start_0:
0x88: {  	s2 =	sld [smem:$0x3FD9]  }
0x89: {  	s3 =	sld [smem:$0x3FFE];
	_ =	sdelay $0x1  }
0x8a: {  	s1 =	srdreg.scid  }
0x8b: {  	s0 =	sand.u32 $0x1, s1  }
0x8c: {  	s14 =	sshll.u32 s0, $0xA;
	s2 =	sadd.s32 s3, s2  }
0x8d: {  	s2 =	sadd.s32 s2, s14  }
0x8e: {  	[smem:$0x3FB4] =	sst s2  }
0x8f: {  	_ = 	snop  }
0x90: {  	s2 =	sld [smem:$0x3FD0];
	_ =	sdelay $0x2  }
0x91: {  	s15 =	simm.s32 $0xA;
	s4 =	simm.s32 $0x10  }
0x92: {  	[smem:s4], [sflag:s15] =	dma.local [hbm:s2], $0x1  }
0x93: {  	_ =	swait.eq [sflag:s15], $0x1  }
0x94: {  	[sflag:s15] =	ssyncset.done $0x0  }
0x95: {  	[sflag:s15] =	ssyncadd.s32 $0xFFFFFFFF  }
0x96: {  	s16 =	sld [smem:$0x11];
	(tm) =	ssettm $0x1  }
0x97: {  	s17 =	sld [smem:$0x3FFB];
	_ =	sdelay $0x3  }
0x98: {  	_ =	strace s17  }
0x99: {  	s3 =	sld [smem:$0x3FFC];
	_ =	sdelay $0x3  }
0x9a: {  	_ =	strace s3  }
0x9b: {  	s3 =	sld [smem:$0x3FFD];
	_ =	sdelay $0x3  }
0x9c: {  	_ =	strace s3  }
0x9d: {  	_ =	strace $0x8FFFFFFF  }
0x9e: {  	s18 =	sld [smem:$0x3FDB];
	_ =	sdelay $0x1  }
0x9f: {  	s19 =	simm.s32 $_scs_section_size  }
0xa0: {  	s5 =	simm.s32 $_size__tile_overlayer_lowered;
	s6 =	simm.s32 $_tile_overlayer_lowered  }
0xa1: {  	s22 =	simm.s32 $0x1BFF;
	s21 =	sshll.u32 s6, $0x1;
	s3 =	sadd.s32 s19, s18  }
0xa2: {  	s7 =	simm.s32 $0x0;
	s20 =	sshll.u32 s5, $0x1;
	s5 =	sadd.s32 s21, s3  }
0xa3: {  	[timem:s7], [sflag:s22] =	dma.local [hbm:s5], s20  }
0xa4: {  	_ =	swait.ge [sflag:s22], s20  }
0xa5: {  	s4 =	ssub.s32 $0x0, s20;
	[sflag:s22] =	ssyncset.done $0x0  }
0xa6: {  	[sflag:s22] =	ssyncadd.s32 s4;
	_ =	sdelay $0x1  }
0xa7: {  	s23 =	simm.s32 $0x1B8B  }
0xa8: {  	_ =	swait.ge [sflag:s23], $0x1  }
0xa9: {  	[sflag:s23] =	ssyncset.done $0x0  }
0xaa: {  	s25 =	simm.s32 $0x1B8E;
	s24 =	sld [smem:$0x3FFE];
	[sflag:s23] =	ssyncadd.s32 $0xFFFFFFFF  }
0xab: {  	s26 =	simm.s32 $execute0_lowered;
	[smem:$0x3FD2] =	sst s25  }
0xac: {  	s5 =	sshll.u32 s26, $0x1;
	_ =	strace $0x80000049;
	[dreg:$0x1] =	wrdreg $0xFFFFFFFF  }
0xad: {  	s28 =	simm.s32 $_size_execute0_lowered;
	s3 =	sadd.s32 s3, s5;
	[dreg:$0x0] =	wrdreg $0x0  }
0xae: {  	s5 =	sshll.u32 s28, $0x1;
	[dreg:$0x2] =	wrdreg s3  }
0xaf: {  	[dreg:$0x3] =	wrdreg s5  }
0xb0: {  	[dreg:$0x4] =	wrdreg $0xC0  }
0xb1: {  	_ =	task [dreg:s7], $0x5FFFF  }
0xb2: {  	[dreg:$0x1] =	wrdreg $0xFFFFFFFF  }
0xb3: {  	[dreg:$0x0] =	wrdreg $0x60  }
0xb4: {  	[dreg:$0x2] =	wrdreg s16  }
0xb5: {  	[dreg:$0x3] =	wrdreg s24  }
0xb6: {  	[dreg:$0x4] =	wrdreg $0x9  }
0xb7: {  	_ =	task.clear_ibuf [dreg:s7], $0x5FFFF;
	_ =	strace $0x90000049  }
0xb8: {  	s29 =	simm.s32 $0x9;
	_ =	strace $0x8000004B  }
0xb9: {  	_ =	swait.ge [sflag:s29], $0x1  }
0xba: {  	[sflag:s29] =	ssyncadd.s32 $0xFFFFFFFF  }
0xbb: {  	_ =	strace $0x9000004B  }
0xbc: {  	_ =	sfence  }
0xbd: {  	s30 =	sld [smem:$0x0];
	_ =	sdelay $0x2  }
0xbe: {  	s31 =	sshll.u32 s1, $0xD;
	s1 =	sshrl.u32 s1, $0x2  }
0xbf: {  	s3 =	sand.u32 $0x4000, s31;
	s1 =	sadd.s32 s1, s30  }
0xc0: {  	s0 =	sor.u32 s3, s0;
	s1 =	sshll.u32 s1, $0x11  }
0xc1: {  	s0 =	sor.u32 s1, s0  }
0xc2: {  	s0 =	sadd.s32 $0x8F2B, s0  }
0xc3: {  	[sflag:s0] =	ssyncadd.remote.s32 $0x1  }
0xc4: {  	_ =	sfence.sel $0xFFFF  }
0xc5: {  	[dreg:$0x0] =	wrdreg $0xFFFFFFFF;
	(pc) =	sbr.abs _section_cstart, $3  }
0xc6: {  	[dreg:$0x1] =	wrdreg $0xFFFFFFFF  }
0xc7: {  	_ =	task.clear_ibuf [dreg:s7], $0x2FFFF;
	_ =	strace $0x9FFFFFFF  }
0xc8: {  	(tm) =	ssettm $0x7FFFFFFF  }
0xc9: {  	_ =	shalt  }
tec
execute0_lowered:
.L_overlay_start_1:
0x0: {  	(tag) =	ssettag $0x1  }
0x1: {  	s0 =	srdreg.scid;
	s2 =	rddreg [dreg:$0x0]  }
0x2: {  	s1 =	rddreg [dreg:$0x1];
	s5 =	stileid.u32  }
0x3: {  	s3 =	simm.s32 $0x0;
	s12 =	simm.s32 $0x9;
	s14 =	simm.s32 $0x50  }
0x4: {  	s15 =	simm.s32 $0x4F00;
	s16 =	simm.s32 $0x7700;
	s17 =	simm.s32 $0x9F00  }
0x5: {  	s20 =	simm.s32 $0xEF00;
	s21 =	simm.s32 $0x11700;
	s22 =	simm.s32 $0x1  }
0x6: {  	s23 =	simm.s32 $0x13F00;
	s28 =	simm.s32 $0x3;
	s0 =	sand.u32 $0x1, s0  }
0x7: {  	s29 =	simm.s32 $0x4;
	s30 =	simm.s32 $0x6;
	s4 =	sshll.u32 s0, $0x4  }
0x8: {  	s31 =	simm.s32 $0x7;
	s0 =	ssub.s32 $0x2, s0;
	s6 =	sor.u32 s5, s4  }
0x9: {  	[smem:$0x7FF] =	sst s3;
	s8 =	sshrl.u32 s0, $0x1;
	s4 =	smul.u32 $0x2710, s6  }
0xa: {  	_ =	strace $0x8000004A;
	s9 =	smul.u32 $0x27100, s6;
	s0 =	ssub.s32 s0, s8  }
0xb: {  	s5 =	sadd.s32 $0x17200, s1;
	s6 =	sadd.s32 $0x3E400, s1;
	s11 =	smax.u32 s0, $0x1  }
0xc: {  	s0 =	simm.s32 $0x8;
	s7 =	sshrl.u32 s4, $0x3;
	s26 =	sadd.s32 s6, s9  }
0xd: {  	s9 =	sadd.s32 $0x50, s4;
	s7 =	sadd.s32 s7, s1;
	s1 =	sadd.s32 $0x26C00, s26  }
0xe: {  	s26 =	simm.s32 $0x5;
	s24 =	sadd.s32 $0x2E00, s7;
	[dreg:$0x5] =	wrdreg s1  }
0xf: {  	s25 =	sadd.s32 $0xCC00, s7;
	s1 =	simm.s32 $0x0;
	[dreg:$0x3] =	wrdreg s24  }
0x10: {  	[dreg:$0x4] =	wrdreg s25;
	s24 =	simm.s32 $0x16700;
	s25 =	simm.s32 $0x2  }
.LBB2_1:
0x11: {  	s7 =	rddreg [dreg:$0x3]  }
0x12: {  	[tilespmem:s3], [sflag:$0x9] =	stream.linear.gather [hbm4b:s7+s3], $0x2710, $0x38;
	[tilespmem:$0x18F00] =	vst v63  }
0x13: {  	_ =	swait.ge [sflag:s12], $0x2710  }
0x14: {  	[sflag:s12] =	ssyncset.done $0x0  }
0x15: {  	s8 =	simm.s32 $0x2780;
	s13 =	rddreg [dreg:$0x4];
	[sflag:s12] =	ssyncadd.s32 $0xFFFFD8F0  }
0x16: {  	[tilespmem:s8], [sflag:$0x9] =	stream.linear.gather [hbm4b:s13+s3], $0x2710, $0x38;
	[tilespmem:$0x18F00] =	vst v63  }
0x17: {  	_ =	swait.ge [sflag:s12], $0x2710  }
0x18: {  	[sflag:s12] =	ssyncset.done $0x0  }
0x19: {  	[sflag:s12] =	ssyncadd.s32 $0xFFFFD8F0  }
0x1a: {  	[tilespmem:s15], [sflag:$0x1] =	stream.indirect.gather [hbm4b:s2+s14], $0x80, s3, s14, $0xb8;
	[tilespmem:$0x18F00] =	vst v63  }
0x1b: {  	_ = 	snop  }
0x1c: {  	[tilespmem:s16], [sflag:$0x1] =	stream.indirect.gather [hbm4b:s5+s14], $0x80, s8, s14, $0xb8;
	[tilespmem:$0x18F00] =	vst v63  }
0x1d: {  	_ = 	snop  }
0x1e: {  	[tilespmem:s17], [sflag:$0x2] =	stream.indirect.gather [hbm4b:s2+s14], $0x80, s14, s14, $0xb8;
	[tilespmem:$0x18F00] =	vst v63  }
0x1f: {  	s18 =	simm.s32 $0x27D0;
	s19 =	simm.s32 $0xC700  }
0x20: {  	[tilespmem:s19], [sflag:$0x2] =	stream.indirect.gather [hbm4b:s5+s14], $0x80, s18, s14, $0xb8;
	[tilespmem:$0x18F00] =	vst v63  }
0x21: {  	s18 =	simm.s32 $0x0  }
.LBB2_2:
0x22: {  	p0 =	seq.s32 s18, $0x0  }
0x23: {  	s7 =	simm.s32 @!p0 $0x7  }
0x24: {  	s19 =	smul.u32 $0x140, s18;
	_ =	swait.ge @!p0 [sflag:s7], $0x2800  }
0x25: {  	[sflag:s7] =	ssyncset.done @!p0 $0x0  }
0x26: {  	s13 =	sadd.s32 $0xA0, s19;
	[sflag:s7] =	ssyncadd.s32 @!p0 $0xFFFFD800  }
0x27: {  	[tilespmem:s20], [sflag:$0x3] =	stream.indirect.gather [hbm4b:s2+s14], $0x80, s13, s14, $0xb8;
	[tilespmem:$0x18F00] =	vst v63  }
0x28: {  	s10 =	sadd.s32 $0x2820, s19  }
0x29: {  	[tilespmem:s21], [sflag:$0x3] =	stream.indirect.gather [hbm4b:s5+s14], $0x80, s10, s14, $0xb8;
	[tilespmem:$0x18F00] =	vst v63  }
0x2a: {  	_ =	swait.ge [sflag:s22], $0x2800  }
0x2b: {  	[sflag:s22] =	ssyncset.done $0x0  }
0x2c: {  	[sflag:s22] =	ssyncadd.s32 $0xFFFFD800  }
0x2d: {  	_ =	swait.ge [sflag:s22], $0x2800  }
0x2e: {  	[sflag:s22] =	ssyncset.done $0x0  }
0x2f: {  	s8 =	simm.s32 $0x200;
	s7 =	simm.s32 $0x0;
	[sflag:s22] =	ssyncadd.s32 $0xFFFFD800  }
.LBB2_3:
0x30: {  	p1 =	sne.s32 s8, $0x9E00;
	v0 =	vld [tilespmem:s7+$0x7770]  }
0x31: {  	v1 =	vld [tilespmem:s7+$0x7700]  }
0x32: {  	v2 =	vld [tilespmem:s7+$0x7710]  }
0x33: {  	v3 =	vld [tilespmem:s7+$0x7720]  }
0x34: {  	v4 =	vld [tilespmem:s7+$0x7730]  }
0x35: {  	[tilespmem:s7+$0x4F70] =	vst.add.f32.msk $0xffff, v0  }
0x36: {  	v0 =	vld [tilespmem:s7+$0x7740]  }
0x37: {  	v5 =	vld [tilespmem:s7+$0x7750]  }
0x38: {  	v6 =	vld [tilespmem:s7+$0x7760]  }
0x39: {  	[tilespmem:s7+$0x4F00] =	vst.add.f32.msk $0xffff, v1  }
0x3a: {  	[tilespmem:s7+$0x4F10] =	vst.add.f32.msk $0xffff, v2  }
.Ltmp0:
0x3b: {  	[tilespmem:s7+$0x4F20] =	vst.add.f32.msk $0xffff, v3;
	(pc) =	sbr.rel @p1 .LBB2_3-.Ltmp0, $4  }
0x3c: {  	[tilespmem:s7+$0x4F30] =	vst.add.f32.msk $0xffff, v4  }
0x3d: {  	[tilespmem:s7+$0x4F40] =	vst.add.f32.msk $0xffff, v0  }
0x3e: {  	[tilespmem:s7+$0x4F50] =	vst.add.f32.msk $0xffff, v5  }
0x3f: {  	[tilespmem:s7+$0x4F60] =	vst.add.f32.msk $0xffff, v6;
	s7 =	sshra.s32 s8, $0x2;
	s8 =	sadd.s32 $0x200, s8  }
0x40: {  	v0 =	vld [tilespmem:s7+$0x7770]  }
0x41: {  	v1 =	vld [tilespmem:s7+$0x7700]  }
0x42: {  	v2 =	vld [tilespmem:s7+$0x7710]  }
0x43: {  	v3 =	vld [tilespmem:s7+$0x7720]  }
0x44: {  	v4 =	vld [tilespmem:s7+$0x7730]  }
0x45: {  	v63 =	vld [tilespmem:s7+$0x7740]  }
0x46: {  	v5 =	vld [tilespmem:s7+$0x7750]  }
0x47: {  	v6 =	vld [tilespmem:s7+$0x7760]  }
0x48: {  	[tilespmem:s7+$0x4F70] =	vst.add.f32.msk $0xffff, v0  }
0x49: {  	[tilespmem:s7+$0x4F00] =	vst.add.f32.msk $0xffff, v1  }
0x4a: {  	[tilespmem:s7+$0x4F10] =	vst.add.f32.msk $0xffff, v2  }
0x4b: {  	[tilespmem:s7+$0x4F20] =	vst.add.f32.msk $0xffff, v3  }
0x4c: {  	[tilespmem:s7+$0x4F30] =	vst.add.f32.msk $0xffff, v4  }
0x4d: {  	s8 =	sadd.s32 s4, s19;
	[tilespmem:s7+$0x4F40] =	vst.add.f32.msk $0xffff, v63  }
0x4e: {  	s8 =	sshll.u32 s8, $0x4;
	[tilespmem:s7+$0x4F50] =	vst.add.f32.msk $0xffff, v5  }
0x4f: {  	s8 =	sadd.s32 s6, s8;
	[tilespmem:s7+$0x4F60] =	vst.add.f32.msk $0xffff, v6;
	s7 =	simm.s32 @!p0 $0x8  }
0x50: {  	[hbm4b:s8+s3] =	stream.linear.scatter [tilespmem:s15], [sflag:$0x5], $0x2800, $0x38;
	[tilespmem:$0x18F00] =	vst v63  }
0x51: {  	_ =	swait.ge @!p0 [sflag:s7], $0x2800  }
0x52: {  	[sflag:s7] =	ssyncset.done @!p0 $0x0  }
0x53: {  	[sflag:s7] =	ssyncadd.s32 @!p0 $0xFFFFD800;
	s7 =	sadd.s32 $0xF0, s19  }
0x54: {  	[tilespmem:s23], [sflag:$0x4] =	stream.indirect.gather [hbm4b:s2+s14], $0x80, s7, s14, $0xb8;
	[tilespmem:$0x18F00] =	vst v63  }
0x55: {  	s10 =	sadd.s32 $0x2870, s19  }
0x56: {  	[tilespmem:s24], [sflag:$0x4] =	stream.indirect.gather [hbm4b:s5+s14], $0x80, s10, s14, $0xb8;
	[tilespmem:$0x18F00] =	vst v63  }
0x57: {  	_ =	swait.ge [sflag:s25], $0x2800  }
0x58: {  	[sflag:s25] =	ssyncset.done $0x0  }
0x59: {  	[sflag:s25] =	ssyncadd.s32 $0xFFFFD800  }
0x5a: {  	_ =	swait.ge [sflag:s25], $0x2800  }
0x5b: {  	[sflag:s25] =	ssyncset.done $0x0  }
0x5c: {  	s8 =	simm.s32 $0x0;
	s10 =	simm.s32 $0x200;
	[sflag:s25] =	ssyncadd.s32 $0xFFFFD800  }
.LBB2_5:
0x5d: {  	p0 =	sne.s32 s10, $0x9E00;
	v0 =	vld [tilespmem:s8+$0xC770]  }
0x5e: {  	v1 =	vld [tilespmem:s8+$0xC700]  }
0x5f: {  	v2 =	vld [tilespmem:s8+$0xC710]  }
0x60: {  	v3 =	vld [tilespmem:s8+$0xC720]  }
0x61: {  	v4 =	vld [tilespmem:s8+$0xC730]  }
0x62: {  	[tilespmem:s8+$0x9F70] =	vst.add.f32.msk $0xffff, v0  }
0x63: {  	v0 =	vld [tilespmem:s8+$0xC740]  }
0x64: {  	v5 =	vld [tilespmem:s8+$0xC750]  }
0x65: {  	v6 =	vld [tilespmem:s8+$0xC760]  }
0x66: {  	[tilespmem:s8+$0x9F00] =	vst.add.f32.msk $0xffff, v1  }
0x67: {  	[tilespmem:s8+$0x9F10] =	vst.add.f32.msk $0xffff, v2  }
.Ltmp1:
0x68: {  	[tilespmem:s8+$0x9F20] =	vst.add.f32.msk $0xffff, v3;
	(pc) =	sbr.rel @p0 .LBB2_5-.Ltmp1, $4  }
0x69: {  	[tilespmem:s8+$0x9F30] =	vst.add.f32.msk $0xffff, v4  }
0x6a: {  	[tilespmem:s8+$0x9F40] =	vst.add.f32.msk $0xffff, v0  }
0x6b: {  	[tilespmem:s8+$0x9F50] =	vst.add.f32.msk $0xffff, v5  }
0x6c: {  	[tilespmem:s8+$0x9F60] =	vst.add.f32.msk $0xffff, v6;
	s8 =	sshra.s32 s10, $0x2;
	s10 =	sadd.s32 $0x200, s10  }
0x6d: {  	v0 =	vld [tilespmem:s8+$0xC770]  }
0x6e: {  	v1 =	vld [tilespmem:s8+$0xC700]  }
0x6f: {  	v2 =	vld [tilespmem:s8+$0xC710]  }
0x70: {  	v3 =	vld [tilespmem:s8+$0xC720]  }
0x71: {  	v4 =	vld [tilespmem:s8+$0xC730]  }
0x72: {  	v63 =	vld [tilespmem:s8+$0xC740]  }
0x73: {  	v5 =	vld [tilespmem:s8+$0xC750]  }
0x74: {  	v6 =	vld [tilespmem:s8+$0xC760]  }
0x75: {  	[tilespmem:s8+$0x9F70] =	vst.add.f32.msk $0xffff, v0  }
0x76: {  	[tilespmem:s8+$0x9F00] =	vst.add.f32.msk $0xffff, v1  }
0x77: {  	[tilespmem:s8+$0x9F10] =	vst.add.f32.msk $0xffff, v2  }
0x78: {  	[tilespmem:s8+$0x9F20] =	vst.add.f32.msk $0xffff, v3  }
0x79: {  	[tilespmem:s8+$0x9F30] =	vst.add.f32.msk $0xffff, v4  }
0x7a: {  	s10 =	sadd.s32 s19, s9;
	[tilespmem:s8+$0x9F40] =	vst.add.f32.msk $0xffff, v63  }
0x7b: {  	s10 =	sshll.u32 s10, $0x4;
	[tilespmem:s8+$0x9F50] =	vst.add.f32.msk $0xffff, v5  }
0x7c: {  	[tilespmem:s8+$0x9F60] =	vst.add.f32.msk $0xffff, v6;
	s8 =	sadd.s32 s6, s10;
	s10 =	simm.s32 $0x0  }
0x7d: {  	[hbm4b:s8+s10] =	stream.linear.scatter [tilespmem:s17], [sflag:$0x6], $0x2800, $0x38;
	[tilespmem:$0x18F00] =	vst v63  }
0x7e: {  	_ =	swait.ge [sflag:s26], $0x2800  }
0x7f: {  	[sflag:s26] =	ssyncset.done $0x0  }
0x80: {  	s10 =	sadd.s32 $0x140, s19;
	[sflag:s26] =	ssyncadd.s32 $0xFFFFD800  }
0x81: {  	[tilespmem:s15], [sflag:$0x1] =	stream.indirect.gather [hbm4b:s2+s14], $0x80, s10, s14, $0xb8;
	[tilespmem:$0x18F00] =	vst v63  }
0x82: {  	s10 =	sadd.s32 $0x28C0, s19  }
0x83: {  	[tilespmem:s16], [sflag:$0x1] =	stream.indirect.gather [hbm4b:s5+s14], $0x80, s10, s14, $0xb8;
	[tilespmem:$0x18F00] =	vst v63  }
0x84: {  	_ =	swait.ge [sflag:s28], $0x2800  }
0x85: {  	[sflag:s28] =	ssyncset.done $0x0  }
0x86: {  	[sflag:s28] =	ssyncadd.s32 $0xFFFFD800  }
0x87: {  	_ =	swait.ge [sflag:s28], $0x2800  }
0x88: {  	[sflag:s28] =	ssyncset.done $0x0  }
0x89: {  	s8 =	simm.s32 $0x0;
	s10 =	simm.s32 $0x200;
	[sflag:s28] =	ssyncadd.s32 $0xFFFFD800  }
.LBB2_7:
0x8a: {  	p0 =	sne.s32 s10, $0x9E00;
	v0 =	vld [tilespmem:s8+$0x11770]  }
0x8b: {  	v1 =	vld [tilespmem:s8+$0x11700]  }
0x8c: {  	v2 =	vld [tilespmem:s8+$0x11710]  }
0x8d: {  	v3 =	vld [tilespmem:s8+$0x11720]  }
0x8e: {  	v4 =	vld [tilespmem:s8+$0x11730]  }
0x8f: {  	[tilespmem:s8+$0xEF70] =	vst.add.f32.msk $0xffff, v0  }
0x90: {  	v0 =	vld [tilespmem:s8+$0x11740]  }
0x91: {  	v5 =	vld [tilespmem:s8+$0x11750]  }
0x92: {  	v6 =	vld [tilespmem:s8+$0x11760]  }
0x93: {  	[tilespmem:s8+$0xEF00] =	vst.add.f32.msk $0xffff, v1  }
0x94: {  	[tilespmem:s8+$0xEF10] =	vst.add.f32.msk $0xffff, v2  }
.Ltmp2:
0x95: {  	[tilespmem:s8+$0xEF20] =	vst.add.f32.msk $0xffff, v3;
	(pc) =	sbr.rel @p0 .LBB2_7-.Ltmp2, $4  }
0x96: {  	[tilespmem:s8+$0xEF30] =	vst.add.f32.msk $0xffff, v4  }
0x97: {  	[tilespmem:s8+$0xEF40] =	vst.add.f32.msk $0xffff, v0  }
0x98: {  	[tilespmem:s8+$0xEF50] =	vst.add.f32.msk $0xffff, v5  }
0x99: {  	[tilespmem:s8+$0xEF60] =	vst.add.f32.msk $0xffff, v6;
	s8 =	sshra.s32 s10, $0x2;
	s10 =	sadd.s32 $0x200, s10  }
0x9a: {  	v0 =	vld [tilespmem:s8+$0x11770]  }
0x9b: {  	v1 =	vld [tilespmem:s8+$0x11700]  }
0x9c: {  	v2 =	vld [tilespmem:s8+$0x11710]  }
0x9d: {  	v3 =	vld [tilespmem:s8+$0x11720]  }
0x9e: {  	v4 =	vld [tilespmem:s8+$0x11730]  }
0x9f: {  	v63 =	vld [tilespmem:s8+$0x11740]  }
0xa0: {  	v5 =	vld [tilespmem:s8+$0x11750]  }
0xa1: {  	v6 =	vld [tilespmem:s8+$0x11760]  }
0xa2: {  	[tilespmem:s8+$0xEF70] =	vst.add.f32.msk $0xffff, v0  }
0xa3: {  	[tilespmem:s8+$0xEF00] =	vst.add.f32.msk $0xffff, v1  }
0xa4: {  	[tilespmem:s8+$0xEF10] =	vst.add.f32.msk $0xffff, v2  }
0xa5: {  	[tilespmem:s8+$0xEF20] =	vst.add.f32.msk $0xffff, v3  }
0xa6: {  	[tilespmem:s8+$0xEF30] =	vst.add.f32.msk $0xffff, v4  }
0xa7: {  	s10 =	sadd.s32 s4, s13;
	[tilespmem:s8+$0xEF40] =	vst.add.f32.msk $0xffff, v63  }
0xa8: {  	p0 =	seq.s32 s18, $0x1E;
	s10 =	sshll.u32 s10, $0x4;
	[tilespmem:s8+$0xEF50] =	vst.add.f32.msk $0xffff, v5  }
0xa9: {  	s13 =	sadd.s32 s6, s10;
	[tilespmem:s8+$0xEF60] =	vst.add.f32.msk $0xffff, v6;
	s8 =	simm.s32 @!p0 $0x6  }
0xaa: {  	[hbm4b:s13+s3] =	stream.linear.scatter [tilespmem:s20], [sflag:$0x7], $0x2800, $0x38;
	[tilespmem:$0x18F00] =	vst v63  }
0xab: {  	_ =	swait.ge @!p0 [sflag:s8], $0x2800  }
0xac: {  	s10 =	simm.s32 @!p0 $0x50;
	[sflag:s8] =	ssyncset.done @!p0 $0x0  }
0xad: {  	s13 =	simm.s32 @!p0 $0x9F00;
	[sflag:s8] =	ssyncadd.s32 @!p0 $0xFFFFD800;
	s8 =	sadd.s32 @!p0 $0x190, s19  }
0xae: {  	[tilespmem:s13], [sflag:$0x2] =	stream.indirect.gather @!p0 [hbm4b:s2+s10], $0x80, s8, s10, $0xb8;
	[tilespmem:$0x18F00] =	vst v63  }
0xaf: {  	s8 =	sadd.s32 @!p0 $0x2910, s19;
	s13 =	simm.s32 @!p0 $0xC700  }
0xb0: {  	[tilespmem:s13], [sflag:$0x2] =	stream.indirect.gather @!p0 [hbm4b:s5+s10], $0x80, s8, s10, $0xb8;
	[tilespmem:$0x18F00] =	vst v63  }
0xb1: {  	_ =	swait.ge [sflag:s29], $0x2800  }
0xb2: {  	[sflag:s29] =	ssyncset.done $0x0  }
0xb3: {  	[sflag:s29] =	ssyncadd.s32 $0xFFFFD800  }
0xb4: {  	_ =	swait.ge [sflag:s29], $0x2800  }
0xb5: {  	[sflag:s29] =	ssyncset.done $0x0  }
0xb6: {  	s8 =	simm.s32 $0x0;
	s10 =	simm.s32 $0x200;
	[sflag:s29] =	ssyncadd.s32 $0xFFFFD800  }
.LBB2_9:
0xb7: {  	p0 =	sne.s32 s10, $0x9E00;
	v0 =	vld [tilespmem:s8+$0x16770]  }
0xb8: {  	v1 =	vld [tilespmem:s8+$0x16700]  }
0xb9: {  	v2 =	vld [tilespmem:s8+$0x16710]  }
0xba: {  	v3 =	vld [tilespmem:s8+$0x16720]  }
0xbb: {  	v4 =	vld [tilespmem:s8+$0x16730]  }
0xbc: {  	[tilespmem:s8+$0x13F70] =	vst.add.f32.msk $0xffff, v0  }
0xbd: {  	v0 =	vld [tilespmem:s8+$0x16740]  }
0xbe: {  	v5 =	vld [tilespmem:s8+$0x16750]  }
0xbf: {  	v6 =	vld [tilespmem:s8+$0x16760]  }
0xc0: {  	[tilespmem:s8+$0x13F00] =	vst.add.f32.msk $0xffff, v1  }
0xc1: {  	[tilespmem:s8+$0x13F10] =	vst.add.f32.msk $0xffff, v2  }
.Ltmp3:
0xc2: {  	[tilespmem:s8+$0x13F20] =	vst.add.f32.msk $0xffff, v3;
	(pc) =	sbr.rel @p0 .LBB2_9-.Ltmp3, $4  }
0xc3: {  	[tilespmem:s8+$0x13F30] =	vst.add.f32.msk $0xffff, v4  }
0xc4: {  	[tilespmem:s8+$0x13F40] =	vst.add.f32.msk $0xffff, v0  }
0xc5: {  	[tilespmem:s8+$0x13F50] =	vst.add.f32.msk $0xffff, v5  }
0xc6: {  	[tilespmem:s8+$0x13F60] =	vst.add.f32.msk $0xffff, v6;
	s8 =	sshra.s32 s10, $0x2;
	s10 =	sadd.s32 $0x200, s10  }
0xc7: {  	v0 =	vld [tilespmem:s8+$0x16770]  }
0xc8: {  	v1 =	vld [tilespmem:s8+$0x16700]  }
0xc9: {  	v2 =	vld [tilespmem:s8+$0x16710]  }
0xca: {  	v3 =	vld [tilespmem:s8+$0x16720]  }
0xcb: {  	v4 =	vld [tilespmem:s8+$0x16730]  }
0xcc: {  	v63 =	vld [tilespmem:s8+$0x16740]  }
0xcd: {  	v5 =	vld [tilespmem:s8+$0x16750]  }
0xce: {  	v6 =	vld [tilespmem:s8+$0x16760]  }
0xcf: {  	[tilespmem:s8+$0x13F70] =	vst.add.f32.msk $0xffff, v0  }
0xd0: {  	[tilespmem:s8+$0x13F00] =	vst.add.f32.msk $0xffff, v1  }
0xd1: {  	s18 =	sadd.s32 $0x1, s18;
	[tilespmem:s8+$0x13F10] =	vst.add.f32.msk $0xffff, v2  }
0xd2: {  	p0 =	sne.s32 s18, $0x1F;
	[tilespmem:s8+$0x13F20] =	vst.add.f32.msk $0xffff, v3  }
.Ltmp4:
0xd3: {  	[tilespmem:s8+$0x13F30] =	vst.add.f32.msk $0xffff, v4;
	(pc) =	sbr.rel @p0 .LBB2_2-.Ltmp4, $4  }
0xd4: {  	s7 =	sadd.s32 s4, s7;
	[tilespmem:s8+$0x13F40] =	vst.add.f32.msk $0xffff, v63  }
0xd5: {  	s7 =	sshll.u32 s7, $0x4;
	[tilespmem:s8+$0x13F50] =	vst.add.f32.msk $0xffff, v5  }
0xd6: {  	s7 =	sadd.s32 s6, s7;
	[tilespmem:s8+$0x13F60] =	vst.add.f32.msk $0xffff, v6  }
0xd7: {  	[hbm4b:s7+s3] =	stream.linear.scatter [tilespmem:s23], [sflag:$0x8], $0x2800, $0x38;
	[tilespmem:$0x18F00] =	vst v63  }
0xd8: {  	_ =	swait.ge [sflag:s22], $0x2800  }
0xd9: {  	[sflag:s22] =	ssyncset.done $0x0  }
0xda: {  	[sflag:s22] =	ssyncadd.s32 $0xFFFFD800  }
0xdb: {  	_ =	swait.ge [sflag:s22], $0x2800  }
0xdc: {  	[sflag:s22] =	ssyncset.done $0x0  }
0xdd: {  	s7 =	simm.s32 $0x0;
	s8 =	simm.s32 $0x200;
	[sflag:s22] =	ssyncadd.s32 $0xFFFFD800  }
.LBB2_12:
0xde: {  	p0 =	sne.s32 s8, $0x9E00;
	v0 =	vld [tilespmem:s7+$0x7770]  }
0xdf: {  	v1 =	vld [tilespmem:s7+$0x7700]  }
0xe0: {  	v2 =	vld [tilespmem:s7+$0x7710]  }
0xe1: {  	v3 =	vld [tilespmem:s7+$0x7720]  }
0xe2: {  	v4 =	vld [tilespmem:s7+$0x7730]  }
0xe3: {  	[tilespmem:s7+$0x4F70] =	vst.add.f32.msk $0xffff, v0  }
0xe4: {  	v0 =	vld [tilespmem:s7+$0x7740]  }
0xe5: {  	v5 =	vld [tilespmem:s7+$0x7750]  }
0xe6: {  	v6 =	vld [tilespmem:s7+$0x7760]  }
0xe7: {  	[tilespmem:s7+$0x4F00] =	vst.add.f32.msk $0xffff, v1  }
0xe8: {  	[tilespmem:s7+$0x4F10] =	vst.add.f32.msk $0xffff, v2  }
.Ltmp5:
0xe9: {  	[tilespmem:s7+$0x4F20] =	vst.add.f32.msk $0xffff, v3;
	(pc) =	sbr.rel @p0 .LBB2_12-.Ltmp5, $4  }
0xea: {  	[tilespmem:s7+$0x4F30] =	vst.add.f32.msk $0xffff, v4  }
0xeb: {  	[tilespmem:s7+$0x4F40] =	vst.add.f32.msk $0xffff, v0  }
0xec: {  	[tilespmem:s7+$0x4F50] =	vst.add.f32.msk $0xffff, v5  }
0xed: {  	[tilespmem:s7+$0x4F60] =	vst.add.f32.msk $0xffff, v6;
	s7 =	sshra.s32 s8, $0x2;
	s8 =	sadd.s32 $0x200, s8  }
0xee: {  	v0 =	vld [tilespmem:s7+$0x7770]  }
0xef: {  	v1 =	vld [tilespmem:s7+$0x7700]  }
0xf0: {  	v2 =	vld [tilespmem:s7+$0x7710]  }
0xf1: {  	v3 =	vld [tilespmem:s7+$0x7720]  }
0xf2: {  	v4 =	vld [tilespmem:s7+$0x7730]  }
0xf3: {  	v63 =	vld [tilespmem:s7+$0x7740]  }
0xf4: {  	v5 =	vld [tilespmem:s7+$0x7750]  }
0xf5: {  	v6 =	vld [tilespmem:s7+$0x7760]  }
0xf6: {  	[tilespmem:s7+$0x4F70] =	vst.add.f32.msk $0xffff, v0  }
0xf7: {  	[tilespmem:s7+$0x4F00] =	vst.add.f32.msk $0xffff, v1  }
0xf8: {  	[tilespmem:s7+$0x4F10] =	vst.add.f32.msk $0xffff, v2  }
0xf9: {  	[tilespmem:s7+$0x4F20] =	vst.add.f32.msk $0xffff, v3  }
0xfa: {  	[tilespmem:s7+$0x4F30] =	vst.add.f32.msk $0xffff, v4  }
0xfb: {  	[tilespmem:s7+$0x4F40] =	vst.add.f32.msk $0xffff, v63  }
0xfc: {  	[tilespmem:s7+$0x4F50] =	vst.add.f32.msk $0xffff, v5  }
0xfd: {  	s19 =	rddreg [dreg:$0x5];
	[tilespmem:s7+$0x4F60] =	vst.add.f32.msk $0xffff, v6  }
0xfe: {  	[hbm4b:s19+s3] =	stream.linear.scatter [tilespmem:s15], [sflag:$0x5], $0x2800, $0x38;
	[tilespmem:$0x18F00] =	vst v63  }
0xff: {  	_ =	swait.ge [sflag:s26], $0x2800  }
0x100: {  	[sflag:s26] =	ssyncset.done $0x0  }
0x101: {  	[sflag:s26] =	ssyncadd.s32 $0xFFFFD800  }
0x102: {  	_ =	swait.ge [sflag:s30], $0x2800  }
0x103: {  	[sflag:s30] =	ssyncset.done $0x0  }
0x104: {  	s1 =	sadd.s32 $0x1, s1;
	[sflag:s30] =	ssyncadd.s32 $0xFFFFD800  }
0x105: {  	p0 =	sne.s32 s1, s11;
	_ =	swait.ge [sflag:s31], $0x2800  }
.Ltmp6:
0x106: {  	[sflag:s31] =	ssyncset.done $0x0;
	(pc) =	sbr.rel @p0 .LBB2_1-.Ltmp6, $4  }
0x107: {  	[sflag:s31] =	ssyncadd.s32 $0xFFFFD800  }
0x108: {  	_ =	swait.ge [sflag:s0], $0x2800  }
0x109: {  	[sflag:s0] =	ssyncset.done $0x0  }
0x10a: {  	[sflag:s0] =	ssyncadd.s32 $0xFFFFD800  }
0x10b: {  	_ =	sfence.sel $0x180000  }
0x10c: {  	[bflag:$0x0] =	sbarrier.arrive $0xFFFF  }
0x10d: {  	_ =	strace $0x9000004A  }
0x10e: {  	s0 =	stileid.u32;
	[bflag:$0x2] =	sbarrier.arrive $0xFFFF  }
0x10f: {  	p0 =	sne.s32 s0, $0x0;
	s0 =	rddreg [dreg:$0x2]  }
0x110: {  	s0 =	sadd.s32 @!p0 $0x100000, s0  }
0x111: {  	[sflag:s0] =	ssyncadd.tile.s32 @!p0 $0x1;
	_ =	shalt  }
.Lfunc_end2:
_tile_overlayer_lowered:
.L_overlay_start_2:
0x112: {  	(tag) =	ssettag $0x2  }
0x113: {  	s0 =	rddreg [dreg:$0x0];
	s2 =	stileid.u32  }
0x114: {  	s1 =	rddreg [dreg:$0x1];
	p0 =	sne.s32 s2, $0x0  }
0x115: {  	s3 =	rddreg [dreg:$0x2];
	[bflag:$0x3] =	sbarrier.arrive $0xFFFF;
	s2 =	simm.s32 @!p0 $0x1C09  }
0x116: {  	[timem:s3], [sflag:s2] =	dma.local @!p0 [hbm:s0], s1  }
0x117: {  	s0 =	simm.s32 @!p0 $0x9  }
0x118: {  	_ =	swait.ge @!p0 [sflag:s0], s1  }
0x119: {  	s1 =	ssub.s32 @!p0 $0x0, s1;
	[sflag:s0] =	ssyncset.done @!p0 $0x0  }
0x11a: {  	[sflag:s0] =	ssyncadd.s32 @!p0 s1  }
0x11b: {  	[bflag:$0x3] =	sbarrier.arrive $0xFFFF  }
0x11c: {  	_ =	shalt  }

</sc_bundles>
